<compile_context>
chip_gen: v7x
topology: tpu7x:2x2x1
jax: 0.10.2.dev20260603
libtpu: 0.0.44.dev20260713+nightly
codegen_flags: <defaults>
</compile_context>

<pallas_src>
import functools

import jax
import jax.numpy as jnp
from jax import lax
from jax.experimental import pallas as pl
from jax.experimental.pallas import tpu as pltpu
from jax.experimental.pallas import tpu_sc as plsc

_NBUF = 3
_CHUNK_ROWS = 40
_LAG = 1


def _broadcast_copy_sc(weights, seq_len, bsz, embed_dim):
    info = plsc.get_sparse_core_info()
    num_workers = info.num_cores * info.num_subcores
    rows_per_w = seq_len // num_workers
    sizes = [_CHUNK_ROWS] * (rows_per_w // _CHUNK_ROWS)
    if rows_per_w % _CHUNK_ROWS:
        sizes.append(rows_per_w % _CHUNK_ROWS)
    offs = [sum(sizes[:i]) for i in range(len(sizes))]
    n_chunks = len(sizes)

    mesh = plsc.VectorSubcoreMesh(core_axis_name="c", subcore_axis_name="s")

    @functools.partial(
        pl.kernel,
        mesh=mesh,
        out_type=jax.ShapeDtypeStruct((seq_len, bsz, embed_dim), jnp.float32),
        scratch_types=[
            pltpu.VMEM((_NBUF, _CHUNK_ROWS, embed_dim), jnp.float32),
            pltpu.SemaphoreType.DMA,
            pltpu.SemaphoreType.DMA,
        ],
    )
    def k(w_hbm, out_hbm, buf, in_sem, out_sem):
        wid = lax.axis_index("s") * info.num_cores + lax.axis_index("c")
        base = wid * rows_per_w

        def load(c):
            cp = pltpu.make_async_copy(
                w_hbm.at[pl.ds(base + offs[c], sizes[c])],
                buf.at[c % _NBUF, pl.ds(0, sizes[c])],
                in_sem,
            )
            cp.start()
            return cp

        def stores(c):
            cps = []
            for b in range(bsz):
                cp = pltpu.make_async_copy(
                    buf.at[c % _NBUF, pl.ds(0, sizes[c])],
                    out_hbm.at[pl.ds(base + offs[c], sizes[c]), b],
                    out_sem,
                )
                cp.start()
                cps.append(cp)
            return cps

        pending_stores = [None] * n_chunks
        pending_loads = [None] * n_chunks
        for c in range(n_chunks):
            if c >= _NBUF:
                for cp in pending_stores[c - _NBUF]:
                    cp.wait()
            pending_loads[c] = load(c)
            if c >= _LAG:
                pending_loads[c - _LAG].wait()
                pending_stores[c - _LAG] = stores(c - _LAG)
        for c in range(max(0, n_chunks - _LAG), n_chunks):
            pending_loads[c].wait()
            pending_stores[c] = stores(c)
        for c in range(max(0, n_chunks - _NBUF), n_chunks):
            for cp in pending_stores[c]:
                cp.wait()

    return k(weights)


def kernel(input, weights):
    seq_len, bsz = input.shape
    init_size, embed_dim = weights.shape
    return _broadcast_copy_sc(weights, seq_len, bsz, embed_dim)

# --- scband reference (transcript-rebuilt; emitter-appended) ---
"""Pipeline reference for scband-learned-positional-embedding-82240033784460 (READ-ONLY COPY).

The authoritative reference and input builder live on the scoring server;
editing this copy changes nothing except your own understanding.
"""

import jax, jax.numpy as jnp
import numpy as np

SEQ_LEN = 8192
BSZ = 4
EMBED_DIM = 1024
INIT_SIZE = 8192
OFFSET = 0

def setup_inputs(seed: int = 0) -> dict:
    key = jax.random.key(seed)
    k1, k2 = jax.random.split(key)
    input = jax.random.randint(k1, (SEQ_LEN, BSZ), 0, INIT_SIZE, dtype=jnp.int64 if jax.config.jax_enable_x64 else jnp.int32)
    weights = jax.random.normal(k2, (INIT_SIZE, EMBED_DIM), dtype=jnp.float32) * 0.02
    return {"input": input, "weights": weights}

def reference(input, weights):
    # Faithful translation of LearnedPositionalEmbedding.forward
    seq_len, bsz = input.shape
    positions = OFFSET + jnp.arange(seq_len)
    emb = jnp.take(weights, positions, axis=0)  # [seq_len, embed_dim]
    out = jnp.broadcast_to(emb[:, None, :], (seq_len, bsz, weights.shape[-1]))
    return out

if __name__ == "__main__":
    import jax
    _d = setup_inputs()
    print(jax.jit(kernel)(*tuple(_d.values())))

</pallas_src>

<mosaic_0001>
#map = affine_map<(d0, d1) -> (0, 0)>
#map1 = affine_map<(d0, d1) -> (0, 0, 0)>
module attributes {stable_mosaic.version = 14 : i64} {
  func.func @k(%arg0: i32, %arg1: i32, %arg2: memref<8192x1024xf32, #tpu.memory_space<hbm>>, %arg3: memref<8192x4x1024xf32, #tpu.memory_space<hbm>>, %arg4: memref<3x40x1024xf32, #tpu.memory_space<vmem>>, %arg5: memref<!tpu.dma_semaphore, #tpu.memory_space<semaphore_mem>>, %arg6: memref<!tpu.dma_semaphore, #tpu.memory_space<semaphore_mem>>) attributes {dimension_semantics = [#tpu.dimension_semantics<core_parallel>, #tpu.dimension_semantics<subcore_parallel>], iteration_bounds = array<i64: 2, 16>, scalar_prefetch = 0 : i64, scratch_operands = 3 : i64, tpu.core_type = #tpu.core_type<sc_vector_subcore>, window_params = [{transform_indices = #map}, {transform_indices = #map1}]} {
    %mul3A = arith.constant 2 : i32
    %mul3A_0 = arith.muli %arg1, %mul3A : i32
    %add3A = arith.addi %mul3A_0, %arg0 : i32
    %mul3A_1 = arith.constant 256 : i32
    %mul3A_2 = arith.muli %add3A, %mul3A_1 : i32
    %add3A_3 = arith.constant 0 : i32
    %add3A_4 = arith.addi %mul3A_2, %add3A_3 : i32
    %dma_start3A = arith.constant 0 : i32
    %dma_start3A_5 = arith.constant 0 : i32
    %dma_start3A_6 = arith.constant 0 : i32
    %dma_start3A_7 = tpu.memref_slice %arg4[%dma_start3A, %dma_start3A_5, %dma_start3A_6] : memref<3x40x1024xf32, #tpu.memory_space<vmem>> -> memref<1x40x1024xf32, #tpu.memory_space<vmem>>
    %dma_start3A_8 = tpu.memref_squeeze %dma_start3A_7 : memref<1x40x1024xf32, #tpu.memory_space<vmem>> -> memref<40x1024xf32, #tpu.memory_space<vmem>>
    %dma_start3A_9 = arith.constant 0 : i32
    %dma_start3A_10 = tpu.memref_slice %arg2[%add3A_4, %dma_start3A_9] : memref<8192x1024xf32, #tpu.memory_space<hbm>> -> memref<40x1024xf32, #tpu.memory_space<hbm>>
    %dma_start3A_11 = arith.constant 0 : i32
    %dma_start3A_12 = arith.constant 0 : i32
    %dma_start3A_13 = tpu.memref_slice %arg4[%dma_start3A, %dma_start3A_11, %dma_start3A_12] : memref<3x40x1024xf32, #tpu.memory_space<vmem>> -> memref<1x40x1024xf32, #tpu.memory_space<vmem>>
    %dma_start3A_14 = tpu.memref_squeeze %dma_start3A_13 : memref<1x40x1024xf32, #tpu.memory_space<vmem>> -> memref<40x1024xf32, #tpu.memory_space<vmem>>
    %dma_start3A_15 = arith.constant 0 : i32
    %dma_start3A_16 = tpu.memref_slice %arg2[%add3A_4, %dma_start3A_15] : memref<8192x1024xf32, #tpu.memory_space<hbm>> -> memref<40x1024xf32, #tpu.memory_space<hbm>>
    tpu.enqueue_dma source(%dma_start3A_16 : memref<40x1024xf32, #tpu.memory_space<hbm>>) target(%dma_start3A_14 : memref<40x1024xf32, #tpu.memory_space<vmem>>) target_semaphore(%arg5 : memref<!tpu.dma_semaphore, #tpu.memory_space<semaphore_mem>>)
    %add3A_17 = arith.constant 40 : i32
    %add3A_18 = arith.addi %mul3A_2, %add3A_17 : i32
    %dma_start3A_19 = arith.constant 1 : i32
    %dma_start3A_20 = arith.constant 0 : i32
    %dma_start3A_21 = arith.constant 0 : i32
    %dma_start3A_22 = tpu.memref_slice %arg4[%dma_start3A_19, %dma_start3A_20, %dma_start3A_21] : memref<3x40x1024xf32, #tpu.memory_space<vmem>> -> memref<1x40x1024xf32, #tpu.memory_space<vmem>>
    %dma_start3A_23 = tpu.memref_squeeze %dma_start3A_22 : memref<1x40x1024xf32, #tpu.memory_space<vmem>> -> memref<40x1024xf32, #tpu.memory_space<vmem>>
    %dma_start3A_24 = arith.constant 0 : i32
    %dma_start3A_25 = tpu.memref_slice %arg2[%add3A_18, %dma_start3A_24] : memref<8192x1024xf32, #tpu.memory_space<hbm>> -> memref<40x1024xf32, #tpu.memory_space<hbm>>
    %dma_start3A_26 = arith.constant 0 : i32
    %dma_start3A_27 = arith.constant 0 : i32
    %dma_start3A_28 = tpu.memref_slice %arg4[%dma_start3A_19, %dma_start3A_26, %dma_start3A_27] : memref<3x40x1024xf32, #tpu.memory_space<vmem>> -> memref<1x40x1024xf32, #tpu.memory_space<vmem>>
    %dma_start3A_29 = tpu.memref_squeeze %dma_start3A_28 : memref<1x40x1024xf32, #tpu.memory_space<vmem>> -> memref<40x1024xf32, #tpu.memory_space<vmem>>
    %dma_start3A_30 = arith.constant 0 : i32
    %dma_start3A_31 = tpu.memref_slice %arg2[%add3A_18, %dma_start3A_30] : memref<8192x1024xf32, #tpu.memory_space<hbm>> -> memref<40x1024xf32, #tpu.memory_space<hbm>>
    tpu.enqueue_dma source(%dma_start3A_31 : memref<40x1024xf32, #tpu.memory_space<hbm>>) target(%dma_start3A_29 : memref<40x1024xf32, #tpu.memory_space<vmem>>) target_semaphore(%arg5 : memref<!tpu.dma_semaphore, #tpu.memory_space<semaphore_mem>>)
    %dma_wait3A = arith.constant 0 : i32
    %dma_wait3A_32 = arith.constant 0 : i32
    %dma_wait3A_33 = arith.constant 0 : i32
    %dma_wait3A_34 = tpu.memref_slice %arg4[%dma_wait3A, %dma_wait3A_32, %dma_wait3A_33] : memref<3x40x1024xf32, #tpu.memory_space<vmem>> -> memref<1x40x1024xf32, #tpu.memory_space<vmem>>
    %dma_wait3A_35 = tpu.memref_squeeze %dma_wait3A_34 : memref<1x40x1024xf32, #tpu.memory_space<vmem>> -> memref<40x1024xf32, #tpu.memory_space<vmem>>
    %dma_wait3A_36 = arith.constant 0 : i32
    %dma_wait3A_37 = tpu.memref_slice %arg2[%add3A_4, %dma_wait3A_36] : memref<8192x1024xf32, #tpu.memory_space<hbm>> -> memref<40x1024xf32, #tpu.memory_space<hbm>>
    %dma_wait3A_38 = arith.constant 0 : i32
    %dma_wait3A_39 = arith.constant 0 : i32
    %dma_wait3A_40 = tpu.memref_slice %arg4[%dma_wait3A, %dma_wait3A_38, %dma_wait3A_39] : memref<3x40x1024xf32, #tpu.memory_space<vmem>> -> memref<1x40x1024xf32, #tpu.memory_space<vmem>>
    %dma_wait3A_41 = tpu.memref_squeeze %dma_wait3A_40 : memref<1x40x1024xf32, #tpu.memory_space<vmem>> -> memref<40x1024xf32, #tpu.memory_space<vmem>>
    %dma_wait3A_42 = arith.constant 0 : i32
    %dma_wait3A_43 = tpu.memref_slice %arg2[%add3A_4, %dma_wait3A_42] : memref<8192x1024xf32, #tpu.memory_space<hbm>> -> memref<40x1024xf32, #tpu.memory_space<hbm>>
    tpu.wait_dma2 semaphore(%arg5 : memref<!tpu.dma_semaphore, #tpu.memory_space<semaphore_mem>>) src(%dma_wait3A_43 : memref<40x1024xf32, #tpu.memory_space<hbm>>) dst(%dma_wait3A_41 : memref<40x1024xf32, #tpu.memory_space<vmem>>)
    %add3A_44 = arith.constant 0 : i32
    %add3A_45 = arith.addi %mul3A_2, %add3A_44 : i32
    %dma_start3A_46 = arith.constant 0 : i32
    %dma_start3A_47 = arith.constant 0 : i32
    %dma_start3A_48 = arith.constant 0 : i32
    %dma_start3A_49 = arith.constant 0 : i32
    %dma_start3A_50 = tpu.memref_slice %arg4[%dma_start3A_46, %dma_start3A_48, %dma_start3A_49] : memref<3x40x1024xf32, #tpu.memory_space<vmem>> -> memref<1x40x1024xf32, #tpu.memory_space<vmem>>
    %dma_start3A_51 = tpu.memref_squeeze %dma_start3A_50 : memref<1x40x1024xf32, #tpu.memory_space<vmem>> -> memref<40x1024xf32, #tpu.memory_space<vmem>>
    %dma_start3A_52 = arith.constant 0 : i32
    %dma_start3A_53 = tpu.memref_slice %arg3[%add3A_45, %dma_start3A_47, %dma_start3A_52] : memref<8192x4x1024xf32, #tpu.memory_space<hbm>> -> memref<40x1x1024xf32, #tpu.memory_space<hbm>>
    %dma_start3A_54 = tpu.memref_squeeze %dma_start3A_53 : memref<40x1x1024xf32, #tpu.memory_space<hbm>> -> memref<40x1024xf32, #tpu.memory_space<hbm>>
    %dma_start3A_55 = arith.constant 0 : i32
    %dma_start3A_56 = tpu.memref_slice %arg3[%add3A_45, %dma_start3A_47, %dma_start3A_55] : memref<8192x4x1024xf32, #tpu.memory_space<hbm>> -> memref<40x1x1024xf32, #tpu.memory_space<hbm>>
    %dma_start3A_57 = tpu.memref_squeeze %dma_start3A_56 : memref<40x1x1024xf32, #tpu.memory_space<hbm>> -> memref<40x1024xf32, #tpu.memory_space<hbm>>
    %dma_start3A_58 = arith.constant 0 : i32
    %dma_start3A_59 = arith.constant 0 : i32
    %dma_start3A_60 = tpu.memref_slice %arg4[%dma_start3A_46, %dma_start3A_58, %dma_start3A_59] : memref<3x40x1024xf32, #tpu.memory_space<vmem>> -> memref<1x40x1024xf32, #tpu.memory_space<vmem>>
    %dma_start3A_61 = tpu.memref_squeeze %dma_start3A_60 : memref<1x40x1024xf32, #tpu.memory_space<vmem>> -> memref<40x1024xf32, #tpu.memory_space<vmem>>
    tpu.enqueue_dma source(%dma_start3A_61 : memref<40x1024xf32, #tpu.memory_space<vmem>>) target(%dma_start3A_57 : memref<40x1024xf32, #tpu.memory_space<hbm>>) target_semaphore(%arg6 : memref<!tpu.dma_semaphore, #tpu.memory_space<semaphore_mem>>)
    %add3A_62 = arith.constant 0 : i32
    %add3A_63 = arith.addi %mul3A_2, %add3A_62 : i32
    %dma_start3A_64 = arith.constant 0 : i32
    %dma_start3A_65 = arith.constant 1 : i32
    %dma_start3A_66 = arith.constant 0 : i32
    %dma_start3A_67 = arith.constant 0 : i32
    %dma_start3A_68 = tpu.memref_slice %arg4[%dma_start3A_64, %dma_start3A_66, %dma_start3A_67] : memref<3x40x1024xf32, #tpu.memory_space<vmem>> -> memref<1x40x1024xf32, #tpu.memory_space<vmem>>
    %dma_start3A_69 = tpu.memref_squeeze %dma_start3A_68 : memref<1x40x1024xf32, #tpu.memory_space<vmem>> -> memref<40x1024xf32, #tpu.memory_space<vmem>>
    %dma_start3A_70 = arith.constant 0 : i32
    %dma_start3A_71 = tpu.memref_slice %arg3[%add3A_63, %dma_start3A_65, %dma_start3A_70] : memref<8192x4x1024xf32, #tpu.memory_space<hbm>> -> memref<40x1x1024xf32, #tpu.memory_space<hbm>>
    %dma_start3A_72 = tpu.memref_squeeze %dma_start3A_71 : memref<40x1x1024xf32, #tpu.memory_space<hbm>> -> memref<40x1024xf32, #tpu.memory_space<hbm>>
    %dma_start3A_73 = arith.constant 0 : i32
    %dma_start3A_74 = tpu.memref_slice %arg3[%add3A_63, %dma_start3A_65, %dma_start3A_73] : memref<8192x4x1024xf32, #tpu.memory_space<hbm>> -> memref<40x1x1024xf32, #tpu.memory_space<hbm>>
    %dma_start3A_75 = tpu.memref_squeeze %dma_start3A_74 : memref<40x1x1024xf32, #tpu.memory_space<hbm>> -> memref<40x1024xf32, #tpu.memory_space<hbm>>
    %dma_start3A_76 = arith.constant 0 : i32
    %dma_start3A_77 = arith.constant 0 : i32
    %dma_start3A_78 = tpu.memref_slice %arg4[%dma_start3A_64, %dma_start3A_76, %dma_start3A_77] : memref<3x40x1024xf32, #tpu.memory_space<vmem>> -> memref<1x40x1024xf32, #tpu.memory_space<vmem>>
    %dma_start3A_79 = tpu.memref_squeeze %dma_start3A_78 : memref<1x40x1024xf32, #tpu.memory_space<vmem>> -> memref<40x1024xf32, #tpu.memory_space<vmem>>
    tpu.enqueue_dma source(%dma_start3A_79 : memref<40x1024xf32, #tpu.memory_space<vmem>>) target(%dma_start3A_75 : memref<40x1024xf32, #tpu.memory_space<hbm>>) target_semaphore(%arg6 : memref<!tpu.dma_semaphore, #tpu.memory_space<semaphore_mem>>)
    %add3A_80 = arith.constant 0 : i32
    %add3A_81 = arith.addi %mul3A_2, %add3A_80 : i32
    %dma_start3A_82 = arith.constant 0 : i32
    %dma_start3A_83 = arith.constant 2 : i32
    %dma_start3A_84 = arith.constant 0 : i32
    %dma_start3A_85 = arith.constant 0 : i32
    %dma_start3A_86 = tpu.memref_slice %arg4[%dma_start3A_82, %dma_start3A_84, %dma_start3A_85] : memref<3x40x1024xf32, #tpu.memory_space<vmem>> -> memref<1x40x1024xf32, #tpu.memory_space<vmem>>
    %dma_start3A_87 = tpu.memref_squeeze %dma_start3A_86 : memref<1x40x1024xf32, #tpu.memory_space<vmem>> -> memref<40x1024xf32, #tpu.memory_space<vmem>>
    %dma_start3A_88 = arith.constant 0 : i32
    %dma_start3A_89 = tpu.memref_slice %arg3[%add3A_81, %dma_start3A_83, %dma_start3A_88] : memref<8192x4x1024xf32, #tpu.memory_space<hbm>> -> memref<40x1x1024xf32, #tpu.memory_space<hbm>>
    %dma_start3A_90 = tpu.memref_squeeze %dma_start3A_89 : memref<40x1x1024xf32, #tpu.memory_space<hbm>> -> memref<40x1024xf32, #tpu.memory_space<hbm>>
    %dma_start3A_91 = arith.constant 0 : i32
    %dma_start3A_92 = tpu.memref_slice %arg3[%add3A_81, %dma_start3A_83, %dma_start3A_91] : memref<8192x4x1024xf32, #tpu.memory_space<hbm>> -> memref<40x1x1024xf32, #tpu.memory_space<hbm>>
    %dma_start3A_93 = tpu.memref_squeeze %dma_start3A_92 : memref<40x1x1024xf32, #tpu.memory_space<hbm>> -> memref<40x1024xf32, #tpu.memory_space<hbm>>
    %dma_start3A_94 = arith.constant 0 : i32
    %dma_start3A_95 = arith.constant 0 : i32
    %dma_start3A_96 = tpu.memref_slice %arg4[%dma_start3A_82, %dma_start3A_94, %dma_start3A_95] : memref<3x40x1024xf32, #tpu.memory_space<vmem>> -> memref<1x40x1024xf32, #tpu.memory_space<vmem>>
    %dma_start3A_97 = tpu.memref_squeeze %dma_start3A_96 : memref<1x40x1024xf32, #tpu.memory_space<vmem>> -> memref<40x1024xf32, #tpu.memory_space<vmem>>
    tpu.enqueue_dma source(%dma_start3A_97 : memref<40x1024xf32, #tpu.memory_space<vmem>>) target(%dma_start3A_93 : memref<40x1024xf32, #tpu.memory_space<hbm>>) target_semaphore(%arg6 : memref<!tpu.dma_semaphore, #tpu.memory_space<semaphore_mem>>)
    %add3A_98 = arith.constant 0 : i32
    %add3A_99 = arith.addi %mul3A_2, %add3A_98 : i32
    %dma_start3A_100 = arith.constant 0 : i32
    %dma_start3A_101 = arith.constant 3 : i32
    %dma_start3A_102 = arith.constant 0 : i32
    %dma_start3A_103 = arith.constant 0 : i32
    %dma_start3A_104 = tpu.memref_slice %arg4[%dma_start3A_100, %dma_start3A_102, %dma_start3A_103] : memref<3x40x1024xf32, #tpu.memory_space<vmem>> -> memref<1x40x1024xf32, #tpu.memory_space<vmem>>
    %dma_start3A_105 = tpu.memref_squeeze %dma_start3A_104 : memref<1x40x1024xf32, #tpu.memory_space<vmem>> -> memref<40x1024xf32, #tpu.memory_space<vmem>>
    %dma_start3A_106 = arith.constant 0 : i32
    %dma_start3A_107 = tpu.memref_slice %arg3[%add3A_99, %dma_start3A_101, %dma_start3A_106] : memref<8192x4x1024xf32, #tpu.memory_space<hbm>> -> memref<40x1x1024xf32, #tpu.memory_space<hbm>>
    %dma_start3A_108 = tpu.memref_squeeze %dma_start3A_107 : memref<40x1x1024xf32, #tpu.memory_space<hbm>> -> memref<40x1024xf32, #tpu.memory_space<hbm>>
    %dma_start3A_109 = arith.constant 0 : i32
    %dma_start3A_110 = tpu.memref_slice %arg3[%add3A_99, %dma_start3A_101, %dma_start3A_109] : memref<8192x4x1024xf32, #tpu.memory_space<hbm>> -> memref<40x1x1024xf32, #tpu.memory_space<hbm>>
    %dma_start3A_111 = tpu.memref_squeeze %dma_start3A_110 : memref<40x1x1024xf32, #tpu.memory_space<hbm>> -> memref<40x1024xf32, #tpu.memory_space<hbm>>
    %dma_start3A_112 = arith.constant 0 : i32
    %dma_start3A_113 = arith.constant 0 : i32
    %dma_start3A_114 = tpu.memref_slice %arg4[%dma_start3A_100, %dma_start3A_112, %dma_start3A_113] : memref<3x40x1024xf32, #tpu.memory_space<vmem>> -> memref<1x40x1024xf32, #tpu.memory_space<vmem>>
    %dma_start3A_115 = tpu.memref_squeeze %dma_start3A_114 : memref<1x40x1024xf32, #tpu.memory_space<vmem>> -> memref<40x1024xf32, #tpu.memory_space<vmem>>
    tpu.enqueue_dma source(%dma_start3A_115 : memref<40x1024xf32, #tpu.memory_space<vmem>>) target(%dma_start3A_111 : memref<40x1024xf32, #tpu.memory_space<hbm>>) target_semaphore(%arg6 : memref<!tpu.dma_semaphore, #tpu.memory_space<semaphore_mem>>)
    %add3A_116 = arith.constant 80 : i32
    %add3A_117 = arith.addi %mul3A_2, %add3A_116 : i32
    %dma_start3A_118 = arith.constant 2 : i32
    %dma_start3A_119 = arith.constant 0 : i32
    %dma_start3A_120 = arith.constant 0 : i32
    %dma_start3A_121 = tpu.memref_slice %arg4[%dma_start3A_118, %dma_start3A_119, %dma_start3A_120] : memref<3x40x1024xf32, #tpu.memory_space<vmem>> -> memref<1x40x1024xf32, #tpu.memory_space<vmem>>
    %dma_start3A_122 = tpu.memref_squeeze %dma_start3A_121 : memref<1x40x1024xf32, #tpu.memory_space<vmem>> -> memref<40x1024xf32, #tpu.memory_space<vmem>>
    %dma_start3A_123 = arith.constant 0 : i32
    %dma_start3A_124 = tpu.memref_slice %arg2[%add3A_117, %dma_start3A_123] : memref<8192x1024xf32, #tpu.memory_space<hbm>> -> memref<40x1024xf32, #tpu.memory_space<hbm>>
    %dma_start3A_125 = arith.constant 0 : i32
    %dma_start3A_126 = arith.constant 0 : i32
    %dma_start3A_127 = tpu.memref_slice %arg4[%dma_start3A_118, %dma_start3A_125, %dma_start3A_126] : memref<3x40x1024xf32, #tpu.memory_space<vmem>> -> memref<1x40x1024xf32, #tpu.memory_space<vmem>>
    %dma_start3A_128 = tpu.memref_squeeze %dma_start3A_127 : memref<1x40x1024xf32, #tpu.memory_space<vmem>> -> memref<40x1024xf32, #tpu.memory_space<vmem>>
    %dma_start3A_129 = arith.constant 0 : i32
    %dma_start3A_130 = tpu.memref_slice %arg2[%add3A_117, %dma_start3A_129] : memref<8192x1024xf32, #tpu.memory_space<hbm>> -> memref<40x1024xf32, #tpu.memory_space<hbm>>
    tpu.enqueue_dma source(%dma_start3A_130 : memref<40x1024xf32, #tpu.memory_space<hbm>>) target(%dma_start3A_128 : memref<40x1024xf32, #tpu.memory_space<vmem>>) target_semaphore(%arg5 : memref<!tpu.dma_semaphore, #tpu.memory_space<semaphore_mem>>)
    %dma_wait3A_131 = arith.constant 1 : i32
    %dma_wait3A_132 = arith.constant 0 : i32
    %dma_wait3A_133 = arith.constant 0 : i32
    %dma_wait3A_134 = tpu.memref_slice %arg4[%dma_wait3A_131, %dma_wait3A_132, %dma_wait3A_133] : memref<3x40x1024xf32, #tpu.memory_space<vmem>> -> memref<1x40x1024xf32, #tpu.memory_space<vmem>>
    %dma_wait3A_135 = tpu.memref_squeeze %dma_wait3A_134 : memref<1x40x1024xf32, #tpu.memory_space<vmem>> -> memref<40x1024xf32, #tpu.memory_space<vmem>>
    %dma_wait3A_136 = arith.constant 0 : i32
    %dma_wait3A_137 = tpu.memref_slice %arg2[%add3A_18, %dma_wait3A_136] : memref<8192x1024xf32, #tpu.memory_space<hbm>> -> memref<40x1024xf32, #tpu.memory_space<hbm>>
    %dma_wait3A_138 = arith.constant 0 : i32
    %dma_wait3A_139 = arith.constant 0 : i32
    %dma_wait3A_140 = tpu.memref_slice %arg4[%dma_wait3A_131, %dma_wait3A_138, %dma_wait3A_139] : memref<3x40x1024xf32, #tpu.memory_space<vmem>> -> memref<1x40x1024xf32, #tpu.memory_space<vmem>>
    %dma_wait3A_141 = tpu.memref_squeeze %dma_wait3A_140 : memref<1x40x1024xf32, #tpu.memory_space<vmem>> -> memref<40x1024xf32, #tpu.memory_space<vmem>>
    %dma_wait3A_142 = arith.constant 0 : i32
    %dma_wait3A_143 = tpu.memref_slice %arg2[%add3A_18, %dma_wait3A_142] : memref<8192x1024xf32, #tpu.memory_space<hbm>> -> memref<40x1024xf32, #tpu.memory_space<hbm>>
    tpu.wait_dma2 semaphore(%arg5 : memref<!tpu.dma_semaphore, #tpu.memory_space<semaphore_mem>>) src(%dma_wait3A_143 : memref<40x1024xf32, #tpu.memory_space<hbm>>) dst(%dma_wait3A_141 : memref<40x1024xf32, #tpu.memory_space<vmem>>)
    %add3A_144 = arith.constant 40 : i32
    %add3A_145 = arith.addi %mul3A_2, %add3A_144 : i32
    %dma_start3A_146 = arith.constant 1 : i32
    %dma_start3A_147 = arith.constant 0 : i32
    %dma_start3A_148 = arith.constant 0 : i32
    %dma_start3A_149 = arith.constant 0 : i32
    %dma_start3A_150 = tpu.memref_slice %arg4[%dma_start3A_146, %dma_start3A_148, %dma_start3A_149] : memref<3x40x1024xf32, #tpu.memory_space<vmem>> -> memref<1x40x1024xf32, #tpu.memory_space<vmem>>
    %dma_start3A_151 = tpu.memref_squeeze %dma_start3A_150 : memref<1x40x1024xf32, #tpu.memory_space<vmem>> -> memref<40x1024xf32, #tpu.memory_space<vmem>>
    %dma_start3A_152 = arith.constant 0 : i32
    %dma_start3A_153 = tpu.memref_slice %arg3[%add3A_145, %dma_start3A_147, %dma_start3A_152] : memref<8192x4x1024xf32, #tpu.memory_space<hbm>> -> memref<40x1x1024xf32, #tpu.memory_space<hbm>>
    %dma_start3A_154 = tpu.memref_squeeze %dma_start3A_153 : memref<40x1x1024xf32, #tpu.memory_space<hbm>> -> memref<40x1024xf32, #tpu.memory_space<hbm>>
    %dma_start3A_155 = arith.constant 0 : i32
    %dma_start3A_156 = tpu.memref_slice %arg3[%add3A_145, %dma_start3A_147, %dma_start3A_155] : memref<8192x4x1024xf32, #tpu.memory_space<hbm>> -> memref<40x1x1024xf32, #tpu.memory_space<hbm>>
    %dma_start3A_157 = tpu.memref_squeeze %dma_start3A_156 : memref<40x1x1024xf32, #tpu.memory_space<hbm>> -> memref<40x1024xf32, #tpu.memory_space<hbm>>
    %dma_start3A_158 = arith.constant 0 : i32
    %dma_start3A_159 = arith.constant 0 : i32
    %dma_start3A_160 = tpu.memref_slice %arg4[%dma_start3A_146, %dma_start3A_158, %dma_start3A_159] : memref<3x40x1024xf32, #tpu.memory_space<vmem>> -> memref<1x40x1024xf32, #tpu.memory_space<vmem>>
    %dma_start3A_161 = tpu.memref_squeeze %dma_start3A_160 : memref<1x40x1024xf32, #tpu.memory_space<vmem>> -> memref<40x1024xf32, #tpu.memory_space<vmem>>
    tpu.enqueue_dma source(%dma_start3A_161 : memref<40x1024xf32, #tpu.memory_space<vmem>>) target(%dma_start3A_157 : memref<40x1024xf32, #tpu.memory_space<hbm>>) target_semaphore(%arg6 : memref<!tpu.dma_semaphore, #tpu.memory_space<semaphore_mem>>)
    %add3A_162 = arith.constant 40 : i32
    %add3A_163 = arith.addi %mul3A_2, %add3A_162 : i32
    %dma_start3A_164 = arith.constant 1 : i32
    %dma_start3A_165 = arith.constant 1 : i32
    %dma_start3A_166 = arith.constant 0 : i32
    %dma_start3A_167 = arith.constant 0 : i32
    %dma_start3A_168 = tpu.memref_slice %arg4[%dma_start3A_164, %dma_start3A_166, %dma_start3A_167] : memref<3x40x1024xf32, #tpu.memory_space<vmem>> -> memref<1x40x1024xf32, #tpu.memory_space<vmem>>
    %dma_start3A_169 = tpu.memref_squeeze %dma_start3A_168 : memref<1x40x1024xf32, #tpu.memory_space<vmem>> -> memref<40x1024xf32, #tpu.memory_space<vmem>>
    %dma_start3A_170 = arith.constant 0 : i32
    %dma_start3A_171 = tpu.memref_slice %arg3[%add3A_163, %dma_start3A_165, %dma_start3A_170] : memref<8192x4x1024xf32, #tpu.memory_space<hbm>> -> memref<40x1x1024xf32, #tpu.memory_space<hbm>>
    %dma_start3A_172 = tpu.memref_squeeze %dma_start3A_171 : memref<40x1x1024xf32, #tpu.memory_space<hbm>> -> memref<40x1024xf32, #tpu.memory_space<hbm>>
    %dma_start3A_173 = arith.constant 0 : i32
    %dma_start3A_174 = tpu.memref_slice %arg3[%add3A_163, %dma_start3A_165, %dma_start3A_173] : memref<8192x4x1024xf32, #tpu.memory_space<hbm>> -> memref<40x1x1024xf32, #tpu.memory_space<hbm>>
    %dma_start3A_175 = tpu.memref_squeeze %dma_start3A_174 : memref<40x1x1024xf32, #tpu.memory_space<hbm>> -> memref<40x1024xf32, #tpu.memory_space<hbm>>
    %dma_start3A_176 = arith.constant 0 : i32
    %dma_start3A_177 = arith.constant 0 : i32
    %dma_start3A_178 = tpu.memref_slice %arg4[%dma_start3A_164, %dma_start3A_176, %dma_start3A_177] : memref<3x40x1024xf32, #tpu.memory_space<vmem>> -> memref<1x40x1024xf32, #tpu.memory_space<vmem>>
    %dma_start3A_179 = tpu.memref_squeeze %dma_start3A_178 : memref<1x40x1024xf32, #tpu.memory_space<vmem>> -> memref<40x1024xf32, #tpu.memory_space<vmem>>
    tpu.enqueue_dma source(%dma_start3A_179 : memref<40x1024xf32, #tpu.memory_space<vmem>>) target(%dma_start3A_175 : memref<40x1024xf32, #tpu.memory_space<hbm>>) target_semaphore(%arg6 : memref<!tpu.dma_semaphore, #tpu.memory_space<semaphore_mem>>)
    %add3A_180 = arith.constant 40 : i32
    %add3A_181 = arith.addi %mul3A_2, %add3A_180 : i32
    %dma_start3A_182 = arith.constant 1 : i32
    %dma_start3A_183 = arith.constant 2 : i32
    %dma_start3A_184 = arith.constant 0 : i32
    %dma_start3A_185 = arith.constant 0 : i32
    %dma_start3A_186 = tpu.memref_slice %arg4[%dma_start3A_182, %dma_start3A_184, %dma_start3A_185] : memref<3x40x1024xf32, #tpu.memory_space<vmem>> -> memref<1x40x1024xf32, #tpu.memory_space<vmem>>
    %dma_start3A_187 = tpu.memref_squeeze %dma_start3A_186 : memref<1x40x1024xf32, #tpu.memory_space<vmem>> -> memref<40x1024xf32, #tpu.memory_space<vmem>>
    %dma_start3A_188 = arith.constant 0 : i32
    %dma_start3A_189 = tpu.memref_slice %arg3[%add3A_181, %dma_start3A_183, %dma_start3A_188] : memref<8192x4x1024xf32, #tpu.memory_space<hbm>> -> memref<40x1x1024xf32, #tpu.memory_space<hbm>>
    %dma_start3A_190 = tpu.memref_squeeze %dma_start3A_189 : memref<40x1x1024xf32, #tpu.memory_space<hbm>> -> memref<40x1024xf32, #tpu.memory_space<hbm>>
    %dma_start3A_191 = arith.constant 0 : i32
    %dma_start3A_192 = tpu.memref_slice %arg3[%add3A_181, %dma_start3A_183, %dma_start3A_191] : memref<8192x4x1024xf32, #tpu.memory_space<hbm>> -> memref<40x1x1024xf32, #tpu.memory_space<hbm>>
    %dma_start3A_193 = tpu.memref_squeeze %dma_start3A_192 : memref<40x1x1024xf32, #tpu.memory_space<hbm>> -> memref<40x1024xf32, #tpu.memory_space<hbm>>
    %dma_start3A_194 = arith.constant 0 : i32
    %dma_start3A_195 = arith.constant 0 : i32
    %dma_start3A_196 = tpu.memref_slice %arg4[%dma_start3A_182, %dma_start3A_194, %dma_start3A_195] : memref<3x40x1024xf32, #tpu.memory_space<vmem>> -> memref<1x40x1024xf32, #tpu.memory_space<vmem>>
    %dma_start3A_197 = tpu.memref_squeeze %dma_start3A_196 : memref<1x40x1024xf32, #tpu.memory_space<vmem>> -> memref<40x1024xf32, #tpu.memory_space<vmem>>
    tpu.enqueue_dma source(%dma_start3A_197 : memref<40x1024xf32, #tpu.memory_space<vmem>>) target(%dma_start3A_193 : memref<40x1024xf32, #tpu.memory_space<hbm>>) target_semaphore(%arg6 : memref<!tpu.dma_semaphore, #tpu.memory_space<semaphore_mem>>)
    %add3A_198 = arith.constant 40 : i32
    %add3A_199 = arith.addi %mul3A_2, %add3A_198 : i32
    %dma_start3A_200 = arith.constant 1 : i32
    %dma_start3A_201 = arith.constant 3 : i32
    %dma_start3A_202 = arith.constant 0 : i32
    %dma_start3A_203 = arith.constant 0 : i32
    %dma_start3A_204 = tpu.memref_slice %arg4[%dma_start3A_200, %dma_start3A_202, %dma_start3A_203] : memref<3x40x1024xf32, #tpu.memory_space<vmem>> -> memref<1x40x1024xf32, #tpu.memory_space<vmem>>
    %dma_start3A_205 = tpu.memref_squeeze %dma_start3A_204 : memref<1x40x1024xf32, #tpu.memory_space<vmem>> -> memref<40x1024xf32, #tpu.memory_space<vmem>>
    %dma_start3A_206 = arith.constant 0 : i32
    %dma_start3A_207 = tpu.memref_slice %arg3[%add3A_199, %dma_start3A_201, %dma_start3A_206] : memref<8192x4x1024xf32, #tpu.memory_space<hbm>> -> memref<40x1x1024xf32, #tpu.memory_space<hbm>>
    %dma_start3A_208 = tpu.memref_squeeze %dma_start3A_207 : memref<40x1x1024xf32, #tpu.memory_space<hbm>> -> memref<40x1024xf32, #tpu.memory_space<hbm>>
    %dma_start3A_209 = arith.constant 0 : i32
    %dma_start3A_210 = tpu.memref_slice %arg3[%add3A_199, %dma_start3A_201, %dma_start3A_209] : memref<8192x4x1024xf32, #tpu.memory_space<hbm>> -> memref<40x1x1024xf32, #tpu.memory_space<hbm>>
    %dma_start3A_211 = tpu.memref_squeeze %dma_start3A_210 : memref<40x1x1024xf32, #tpu.memory_space<hbm>> -> memref<40x1024xf32, #tpu.memory_space<hbm>>
    %dma_start3A_212 = arith.constant 0 : i32
    %dma_start3A_213 = arith.constant 0 : i32
    %dma_start3A_214 = tpu.memref_slice %arg4[%dma_start3A_200, %dma_start3A_212, %dma_start3A_213] : memref<3x40x1024xf32, #tpu.memory_space<vmem>> -> memref<1x40x1024xf32, #tpu.memory_space<vmem>>
    %dma_start3A_215 = tpu.memref_squeeze %dma_start3A_214 : memref<1x40x1024xf32, #tpu.memory_space<vmem>> -> memref<40x1024xf32, #tpu.memory_space<vmem>>
    tpu.enqueue_dma source(%dma_start3A_215 : memref<40x1024xf32, #tpu.memory_space<vmem>>) target(%dma_start3A_211 : memref<40x1024xf32, #tpu.memory_space<hbm>>) target_semaphore(%arg6 : memref<!tpu.dma_semaphore, #tpu.memory_space<semaphore_mem>>)
    %dma_wait3A_216 = arith.constant 0 : i32
    %dma_wait3A_217 = arith.constant 0 : i32
    %dma_wait3A_218 = arith.constant 0 : i32
    %dma_wait3A_219 = arith.constant 0 : i32
    %dma_wait3A_220 = tpu.memref_slice %arg4[%dma_wait3A_216, %dma_wait3A_218, %dma_wait3A_219] : memref<3x40x1024xf32, #tpu.memory_space<vmem>> -> memref<1x40x1024xf32, #tpu.memory_space<vmem>>
    %dma_wait3A_221 = tpu.memref_squeeze %dma_wait3A_220 : memref<1x40x1024xf32, #tpu.memory_space<vmem>> -> memref<40x1024xf32, #tpu.memory_space<vmem>>
    %dma_wait3A_222 = arith.constant 0 : i32
    %dma_wait3A_223 = tpu.memref_slice %arg3[%add3A_45, %dma_wait3A_217, %dma_wait3A_222] : memref<8192x4x1024xf32, #tpu.memory_space<hbm>> -> memref<40x1x1024xf32, #tpu.memory_space<hbm>>
    %dma_wait3A_224 = tpu.memref_squeeze %dma_wait3A_223 : memref<40x1x1024xf32, #tpu.memory_space<hbm>> -> memref<40x1024xf32, #tpu.memory_space<hbm>>
    %dma_wait3A_225 = arith.constant 0 : i32
    %dma_wait3A_226 = tpu.memref_slice %arg3[%add3A_45, %dma_wait3A_217, %dma_wait3A_225] : memref<8192x4x1024xf32, #tpu.memory_space<hbm>> -> memref<40x1x1024xf32, #tpu.memory_space<hbm>>
    %dma_wait3A_227 = tpu.memref_squeeze %dma_wait3A_226 : memref<40x1x1024xf32, #tpu.memory_space<hbm>> -> memref<40x1024xf32, #tpu.memory_space<hbm>>
    %dma_wait3A_228 = arith.constant 0 : i32
    %dma_wait3A_229 = arith.constant 0 : i32
    %dma_wait3A_230 = tpu.memref_slice %arg4[%dma_wait3A_216, %dma_wait3A_228, %dma_wait3A_229] : memref<3x40x1024xf32, #tpu.memory_space<vmem>> -> memref<1x40x1024xf32, #tpu.memory_space<vmem>>
    %dma_wait3A_231 = tpu.memref_squeeze %dma_wait3A_230 : memref<1x40x1024xf32, #tpu.memory_space<vmem>> -> memref<40x1024xf32, #tpu.memory_space<vmem>>
    tpu.wait_dma2 semaphore(%arg6 : memref<!tpu.dma_semaphore, #tpu.memory_space<semaphore_mem>>) src(%dma_wait3A_231 : memref<40x1024xf32, #tpu.memory_space<vmem>>) dst(%dma_wait3A_227 : memref<40x1024xf32, #tpu.memory_space<hbm>>)
    %dma_wait3A_232 = arith.constant 0 : i32
    %dma_wait3A_233 = arith.constant 1 : i32
    %dma_wait3A_234 = arith.constant 0 : i32
    %dma_wait3A_235 = arith.constant 0 : i32
    %dma_wait3A_236 = tpu.memref_slice %arg4[%dma_wait3A_232, %dma_wait3A_234, %dma_wait3A_235] : memref<3x40x1024xf32, #tpu.memory_space<vmem>> -> memref<1x40x1024xf32, #tpu.memory_space<vmem>>
    %dma_wait3A_237 = tpu.memref_squeeze %dma_wait3A_236 : memref<1x40x1024xf32, #tpu.memory_space<vmem>> -> memref<40x1024xf32, #tpu.memory_space<vmem>>
    %dma_wait3A_238 = arith.constant 0 : i32
    %dma_wait3A_239 = tpu.memref_slice %arg3[%add3A_63, %dma_wait3A_233, %dma_wait3A_238] : memref<8192x4x1024xf32, #tpu.memory_space<hbm>> -> memref<40x1x1024xf32, #tpu.memory_space<hbm>>
    %dma_wait3A_240 = tpu.memref_squeeze %dma_wait3A_239 : memref<40x1x1024xf32, #tpu.memory_space<hbm>> -> memref<40x1024xf32, #tpu.memory_space<hbm>>
    %dma_wait3A_241 = arith.constant 0 : i32
    %dma_wait3A_242 = tpu.memref_slice %arg3[%add3A_63, %dma_wait3A_233, %dma_wait3A_241] : memref<8192x4x1024xf32, #tpu.memory_space<hbm>> -> memref<40x1x1024xf32, #tpu.memory_space<hbm>>
    %dma_wait3A_243 = tpu.memref_squeeze %dma_wait3A_242 : memref<40x1x1024xf32, #tpu.memory_space<hbm>> -> memref<40x1024xf32, #tpu.memory_space<hbm>>
    %dma_wait3A_244 = arith.constant 0 : i32
    %dma_wait3A_245 = arith.constant 0 : i32
    %dma_wait3A_246 = tpu.memref_slice %arg4[%dma_wait3A_232, %dma_wait3A_244, %dma_wait3A_245] : memref<3x40x1024xf32, #tpu.memory_space<vmem>> -> memref<1x40x1024xf32, #tpu.memory_space<vmem>>
    %dma_wait3A_247 = tpu.memref_squeeze %dma_wait3A_246 : memref<1x40x1024xf32, #tpu.memory_space<vmem>> -> memref<40x1024xf32, #tpu.memory_space<vmem>>
    tpu.wait_dma2 semaphore(%arg6 : memref<!tpu.dma_semaphore, #tpu.memory_space<semaphore_mem>>) src(%dma_wait3A_247 : memref<40x1024xf32, #tpu.memory_space<vmem>>) dst(%dma_wait3A_243 : memref<40x1024xf32, #tpu.memory_space<hbm>>)
    %dma_wait3A_248 = arith.constant 0 : i32
    %dma_wait3A_249 = arith.constant 2 : i32
    %dma_wait3A_250 = arith.constant 0 : i32
    %dma_wait3A_251 = arith.constant 0 : i32
    %dma_wait3A_252 = tpu.memref_slice %arg4[%dma_wait3A_248, %dma_wait3A_250, %dma_wait3A_251] : memref<3x40x1024xf32, #tpu.memory_space<vmem>> -> memref<1x40x1024xf32, #tpu.memory_space<vmem>>
    %dma_wait3A_253 = tpu.memref_squeeze %dma_wait3A_252 : memref<1x40x1024xf32, #tpu.memory_space<vmem>> -> memref<40x1024xf32, #tpu.memory_space<vmem>>
    %dma_wait3A_254 = arith.constant 0 : i32
    %dma_wait3A_255 = tpu.memref_slice %arg3[%add3A_81, %dma_wait3A_249, %dma_wait3A_254] : memref<8192x4x1024xf32, #tpu.memory_space<hbm>> -> memref<40x1x1024xf32, #tpu.memory_space<hbm>>
    %dma_wait3A_256 = tpu.memref_squeeze %dma_wait3A_255 : memref<40x1x1024xf32, #tpu.memory_space<hbm>> -> memref<40x1024xf32, #tpu.memory_space<hbm>>
    %dma_wait3A_257 = arith.constant 0 : i32
    %dma_wait3A_258 = tpu.memref_slice %arg3[%add3A_81, %dma_wait3A_249, %dma_wait3A_257] : memref<8192x4x1024xf32, #tpu.memory_space<hbm>> -> memref<40x1x1024xf32, #tpu.memory_space<hbm>>
    %dma_wait3A_259 = tpu.memref_squeeze %dma_wait3A_258 : memref<40x1x1024xf32, #tpu.memory_space<hbm>> -> memref<40x1024xf32, #tpu.memory_space<hbm>>
    %dma_wait3A_260 = arith.constant 0 : i32
    %dma_wait3A_261 = arith.constant 0 : i32
    %dma_wait3A_262 = tpu.memref_slice %arg4[%dma_wait3A_248, %dma_wait3A_260, %dma_wait3A_261] : memref<3x40x1024xf32, #tpu.memory_space<vmem>> -> memref<1x40x1024xf32, #tpu.memory_space<vmem>>
    %dma_wait3A_263 = tpu.memref_squeeze %dma_wait3A_262 : memref<1x40x1024xf32, #tpu.memory_space<vmem>> -> memref<40x1024xf32, #tpu.memory_space<vmem>>
    tpu.wait_dma2 semaphore(%arg6 : memref<!tpu.dma_semaphore, #tpu.memory_space<semaphore_mem>>) src(%dma_wait3A_263 : memref<40x1024xf32, #tpu.memory_space<vmem>>) dst(%dma_wait3A_259 : memref<40x1024xf32, #tpu.memory_space<hbm>>)
    %dma_wait3A_264 = arith.constant 0 : i32
    %dma_wait3A_265 = arith.constant 3 : i32
    %dma_wait3A_266 = arith.constant 0 : i32
    %dma_wait3A_267 = arith.constant 0 : i32
    %dma_wait3A_268 = tpu.memref_slice %arg4[%dma_wait3A_264, %dma_wait3A_266, %dma_wait3A_267] : memref<3x40x1024xf32, #tpu.memory_space<vmem>> -> memref<1x40x1024xf32, #tpu.memory_space<vmem>>
    %dma_wait3A_269 = tpu.memref_squeeze %dma_wait3A_268 : memref<1x40x1024xf32, #tpu.memory_space<vmem>> -> memref<40x1024xf32, #tpu.memory_space<vmem>>
    %dma_wait3A_270 = arith.constant 0 : i32
    %dma_wait3A_271 = tpu.memref_slice %arg3[%add3A_99, %dma_wait3A_265, %dma_wait3A_270] : memref<8192x4x1024xf32, #tpu.memory_space<hbm>> -> memref<40x1x1024xf32, #tpu.memory_space<hbm>>
    %dma_wait3A_272 = tpu.memref_squeeze %dma_wait3A_271 : memref<40x1x1024xf32, #tpu.memory_space<hbm>> -> memref<40x1024xf32, #tpu.memory_space<hbm>>
    %dma_wait3A_273 = arith.constant 0 : i32
    %dma_wait3A_274 = tpu.memref_slice %arg3[%add3A_99, %dma_wait3A_265, %dma_wait3A_273] : memref<8192x4x1024xf32, #tpu.memory_space<hbm>> -> memref<40x1x1024xf32, #tpu.memory_space<hbm>>
    %dma_wait3A_275 = tpu.memref_squeeze %dma_wait3A_274 : memref<40x1x1024xf32, #tpu.memory_space<hbm>> -> memref<40x1024xf32, #tpu.memory_space<hbm>>
    %dma_wait3A_276 = arith.constant 0 : i32
    %dma_wait3A_277 = arith.constant 0 : i32
    %dma_wait3A_278 = tpu.memref_slice %arg4[%dma_wait3A_264, %dma_wait3A_276, %dma_wait3A_277] : memref<3x40x1024xf32, #tpu.memory_space<vmem>> -> memref<1x40x1024xf32, #tpu.memory_space<vmem>>
    %dma_wait3A_279 = tpu.memref_squeeze %dma_wait3A_278 : memref<1x40x1024xf32, #tpu.memory_space<vmem>> -> memref<40x1024xf32, #tpu.memory_space<vmem>>
    tpu.wait_dma2 semaphore(%arg6 : memref<!tpu.dma_semaphore, #tpu.memory_space<semaphore_mem>>) src(%dma_wait3A_279 : memref<40x1024xf32, #tpu.memory_space<vmem>>) dst(%dma_wait3A_275 : memref<40x1024xf32, #tpu.memory_space<hbm>>)
    %add3A_280 = arith.constant 120 : i32
    %add3A_281 = arith.addi %mul3A_2, %add3A_280 : i32
    %dma_start3A_282 = arith.constant 0 : i32
    %dma_start3A_283 = arith.constant 0 : i32
    %dma_start3A_284 = arith.constant 0 : i32
    %dma_start3A_285 = tpu.memref_slice %arg4[%dma_start3A_282, %dma_start3A_283, %dma_start3A_284] : memref<3x40x1024xf32, #tpu.memory_space<vmem>> -> memref<1x40x1024xf32, #tpu.memory_space<vmem>>
    %dma_start3A_286 = tpu.memref_squeeze %dma_start3A_285 : memref<1x40x1024xf32, #tpu.memory_space<vmem>> -> memref<40x1024xf32, #tpu.memory_space<vmem>>
    %dma_start3A_287 = arith.constant 0 : i32
    %dma_start3A_288 = tpu.memref_slice %arg2[%add3A_281, %dma_start3A_287] : memref<8192x1024xf32, #tpu.memory_space<hbm>> -> memref<40x1024xf32, #tpu.memory_space<hbm>>
    %dma_start3A_289 = arith.constant 0 : i32
    %dma_start3A_290 = arith.constant 0 : i32
    %dma_start3A_291 = tpu.memref_slice %arg4[%dma_start3A_282, %dma_start3A_289, %dma_start3A_290] : memref<3x40x1024xf32, #tpu.memory_space<vmem>> -> memref<1x40x1024xf32, #tpu.memory_space<vmem>>
    %dma_start3A_292 = tpu.memref_squeeze %dma_start3A_291 : memref<1x40x1024xf32, #tpu.memory_space<vmem>> -> memref<40x1024xf32, #tpu.memory_space<vmem>>
    %dma_start3A_293 = arith.constant 0 : i32
    %dma_start3A_294 = tpu.memref_slice %arg2[%add3A_281, %dma_start3A_293] : memref<8192x1024xf32, #tpu.memory_space<hbm>> -> memref<40x1024xf32, #tpu.memory_space<hbm>>
    tpu.enqueue_dma source(%dma_start3A_294 : memref<40x1024xf32, #tpu.memory_space<hbm>>) target(%dma_start3A_292 : memref<40x1024xf32, #tpu.memory_space<vmem>>) target_semaphore(%arg5 : memref<!tpu.dma_semaphore, #tpu.memory_space<semaphore_mem>>)
    %dma_wait3A_295 = arith.constant 2 : i32
    %dma_wait3A_296 = arith.constant 0 : i32
    %dma_wait3A_297 = arith.constant 0 : i32
    %dma_wait3A_298 = tpu.memref_slice %arg4[%dma_wait3A_295, %dma_wait3A_296, %dma_wait3A_297] : memref<3x40x1024xf32, #tpu.memory_space<vmem>> -> memref<1x40x1024xf32, #tpu.memory_space<vmem>>
    %dma_wait3A_299 = tpu.memref_squeeze %dma_wait3A_298 : memref<1x40x1024xf32, #tpu.memory_space<vmem>> -> memref<40x1024xf32, #tpu.memory_space<vmem>>
    %dma_wait3A_300 = arith.constant 0 : i32
    %dma_wait3A_301 = tpu.memref_slice %arg2[%add3A_117, %dma_wait3A_300] : memref<8192x1024xf32, #tpu.memory_space<hbm>> -> memref<40x1024xf32, #tpu.memory_space<hbm>>
    %dma_wait3A_302 = arith.constant 0 : i32
    %dma_wait3A_303 = arith.constant 0 : i32
    %dma_wait3A_304 = tpu.memref_slice %arg4[%dma_wait3A_295, %dma_wait3A_302, %dma_wait3A_303] : memref<3x40x1024xf32, #tpu.memory_space<vmem>> -> memref<1x40x1024xf32, #tpu.memory_space<vmem>>
    %dma_wait3A_305 = tpu.memref_squeeze %dma_wait3A_304 : memref<1x40x1024xf32, #tpu.memory_space<vmem>> -> memref<40x1024xf32, #tpu.memory_space<vmem>>
    %dma_wait3A_306 = arith.constant 0 : i32
    %dma_wait3A_307 = tpu.memref_slice %arg2[%add3A_117, %dma_wait3A_306] : memref<8192x1024xf32, #tpu.memory_space<hbm>> -> memref<40x1024xf32, #tpu.memory_space<hbm>>
    tpu.wait_dma2 semaphore(%arg5 : memref<!tpu.dma_semaphore, #tpu.memory_space<semaphore_mem>>) src(%dma_wait3A_307 : memref<40x1024xf32, #tpu.memory_space<hbm>>) dst(%dma_wait3A_305 : memref<40x1024xf32, #tpu.memory_space<vmem>>)
    %add3A_308 = arith.constant 80 : i32
    %add3A_309 = arith.addi %mul3A_2, %add3A_308 : i32
    %dma_start3A_310 = arith.constant 2 : i32
    %dma_start3A_311 = arith.constant 0 : i32
    %dma_start3A_312 = arith.constant 0 : i32
    %dma_start3A_313 = arith.constant 0 : i32
    %dma_start3A_314 = tpu.memref_slice %arg4[%dma_start3A_310, %dma_start3A_312, %dma_start3A_313] : memref<3x40x1024xf32, #tpu.memory_space<vmem>> -> memref<1x40x1024xf32, #tpu.memory_space<vmem>>
    %dma_start3A_315 = tpu.memref_squeeze %dma_start3A_314 : memref<1x40x1024xf32, #tpu.memory_space<vmem>> -> memref<40x1024xf32, #tpu.memory_space<vmem>>
    %dma_start3A_316 = arith.constant 0 : i32
    %dma_start3A_317 = tpu.memref_slice %arg3[%add3A_309, %dma_start3A_311, %dma_start3A_316] : memref<8192x4x1024xf32, #tpu.memory_space<hbm>> -> memref<40x1x1024xf32, #tpu.memory_space<hbm>>
    %dma_start3A_318 = tpu.memref_squeeze %dma_start3A_317 : memref<40x1x1024xf32, #tpu.memory_space<hbm>> -> memref<40x1024xf32, #tpu.memory_space<hbm>>
    %dma_start3A_319 = arith.constant 0 : i32
    %dma_start3A_320 = tpu.memref_slice %arg3[%add3A_309, %dma_start3A_311, %dma_start3A_319] : memref<8192x4x1024xf32, #tpu.memory_space<hbm>> -> memref<40x1x1024xf32, #tpu.memory_space<hbm>>
    %dma_start3A_321 = tpu.memref_squeeze %dma_start3A_320 : memref<40x1x1024xf32, #tpu.memory_space<hbm>> -> memref<40x1024xf32, #tpu.memory_space<hbm>>
    %dma_start3A_322 = arith.constant 0 : i32
    %dma_start3A_323 = arith.constant 0 : i32
    %dma_start3A_324 = tpu.memref_slice %arg4[%dma_start3A_310, %dma_start3A_322, %dma_start3A_323] : memref<3x40x1024xf32, #tpu.memory_space<vmem>> -> memref<1x40x1024xf32, #tpu.memory_space<vmem>>
    %dma_start3A_325 = tpu.memref_squeeze %dma_start3A_324 : memref<1x40x1024xf32, #tpu.memory_space<vmem>> -> memref<40x1024xf32, #tpu.memory_space<vmem>>
    tpu.enqueue_dma source(%dma_start3A_325 : memref<40x1024xf32, #tpu.memory_space<vmem>>) target(%dma_start3A_321 : memref<40x1024xf32, #tpu.memory_space<hbm>>) target_semaphore(%arg6 : memref<!tpu.dma_semaphore, #tpu.memory_space<semaphore_mem>>)
    %add3A_326 = arith.constant 80 : i32
    %add3A_327 = arith.addi %mul3A_2, %add3A_326 : i32
    %dma_start3A_328 = arith.constant 2 : i32
    %dma_start3A_329 = arith.constant 1 : i32
    %dma_start3A_330 = arith.constant 0 : i32
    %dma_start3A_331 = arith.constant 0 : i32
    %dma_start3A_332 = tpu.memref_slice %arg4[%dma_start3A_328, %dma_start3A_330, %dma_start3A_331] : memref<3x40x1024xf32, #tpu.memory_space<vmem>> -> memref<1x40x1024xf32, #tpu.memory_space<vmem>>
    %dma_start3A_333 = tpu.memref_squeeze %dma_start3A_332 : memref<1x40x1024xf32, #tpu.memory_space<vmem>> -> memref<40x1024xf32, #tpu.memory_space<vmem>>
    %dma_start3A_334 = arith.constant 0 : i32
    %dma_start3A_335 = tpu.memref_slice %arg3[%add3A_327, %dma_start3A_329, %dma_start3A_334] : memref<8192x4x1024xf32, #tpu.memory_space<hbm>> -> memref<40x1x1024xf32, #tpu.memory_space<hbm>>
    %dma_start3A_336 = tpu.memref_squeeze %dma_start3A_335 : memref<40x1x1024xf32, #tpu.memory_space<hbm>> -> memref<40x1024xf32, #tpu.memory_space<hbm>>
    %dma_start3A_337 = arith.constant 0 : i32
    %dma_start3A_338 = tpu.memref_slice %arg3[%add3A_327, %dma_start3A_329, %dma_start3A_337] : memref<8192x4x1024xf32, #tpu.memory_space<hbm>> -> memref<40x1x1024xf32, #tpu.memory_space<hbm>>
    %dma_start3A_339 = tpu.memref_squeeze %dma_start3A_338 : memref<40x1x1024xf32, #tpu.memory_space<hbm>> -> memref<40x1024xf32, #tpu.memory_space<hbm>>
    %dma_start3A_340 = arith.constant 0 : i32
    %dma_start3A_341 = arith.constant 0 : i32
    %dma_start3A_342 = tpu.memref_slice %arg4[%dma_start3A_328, %dma_start3A_340, %dma_start3A_341] : memref<3x40x1024xf32, #tpu.memory_space<vmem>> -> memref<1x40x1024xf32, #tpu.memory_space<vmem>>
    %dma_start3A_343 = tpu.memref_squeeze %dma_start3A_342 : memref<1x40x1024xf32, #tpu.memory_space<vmem>> -> memref<40x1024xf32, #tpu.memory_space<vmem>>
    tpu.enqueue_dma source(%dma_start3A_343 : memref<40x1024xf32, #tpu.memory_space<vmem>>) target(%dma_start3A_339 : memref<40x1024xf32, #tpu.memory_space<hbm>>) target_semaphore(%arg6 : memref<!tpu.dma_semaphore, #tpu.memory_space<semaphore_mem>>)
    %add3A_344 = arith.constant 80 : i32
    %add3A_345 = arith.addi %mul3A_2, %add3A_344 : i32
    %dma_start3A_346 = arith.constant 2 : i32
    %dma_start3A_347 = arith.constant 2 : i32
    %dma_start3A_348 = arith.constant 0 : i32
    %dma_start3A_349 = arith.constant 0 : i32
    %dma_start3A_350 = tpu.memref_slice %arg4[%dma_start3A_346, %dma_start3A_348, %dma_start3A_349] : memref<3x40x1024xf32, #tpu.memory_space<vmem>> -> memref<1x40x1024xf32, #tpu.memory_space<vmem>>
    %dma_start3A_351 = tpu.memref_squeeze %dma_start3A_350 : memref<1x40x1024xf32, #tpu.memory_space<vmem>> -> memref<40x1024xf32, #tpu.memory_space<vmem>>
    %dma_start3A_352 = arith.constant 0 : i32
    %dma_start3A_353 = tpu.memref_slice %arg3[%add3A_345, %dma_start3A_347, %dma_start3A_352] : memref<8192x4x1024xf32, #tpu.memory_space<hbm>> -> memref<40x1x1024xf32, #tpu.memory_space<hbm>>
    %dma_start3A_354 = tpu.memref_squeeze %dma_start3A_353 : memref<40x1x1024xf32, #tpu.memory_space<hbm>> -> memref<40x1024xf32, #tpu.memory_space<hbm>>
    %dma_start3A_355 = arith.constant 0 : i32
    %dma_start3A_356 = tpu.memref_slice %arg3[%add3A_345, %dma_start3A_347, %dma_start3A_355] : memref<8192x4x1024xf32, #tpu.memory_space<hbm>> -> memref<40x1x1024xf32, #tpu.memory_space<hbm>>
    %dma_start3A_357 = tpu.memref_squeeze %dma_start3A_356 : memref<40x1x1024xf32, #tpu.memory_space<hbm>> -> memref<40x1024xf32, #tpu.memory_space<hbm>>
    %dma_start3A_358 = arith.constant 0 : i32
    %dma_start3A_359 = arith.constant 0 : i32
    %dma_start3A_360 = tpu.memref_slice %arg4[%dma_start3A_346, %dma_start3A_358, %dma_start3A_359] : memref<3x40x1024xf32, #tpu.memory_space<vmem>> -> memref<1x40x1024xf32, #tpu.memory_space<vmem>>
    %dma_start3A_361 = tpu.memref_squeeze %dma_start3A_360 : memref<1x40x1024xf32, #tpu.memory_space<vmem>> -> memref<40x1024xf32, #tpu.memory_space<vmem>>
    tpu.enqueue_dma source(%dma_start3A_361 : memref<40x1024xf32, #tpu.memory_space<vmem>>) target(%dma_start3A_357 : memref<40x1024xf32, #tpu.memory_space<hbm>>) target_semaphore(%arg6 : memref<!tpu.dma_semaphore, #tpu.memory_space<semaphore_mem>>)
    %add3A_362 = arith.constant 80 : i32
    %add3A_363 = arith.addi %mul3A_2, %add3A_362 : i32
    %dma_start3A_364 = arith.constant 2 : i32
    %dma_start3A_365 = arith.constant 3 : i32
    %dma_start3A_366 = arith.constant 0 : i32
    %dma_start3A_367 = arith.constant 0 : i32
    %dma_start3A_368 = tpu.memref_slice %arg4[%dma_start3A_364, %dma_start3A_366, %dma_start3A_367] : memref<3x40x1024xf32, #tpu.memory_space<vmem>> -> memref<1x40x1024xf32, #tpu.memory_space<vmem>>
    %dma_start3A_369 = tpu.memref_squeeze %dma_start3A_368 : memref<1x40x1024xf32, #tpu.memory_space<vmem>> -> memref<40x1024xf32, #tpu.memory_space<vmem>>
    %dma_start3A_370 = arith.constant 0 : i32
    %dma_start3A_371 = tpu.memref_slice %arg3[%add3A_363, %dma_start3A_365, %dma_start3A_370] : memref<8192x4x1024xf32, #tpu.memory_space<hbm>> -> memref<40x1x1024xf32, #tpu.memory_space<hbm>>
    %dma_start3A_372 = tpu.memref_squeeze %dma_start3A_371 : memref<40x1x1024xf32, #tpu.memory_space<hbm>> -> memref<40x1024xf32, #tpu.memory_space<hbm>>
    %dma_start3A_373 = arith.constant 0 : i32
    %dma_start3A_374 = tpu.memref_slice %arg3[%add3A_363, %dma_start3A_365, %dma_start3A_373] : memref<8192x4x1024xf32, #tpu.memory_space<hbm>> -> memref<40x1x1024xf32, #tpu.memory_space<hbm>>
    %dma_start3A_375 = tpu.memref_squeeze %dma_start3A_374 : memref<40x1x1024xf32, #tpu.memory_space<hbm>> -> memref<40x1024xf32, #tpu.memory_space<hbm>>
    %dma_start3A_376 = arith.constant 0 : i32
    %dma_start3A_377 = arith.constant 0 : i32
    %dma_start3A_378 = tpu.memref_slice %arg4[%dma_start3A_364, %dma_start3A_376, %dma_start3A_377] : memref<3x40x1024xf32, #tpu.memory_space<vmem>> -> memref<1x40x1024xf32, #tpu.memory_space<vmem>>
    %dma_start3A_379 = tpu.memref_squeeze %dma_start3A_378 : memref<1x40x1024xf32, #tpu.memory_space<vmem>> -> memref<40x1024xf32, #tpu.memory_space<vmem>>
    tpu.enqueue_dma source(%dma_start3A_379 : memref<40x1024xf32, #tpu.memory_space<vmem>>) target(%dma_start3A_375 : memref<40x1024xf32, #tpu.memory_space<hbm>>) target_semaphore(%arg6 : memref<!tpu.dma_semaphore, #tpu.memory_space<semaphore_mem>>)
    %dma_wait3A_380 = arith.constant 1 : i32
    %dma_wait3A_381 = arith.constant 0 : i32
    %dma_wait3A_382 = arith.constant 0 : i32
    %dma_wait3A_383 = arith.constant 0 : i32
    %dma_wait3A_384 = tpu.memref_slice %arg4[%dma_wait3A_380, %dma_wait3A_382, %dma_wait3A_383] : memref<3x40x1024xf32, #tpu.memory_space<vmem>> -> memref<1x40x1024xf32, #tpu.memory_space<vmem>>
    %dma_wait3A_385 = tpu.memref_squeeze %dma_wait3A_384 : memref<1x40x1024xf32, #tpu.memory_space<vmem>> -> memref<40x1024xf32, #tpu.memory_space<vmem>>
    %dma_wait3A_386 = arith.constant 0 : i32
    %dma_wait3A_387 = tpu.memref_slice %arg3[%add3A_145, %dma_wait3A_381, %dma_wait3A_386] : memref<8192x4x1024xf32, #tpu.memory_space<hbm>> -> memref<40x1x1024xf32, #tpu.memory_space<hbm>>
    %dma_wait3A_388 = tpu.memref_squeeze %dma_wait3A_387 : memref<40x1x1024xf32, #tpu.memory_space<hbm>> -> memref<40x1024xf32, #tpu.memory_space<hbm>>
    %dma_wait3A_389 = arith.constant 0 : i32
    %dma_wait3A_390 = tpu.memref_slice %arg3[%add3A_145, %dma_wait3A_381, %dma_wait3A_389] : memref<8192x4x1024xf32, #tpu.memory_space<hbm>> -> memref<40x1x1024xf32, #tpu.memory_space<hbm>>
    %dma_wait3A_391 = tpu.memref_squeeze %dma_wait3A_390 : memref<40x1x1024xf32, #tpu.memory_space<hbm>> -> memref<40x1024xf32, #tpu.memory_space<hbm>>
    %dma_wait3A_392 = arith.constant 0 : i32
    %dma_wait3A_393 = arith.constant 0 : i32
    %dma_wait3A_394 = tpu.memref_slice %arg4[%dma_wait3A_380, %dma_wait3A_392, %dma_wait3A_393] : memref<3x40x1024xf32, #tpu.memory_space<vmem>> -> memref<1x40x1024xf32, #tpu.memory_space<vmem>>
    %dma_wait3A_395 = tpu.memref_squeeze %dma_wait3A_394 : memref<1x40x1024xf32, #tpu.memory_space<vmem>> -> memref<40x1024xf32, #tpu.memory_space<vmem>>
    tpu.wait_dma2 semaphore(%arg6 : memref<!tpu.dma_semaphore, #tpu.memory_space<semaphore_mem>>) src(%dma_wait3A_395 : memref<40x1024xf32, #tpu.memory_space<vmem>>) dst(%dma_wait3A_391 : memref<40x1024xf32, #tpu.memory_space<hbm>>)
    %dma_wait3A_396 = arith.constant 1 : i32
    %dma_wait3A_397 = arith.constant 1 : i32
    %dma_wait3A_398 = arith.constant 0 : i32
    %dma_wait3A_399 = arith.constant 0 : i32
    %dma_wait3A_400 = tpu.memref_slice %arg4[%dma_wait3A_396, %dma_wait3A_398, %dma_wait3A_399] : memref<3x40x1024xf32, #tpu.memory_space<vmem>> -> memref<1x40x1024xf32, #tpu.memory_space<vmem>>
    %dma_wait3A_401 = tpu.memref_squeeze %dma_wait3A_400 : memref<1x40x1024xf32, #tpu.memory_space<vmem>> -> memref<40x1024xf32, #tpu.memory_space<vmem>>
    %dma_wait3A_402 = arith.constant 0 : i32
    %dma_wait3A_403 = tpu.memref_slice %arg3[%add3A_163, %dma_wait3A_397, %dma_wait3A_402] : memref<8192x4x1024xf32, #tpu.memory_space<hbm>> -> memref<40x1x1024xf32, #tpu.memory_space<hbm>>
    %dma_wait3A_404 = tpu.memref_squeeze %dma_wait3A_403 : memref<40x1x1024xf32, #tpu.memory_space<hbm>> -> memref<40x1024xf32, #tpu.memory_space<hbm>>
    %dma_wait3A_405 = arith.constant 0 : i32
    %dma_wait3A_406 = tpu.memref_slice %arg3[%add3A_163, %dma_wait3A_397, %dma_wait3A_405] : memref<8192x4x1024xf32, #tpu.memory_space<hbm>> -> memref<40x1x1024xf32, #tpu.memory_space<hbm>>
    %dma_wait3A_407 = tpu.memref_squeeze %dma_wait3A_406 : memref<40x1x1024xf32, #tpu.memory_space<hbm>> -> memref<40x1024xf32, #tpu.memory_space<hbm>>
    %dma_wait3A_408 = arith.constant 0 : i32
    %dma_wait3A_409 = arith.constant 0 : i32
    %dma_wait3A_410 = tpu.memref_slice %arg4[%dma_wait3A_396, %dma_wait3A_408, %dma_wait3A_409] : memref<3x40x1024xf32, #tpu.memory_space<vmem>> -> memref<1x40x1024xf32, #tpu.memory_space<vmem>>
    %dma_wait3A_411 = tpu.memref_squeeze %dma_wait3A_410 : memref<1x40x1024xf32, #tpu.memory_space<vmem>> -> memref<40x1024xf32, #tpu.memory_space<vmem>>
    tpu.wait_dma2 semaphore(%arg6 : memref<!tpu.dma_semaphore, #tpu.memory_space<semaphore_mem>>) src(%dma_wait3A_411 : memref<40x1024xf32, #tpu.memory_space<vmem>>) dst(%dma_wait3A_407 : memref<40x1024xf32, #tpu.memory_space<hbm>>)
    %dma_wait3A_412 = arith.constant 1 : i32
    %dma_wait3A_413 = arith.constant 2 : i32
    %dma_wait3A_414 = arith.constant 0 : i32
    %dma_wait3A_415 = arith.constant 0 : i32
    %dma_wait3A_416 = tpu.memref_slice %arg4[%dma_wait3A_412, %dma_wait3A_414, %dma_wait3A_415] : memref<3x40x1024xf32, #tpu.memory_space<vmem>> -> memref<1x40x1024xf32, #tpu.memory_space<vmem>>
    %dma_wait3A_417 = tpu.memref_squeeze %dma_wait3A_416 : memref<1x40x1024xf32, #tpu.memory_space<vmem>> -> memref<40x1024xf32, #tpu.memory_space<vmem>>
    %dma_wait3A_418 = arith.constant 0 : i32
    %dma_wait3A_419 = tpu.memref_slice %arg3[%add3A_181, %dma_wait3A_413, %dma_wait3A_418] : memref<8192x4x1024xf32, #tpu.memory_space<hbm>> -> memref<40x1x1024xf32, #tpu.memory_space<hbm>>
    %dma_wait3A_420 = tpu.memref_squeeze %dma_wait3A_419 : memref<40x1x1024xf32, #tpu.memory_space<hbm>> -> memref<40x1024xf32, #tpu.memory_space<hbm>>
    %dma_wait3A_421 = arith.constant 0 : i32
    %dma_wait3A_422 = tpu.memref_slice %arg3[%add3A_181, %dma_wait3A_413, %dma_wait3A_421] : memref<8192x4x1024xf32, #tpu.memory_space<hbm>> -> memref<40x1x1024xf32, #tpu.memory_space<hbm>>
    %dma_wait3A_423 = tpu.memref_squeeze %dma_wait3A_422 : memref<40x1x1024xf32, #tpu.memory_space<hbm>> -> memref<40x1024xf32, #tpu.memory_space<hbm>>
    %dma_wait3A_424 = arith.constant 0 : i32
    %dma_wait3A_425 = arith.constant 0 : i32
    %dma_wait3A_426 = tpu.memref_slice %arg4[%dma_wait3A_412, %dma_wait3A_424, %dma_wait3A_425] : memref<3x40x1024xf32, #tpu.memory_space<vmem>> -> memref<1x40x1024xf32, #tpu.memory_space<vmem>>
    %dma_wait3A_427 = tpu.memref_squeeze %dma_wait3A_426 : memref<1x40x1024xf32, #tpu.memory_space<vmem>> -> memref<40x1024xf32, #tpu.memory_space<vmem>>
    tpu.wait_dma2 semaphore(%arg6 : memref<!tpu.dma_semaphore, #tpu.memory_space<semaphore_mem>>) src(%dma_wait3A_427 : memref<40x1024xf32, #tpu.memory_space<vmem>>) dst(%dma_wait3A_423 : memref<40x1024xf32, #tpu.memory_space<hbm>>)
    %dma_wait3A_428 = arith.constant 1 : i32
    %dma_wait3A_429 = arith.constant 3 : i32
    %dma_wait3A_430 = arith.constant 0 : i32
    %dma_wait3A_431 = arith.constant 0 : i32
    %dma_wait3A_432 = tpu.memref_slice %arg4[%dma_wait3A_428, %dma_wait3A_430, %dma_wait3A_431] : memref<3x40x1024xf32, #tpu.memory_space<vmem>> -> memref<1x40x1024xf32, #tpu.memory_space<vmem>>
    %dma_wait3A_433 = tpu.memref_squeeze %dma_wait3A_432 : memref<1x40x1024xf32, #tpu.memory_space<vmem>> -> memref<40x1024xf32, #tpu.memory_space<vmem>>
    %dma_wait3A_434 = arith.constant 0 : i32
    %dma_wait3A_435 = tpu.memref_slice %arg3[%add3A_199, %dma_wait3A_429, %dma_wait3A_434] : memref<8192x4x1024xf32, #tpu.memory_space<hbm>> -> memref<40x1x1024xf32, #tpu.memory_space<hbm>>
    %dma_wait3A_436 = tpu.memref_squeeze %dma_wait3A_435 : memref<40x1x1024xf32, #tpu.memory_space<hbm>> -> memref<40x1024xf32, #tpu.memory_space<hbm>>
    %dma_wait3A_437 = arith.constant 0 : i32
    %dma_wait3A_438 = tpu.memref_slice %arg3[%add3A_199, %dma_wait3A_429, %dma_wait3A_437] : memref<8192x4x1024xf32, #tpu.memory_space<hbm>> -> memref<40x1x1024xf32, #tpu.memory_space<hbm>>
    %dma_wait3A_439 = tpu.memref_squeeze %dma_wait3A_438 : memref<40x1x1024xf32, #tpu.memory_space<hbm>> -> memref<40x1024xf32, #tpu.memory_space<hbm>>
    %dma_wait3A_440 = arith.constant 0 : i32
    %dma_wait3A_441 = arith.constant 0 : i32
    %dma_wait3A_442 = tpu.memref_slice %arg4[%dma_wait3A_428, %dma_wait3A_440, %dma_wait3A_441] : memref<3x40x1024xf32, #tpu.memory_space<vmem>> -> memref<1x40x1024xf32, #tpu.memory_space<vmem>>
    %dma_wait3A_443 = tpu.memref_squeeze %dma_wait3A_442 : memref<1x40x1024xf32, #tpu.memory_space<vmem>> -> memref<40x1024xf32, #tpu.memory_space<vmem>>
    tpu.wait_dma2 semaphore(%arg6 : memref<!tpu.dma_semaphore, #tpu.memory_space<semaphore_mem>>) src(%dma_wait3A_443 : memref<40x1024xf32, #tpu.memory_space<vmem>>) dst(%dma_wait3A_439 : memref<40x1024xf32, #tpu.memory_space<hbm>>)
    %add3A_444 = arith.constant 160 : i32
    %add3A_445 = arith.addi %mul3A_2, %add3A_444 : i32
    %dma_start3A_446 = arith.constant 1 : i32
    %dma_start3A_447 = arith.constant 0 : i32
    %dma_start3A_448 = arith.constant 0 : i32
    %dma_start3A_449 = tpu.memref_slice %arg4[%dma_start3A_446, %dma_start3A_447, %dma_start3A_448] : memref<3x40x1024xf32, #tpu.memory_space<vmem>> -> memref<1x40x1024xf32, #tpu.memory_space<vmem>>
    %dma_start3A_450 = tpu.memref_squeeze %dma_start3A_449 : memref<1x40x1024xf32, #tpu.memory_space<vmem>> -> memref<40x1024xf32, #tpu.memory_space<vmem>>
    %dma_start3A_451 = arith.constant 0 : i32
    %dma_start3A_452 = tpu.memref_slice %arg2[%add3A_445, %dma_start3A_451] : memref<8192x1024xf32, #tpu.memory_space<hbm>> -> memref<40x1024xf32, #tpu.memory_space<hbm>>
    %dma_start3A_453 = arith.constant 0 : i32
    %dma_start3A_454 = arith.constant 0 : i32
    %dma_start3A_455 = tpu.memref_slice %arg4[%dma_start3A_446, %dma_start3A_453, %dma_start3A_454] : memref<3x40x1024xf32, #tpu.memory_space<vmem>> -> memref<1x40x1024xf32, #tpu.memory_space<vmem>>
    %dma_start3A_456 = tpu.memref_squeeze %dma_start3A_455 : memref<1x40x1024xf32, #tpu.memory_space<vmem>> -> memref<40x1024xf32, #tpu.memory_space<vmem>>
    %dma_start3A_457 = arith.constant 0 : i32
    %dma_start3A_458 = tpu.memref_slice %arg2[%add3A_445, %dma_start3A_457] : memref<8192x1024xf32, #tpu.memory_space<hbm>> -> memref<40x1024xf32, #tpu.memory_space<hbm>>
    tpu.enqueue_dma source(%dma_start3A_458 : memref<40x1024xf32, #tpu.memory_space<hbm>>) target(%dma_start3A_456 : memref<40x1024xf32, #tpu.memory_space<vmem>>) target_semaphore(%arg5 : memref<!tpu.dma_semaphore, #tpu.memory_space<semaphore_mem>>)
    %dma_wait3A_459 = arith.constant 0 : i32
    %dma_wait3A_460 = arith.constant 0 : i32
    %dma_wait3A_461 = arith.constant 0 : i32
    %dma_wait3A_462 = tpu.memref_slice %arg4[%dma_wait3A_459, %dma_wait3A_460, %dma_wait3A_461] : memref<3x40x1024xf32, #tpu.memory_space<vmem>> -> memref<1x40x1024xf32, #tpu.memory_space<vmem>>
    %dma_wait3A_463 = tpu.memref_squeeze %dma_wait3A_462 : memref<1x40x1024xf32, #tpu.memory_space<vmem>> -> memref<40x1024xf32, #tpu.memory_space<vmem>>
    %dma_wait3A_464 = arith.constant 0 : i32
    %dma_wait3A_465 = tpu.memref_slice %arg2[%add3A_281, %dma_wait3A_464] : memref<8192x1024xf32, #tpu.memory_space<hbm>> -> memref<40x1024xf32, #tpu.memory_space<hbm>>
    %dma_wait3A_466 = arith.constant 0 : i32
    %dma_wait3A_467 = arith.constant 0 : i32
    %dma_wait3A_468 = tpu.memref_slice %arg4[%dma_wait3A_459, %dma_wait3A_466, %dma_wait3A_467] : memref<3x40x1024xf32, #tpu.memory_space<vmem>> -> memref<1x40x1024xf32, #tpu.memory_space<vmem>>
    %dma_wait3A_469 = tpu.memref_squeeze %dma_wait3A_468 : memref<1x40x1024xf32, #tpu.memory_space<vmem>> -> memref<40x1024xf32, #tpu.memory_space<vmem>>
    %dma_wait3A_470 = arith.constant 0 : i32
    %dma_wait3A_471 = tpu.memref_slice %arg2[%add3A_281, %dma_wait3A_470] : memref<8192x1024xf32, #tpu.memory_space<hbm>> -> memref<40x1024xf32, #tpu.memory_space<hbm>>
    tpu.wait_dma2 semaphore(%arg5 : memref<!tpu.dma_semaphore, #tpu.memory_space<semaphore_mem>>) src(%dma_wait3A_471 : memref<40x1024xf32, #tpu.memory_space<hbm>>) dst(%dma_wait3A_469 : memref<40x1024xf32, #tpu.memory_space<vmem>>)
    %add3A_472 = arith.constant 120 : i32
    %add3A_473 = arith.addi %mul3A_2, %add3A_472 : i32
    %dma_start3A_474 = arith.constant 0 : i32
    %dma_start3A_475 = arith.constant 0 : i32
    %dma_start3A_476 = arith.constant 0 : i32
    %dma_start3A_477 = arith.constant 0 : i32
    %dma_start3A_478 = tpu.memref_slice %arg4[%dma_start3A_474, %dma_start3A_476, %dma_start3A_477] : memref<3x40x1024xf32, #tpu.memory_space<vmem>> -> memref<1x40x1024xf32, #tpu.memory_space<vmem>>
    %dma_start3A_479 = tpu.memref_squeeze %dma_start3A_478 : memref<1x40x1024xf32, #tpu.memory_space<vmem>> -> memref<40x1024xf32, #tpu.memory_space<vmem>>
    %dma_start3A_480 = arith.constant 0 : i32
    %dma_start3A_481 = tpu.memref_slice %arg3[%add3A_473, %dma_start3A_475, %dma_start3A_480] : memref<8192x4x1024xf32, #tpu.memory_space<hbm>> -> memref<40x1x1024xf32, #tpu.memory_space<hbm>>
    %dma_start3A_482 = tpu.memref_squeeze %dma_start3A_481 : memref<40x1x1024xf32, #tpu.memory_space<hbm>> -> memref<40x1024xf32, #tpu.memory_space<hbm>>
    %dma_start3A_483 = arith.constant 0 : i32
    %dma_start3A_484 = tpu.memref_slice %arg3[%add3A_473, %dma_start3A_475, %dma_start3A_483] : memref<8192x4x1024xf32, #tpu.memory_space<hbm>> -> memref<40x1x1024xf32, #tpu.memory_space<hbm>>
    %dma_start3A_485 = tpu.memref_squeeze %dma_start3A_484 : memref<40x1x1024xf32, #tpu.memory_space<hbm>> -> memref<40x1024xf32, #tpu.memory_space<hbm>>
    %dma_start3A_486 = arith.constant 0 : i32
    %dma_start3A_487 = arith.constant 0 : i32
    %dma_start3A_488 = tpu.memref_slice %arg4[%dma_start3A_474, %dma_start3A_486, %dma_start3A_487] : memref<3x40x1024xf32, #tpu.memory_space<vmem>> -> memref<1x40x1024xf32, #tpu.memory_space<vmem>>
    %dma_start3A_489 = tpu.memref_squeeze %dma_start3A_488 : memref<1x40x1024xf32, #tpu.memory_space<vmem>> -> memref<40x1024xf32, #tpu.memory_space<vmem>>
    tpu.enqueue_dma source(%dma_start3A_489 : memref<40x1024xf32, #tpu.memory_space<vmem>>) target(%dma_start3A_485 : memref<40x1024xf32, #tpu.memory_space<hbm>>) target_semaphore(%arg6 : memref<!tpu.dma_semaphore, #tpu.memory_space<semaphore_mem>>)
    %add3A_490 = arith.constant 120 : i32
    %add3A_491 = arith.addi %mul3A_2, %add3A_490 : i32
    %dma_start3A_492 = arith.constant 0 : i32
    %dma_start3A_493 = arith.constant 1 : i32
    %dma_start3A_494 = arith.constant 0 : i32
    %dma_start3A_495 = arith.constant 0 : i32
    %dma_start3A_496 = tpu.memref_slice %arg4[%dma_start3A_492, %dma_start3A_494, %dma_start3A_495] : memref<3x40x1024xf32, #tpu.memory_space<vmem>> -> memref<1x40x1024xf32, #tpu.memory_space<vmem>>
    %dma_start3A_497 = tpu.memref_squeeze %dma_start3A_496 : memref<1x40x1024xf32, #tpu.memory_space<vmem>> -> memref<40x1024xf32, #tpu.memory_space<vmem>>
    %dma_start3A_498 = arith.constant 0 : i32
    %dma_start3A_499 = tpu.memref_slice %arg3[%add3A_491, %dma_start3A_493, %dma_start3A_498] : memref<8192x4x1024xf32, #tpu.memory_space<hbm>> -> memref<40x1x1024xf32, #tpu.memory_space<hbm>>
    %dma_start3A_500 = tpu.memref_squeeze %dma_start3A_499 : memref<40x1x1024xf32, #tpu.memory_space<hbm>> -> memref<40x1024xf32, #tpu.memory_space<hbm>>
    %dma_start3A_501 = arith.constant 0 : i32
    %dma_start3A_502 = tpu.memref_slice %arg3[%add3A_491, %dma_start3A_493, %dma_start3A_501] : memref<8192x4x1024xf32, #tpu.memory_space<hbm>> -> memref<40x1x1024xf32, #tpu.memory_space<hbm>>
    %dma_start3A_503 = tpu.memref_squeeze %dma_start3A_502 : memref<40x1x1024xf32, #tpu.memory_space<hbm>> -> memref<40x1024xf32, #tpu.memory_space<hbm>>
    %dma_start3A_504 = arith.constant 0 : i32
    %dma_start3A_505 = arith.constant 0 : i32
    %dma_start3A_506 = tpu.memref_slice %arg4[%dma_start3A_492, %dma_start3A_504, %dma_start3A_505] : memref<3x40x1024xf32, #tpu.memory_space<vmem>> -> memref<1x40x1024xf32, #tpu.memory_space<vmem>>
    %dma_start3A_507 = tpu.memref_squeeze %dma_start3A_506 : memref<1x40x1024xf32, #tpu.memory_space<vmem>> -> memref<40x1024xf32, #tpu.memory_space<vmem>>
    tpu.enqueue_dma source(%dma_start3A_507 : memref<40x1024xf32, #tpu.memory_space<vmem>>) target(%dma_start3A_503 : memref<40x1024xf32, #tpu.memory_space<hbm>>) target_semaphore(%arg6 : memref<!tpu.dma_semaphore, #tpu.memory_space<semaphore_mem>>)
    %add3A_508 = arith.constant 120 : i32
    %add3A_509 = arith.addi %mul3A_2, %add3A_508 : i32
    %dma_start3A_510 = arith.constant 0 : i32
    %dma_start3A_511 = arith.constant 2 : i32
    %dma_start3A_512 = arith.constant 0 : i32
    %dma_start3A_513 = arith.constant 0 : i32
    %dma_start3A_514 = tpu.memref_slice %arg4[%dma_start3A_510, %dma_start3A_512, %dma_start3A_513] : memref<3x40x1024xf32, #tpu.memory_space<vmem>> -> memref<1x40x1024xf32, #tpu.memory_space<vmem>>
    %dma_start3A_515 = tpu.memref_squeeze %dma_start3A_514 : memref<1x40x1024xf32, #tpu.memory_space<vmem>> -> memref<40x1024xf32, #tpu.memory_space<vmem>>
    %dma_start3A_516 = arith.constant 0 : i32
    %dma_start3A_517 = tpu.memref_slice %arg3[%add3A_509, %dma_start3A_511, %dma_start3A_516] : memref<8192x4x1024xf32, #tpu.memory_space<hbm>> -> memref<40x1x1024xf32, #tpu.memory_space<hbm>>
    %dma_start3A_518 = tpu.memref_squeeze %dma_start3A_517 : memref<40x1x1024xf32, #tpu.memory_space<hbm>> -> memref<40x1024xf32, #tpu.memory_space<hbm>>
    %dma_start3A_519 = arith.constant 0 : i32
    %dma_start3A_520 = tpu.memref_slice %arg3[%add3A_509, %dma_start3A_511, %dma_start3A_519] : memref<8192x4x1024xf32, #tpu.memory_space<hbm>> -> memref<40x1x1024xf32, #tpu.memory_space<hbm>>
    %dma_start3A_521 = tpu.memref_squeeze %dma_start3A_520 : memref<40x1x1024xf32, #tpu.memory_space<hbm>> -> memref<40x1024xf32, #tpu.memory_space<hbm>>
    %dma_start3A_522 = arith.constant 0 : i32
    %dma_start3A_523 = arith.constant 0 : i32
    %dma_start3A_524 = tpu.memref_slice %arg4[%dma_start3A_510, %dma_start3A_522, %dma_start3A_523] : memref<3x40x1024xf32, #tpu.memory_space<vmem>> -> memref<1x40x1024xf32, #tpu.memory_space<vmem>>
    %dma_start3A_525 = tpu.memref_squeeze %dma_start3A_524 : memref<1x40x1024xf32, #tpu.memory_space<vmem>> -> memref<40x1024xf32, #tpu.memory_space<vmem>>
    tpu.enqueue_dma source(%dma_start3A_525 : memref<40x1024xf32, #tpu.memory_space<vmem>>) target(%dma_start3A_521 : memref<40x1024xf32, #tpu.memory_space<hbm>>) target_semaphore(%arg6 : memref<!tpu.dma_semaphore, #tpu.memory_space<semaphore_mem>>)
    %add3A_526 = arith.constant 120 : i32
    %add3A_527 = arith.addi %mul3A_2, %add3A_526 : i32
    %dma_start3A_528 = arith.constant 0 : i32
    %dma_start3A_529 = arith.constant 3 : i32
    %dma_start3A_530 = arith.constant 0 : i32
    %dma_start3A_531 = arith.constant 0 : i32
    %dma_start3A_532 = tpu.memref_slice %arg4[%dma_start3A_528, %dma_start3A_530, %dma_start3A_531] : memref<3x40x1024xf32, #tpu.memory_space<vmem>> -> memref<1x40x1024xf32, #tpu.memory_space<vmem>>
    %dma_start3A_533 = tpu.memref_squeeze %dma_start3A_532 : memref<1x40x1024xf32, #tpu.memory_space<vmem>> -> memref<40x1024xf32, #tpu.memory_space<vmem>>
    %dma_start3A_534 = arith.constant 0 : i32
    %dma_start3A_535 = tpu.memref_slice %arg3[%add3A_527, %dma_start3A_529, %dma_start3A_534] : memref<8192x4x1024xf32, #tpu.memory_space<hbm>> -> memref<40x1x1024xf32, #tpu.memory_space<hbm>>
    %dma_start3A_536 = tpu.memref_squeeze %dma_start3A_535 : memref<40x1x1024xf32, #tpu.memory_space<hbm>> -> memref<40x1024xf32, #tpu.memory_space<hbm>>
    %dma_start3A_537 = arith.constant 0 : i32
    %dma_start3A_538 = tpu.memref_slice %arg3[%add3A_527, %dma_start3A_529, %dma_start3A_537] : memref<8192x4x1024xf32, #tpu.memory_space<hbm>> -> memref<40x1x1024xf32, #tpu.memory_space<hbm>>
    %dma_start3A_539 = tpu.memref_squeeze %dma_start3A_538 : memref<40x1x1024xf32, #tpu.memory_space<hbm>> -> memref<40x1024xf32, #tpu.memory_space<hbm>>
    %dma_start3A_540 = arith.constant 0 : i32
    %dma_start3A_541 = arith.constant 0 : i32
    %dma_start3A_542 = tpu.memref_slice %arg4[%dma_start3A_528, %dma_start3A_540, %dma_start3A_541] : memref<3x40x1024xf32, #tpu.memory_space<vmem>> -> memref<1x40x1024xf32, #tpu.memory_space<vmem>>
    %dma_start3A_543 = tpu.memref_squeeze %dma_start3A_542 : memref<1x40x1024xf32, #tpu.memory_space<vmem>> -> memref<40x1024xf32, #tpu.memory_space<vmem>>
    tpu.enqueue_dma source(%dma_start3A_543 : memref<40x1024xf32, #tpu.memory_space<vmem>>) target(%dma_start3A_539 : memref<40x1024xf32, #tpu.memory_space<hbm>>) target_semaphore(%arg6 : memref<!tpu.dma_semaphore, #tpu.memory_space<semaphore_mem>>)
    %dma_wait3A_544 = arith.constant 2 : i32
    %dma_wait3A_545 = arith.constant 0 : i32
    %dma_wait3A_546 = arith.constant 0 : i32
    %dma_wait3A_547 = arith.constant 0 : i32
    %dma_wait3A_548 = tpu.memref_slice %arg4[%dma_wait3A_544, %dma_wait3A_546, %dma_wait3A_547] : memref<3x40x1024xf32, #tpu.memory_space<vmem>> -> memref<1x40x1024xf32, #tpu.memory_space<vmem>>
    %dma_wait3A_549 = tpu.memref_squeeze %dma_wait3A_548 : memref<1x40x1024xf32, #tpu.memory_space<vmem>> -> memref<40x1024xf32, #tpu.memory_space<vmem>>
    %dma_wait3A_550 = arith.constant 0 : i32
    %dma_wait3A_551 = tpu.memref_slice %arg3[%add3A_309, %dma_wait3A_545, %dma_wait3A_550] : memref<8192x4x1024xf32, #tpu.memory_space<hbm>> -> memref<40x1x1024xf32, #tpu.memory_space<hbm>>
    %dma_wait3A_552 = tpu.memref_squeeze %dma_wait3A_551 : memref<40x1x1024xf32, #tpu.memory_space<hbm>> -> memref<40x1024xf32, #tpu.memory_space<hbm>>
    %dma_wait3A_553 = arith.constant 0 : i32
    %dma_wait3A_554 = tpu.memref_slice %arg3[%add3A_309, %dma_wait3A_545, %dma_wait3A_553] : memref<8192x4x1024xf32, #tpu.memory_space<hbm>> -> memref<40x1x1024xf32, #tpu.memory_space<hbm>>
    %dma_wait3A_555 = tpu.memref_squeeze %dma_wait3A_554 : memref<40x1x1024xf32, #tpu.memory_space<hbm>> -> memref<40x1024xf32, #tpu.memory_space<hbm>>
    %dma_wait3A_556 = arith.constant 0 : i32
    %dma_wait3A_557 = arith.constant 0 : i32
    %dma_wait3A_558 = tpu.memref_slice %arg4[%dma_wait3A_544, %dma_wait3A_556, %dma_wait3A_557] : memref<3x40x1024xf32, #tpu.memory_space<vmem>> -> memref<1x40x1024xf32, #tpu.memory_space<vmem>>
    %dma_wait3A_559 = tpu.memref_squeeze %dma_wait3A_558 : memref<1x40x1024xf32, #tpu.memory_space<vmem>> -> memref<40x1024xf32, #tpu.memory_space<vmem>>
    tpu.wait_dma2 semaphore(%arg6 : memref<!tpu.dma_semaphore, #tpu.memory_space<semaphore_mem>>) src(%dma_wait3A_559 : memref<40x1024xf32, #tpu.memory_space<vmem>>) dst(%dma_wait3A_555 : memref<40x1024xf32, #tpu.memory_space<hbm>>)
    %dma_wait3A_560 = arith.constant 2 : i32
    %dma_wait3A_561 = arith.constant 1 : i32
    %dma_wait3A_562 = arith.constant 0 : i32
    %dma_wait3A_563 = arith.constant 0 : i32
    %dma_wait3A_564 = tpu.memref_slice %arg4[%dma_wait3A_560, %dma_wait3A_562, %dma_wait3A_563] : memref<3x40x1024xf32, #tpu.memory_space<vmem>> -> memref<1x40x1024xf32, #tpu.memory_space<vmem>>
    %dma_wait3A_565 = tpu.memref_squeeze %dma_wait3A_564 : memref<1x40x1024xf32, #tpu.memory_space<vmem>> -> memref<40x1024xf32, #tpu.memory_space<vmem>>
    %dma_wait3A_566 = arith.constant 0 : i32
    %dma_wait3A_567 = tpu.memref_slice %arg3[%add3A_327, %dma_wait3A_561, %dma_wait3A_566] : memref<8192x4x1024xf32, #tpu.memory_space<hbm>> -> memref<40x1x1024xf32, #tpu.memory_space<hbm>>
    %dma_wait3A_568 = tpu.memref_squeeze %dma_wait3A_567 : memref<40x1x1024xf32, #tpu.memory_space<hbm>> -> memref<40x1024xf32, #tpu.memory_space<hbm>>
    %dma_wait3A_569 = arith.constant 0 : i32
    %dma_wait3A_570 = tpu.memref_slice %arg3[%add3A_327, %dma_wait3A_561, %dma_wait3A_569] : memref<8192x4x1024xf32, #tpu.memory_space<hbm>> -> memref<40x1x1024xf32, #tpu.memory_space<hbm>>
    %dma_wait3A_571 = tpu.memref_squeeze %dma_wait3A_570 : memref<40x1x1024xf32, #tpu.memory_space<hbm>> -> memref<40x1024xf32, #tpu.memory_space<hbm>>
    %dma_wait3A_572 = arith.constant 0 : i32
    %dma_wait3A_573 = arith.constant 0 : i32
    %dma_wait3A_574 = tpu.memref_slice %arg4[%dma_wait3A_560, %dma_wait3A_572, %dma_wait3A_573] : memref<3x40x1024xf32, #tpu.memory_space<vmem>> -> memref<1x40x1024xf32, #tpu.memory_space<vmem>>
    %dma_wait3A_575 = tpu.memref_squeeze %dma_wait3A_574 : memref<1x40x1024xf32, #tpu.memory_space<vmem>> -> memref<40x1024xf32, #tpu.memory_space<vmem>>
    tpu.wait_dma2 semaphore(%arg6 : memref<!tpu.dma_semaphore, #tpu.memory_space<semaphore_mem>>) src(%dma_wait3A_575 : memref<40x1024xf32, #tpu.memory_space<vmem>>) dst(%dma_wait3A_571 : memref<40x1024xf32, #tpu.memory_space<hbm>>)
    %dma_wait3A_576 = arith.constant 2 : i32
    %dma_wait3A_577 = arith.constant 2 : i32
    %dma_wait3A_578 = arith.constant 0 : i32
    %dma_wait3A_579 = arith.constant 0 : i32
    %dma_wait3A_580 = tpu.memref_slice %arg4[%dma_wait3A_576, %dma_wait3A_578, %dma_wait3A_579] : memref<3x40x1024xf32, #tpu.memory_space<vmem>> -> memref<1x40x1024xf32, #tpu.memory_space<vmem>>
    %dma_wait3A_581 = tpu.memref_squeeze %dma_wait3A_580 : memref<1x40x1024xf32, #tpu.memory_space<vmem>> -> memref<40x1024xf32, #tpu.memory_space<vmem>>
    %dma_wait3A_582 = arith.constant 0 : i32
    %dma_wait3A_583 = tpu.memref_slice %arg3[%add3A_345, %dma_wait3A_577, %dma_wait3A_582] : memref<8192x4x1024xf32, #tpu.memory_space<hbm>> -> memref<40x1x1024xf32, #tpu.memory_space<hbm>>
    %dma_wait3A_584 = tpu.memref_squeeze %dma_wait3A_583 : memref<40x1x1024xf32, #tpu.memory_space<hbm>> -> memref<40x1024xf32, #tpu.memory_space<hbm>>
    %dma_wait3A_585 = arith.constant 0 : i32
    %dma_wait3A_586 = tpu.memref_slice %arg3[%add3A_345, %dma_wait3A_577, %dma_wait3A_585] : memref<8192x4x1024xf32, #tpu.memory_space<hbm>> -> memref<40x1x1024xf32, #tpu.memory_space<hbm>>
    %dma_wait3A_587 = tpu.memref_squeeze %dma_wait3A_586 : memref<40x1x1024xf32, #tpu.memory_space<hbm>> -> memref<40x1024xf32, #tpu.memory_space<hbm>>
    %dma_wait3A_588 = arith.constant 0 : i32
    %dma_wait3A_589 = arith.constant 0 : i32
    %dma_wait3A_590 = tpu.memref_slice %arg4[%dma_wait3A_576, %dma_wait3A_588, %dma_wait3A_589] : memref<3x40x1024xf32, #tpu.memory_space<vmem>> -> memref<1x40x1024xf32, #tpu.memory_space<vmem>>
    %dma_wait3A_591 = tpu.memref_squeeze %dma_wait3A_590 : memref<1x40x1024xf32, #tpu.memory_space<vmem>> -> memref<40x1024xf32, #tpu.memory_space<vmem>>
    tpu.wait_dma2 semaphore(%arg6 : memref<!tpu.dma_semaphore, #tpu.memory_space<semaphore_mem>>) src(%dma_wait3A_591 : memref<40x1024xf32, #tpu.memory_space<vmem>>) dst(%dma_wait3A_587 : memref<40x1024xf32, #tpu.memory_space<hbm>>)
    %dma_wait3A_592 = arith.constant 2 : i32
    %dma_wait3A_593 = arith.constant 3 : i32
    %dma_wait3A_594 = arith.constant 0 : i32
    %dma_wait3A_595 = arith.constant 0 : i32
    %dma_wait3A_596 = tpu.memref_slice %arg4[%dma_wait3A_592, %dma_wait3A_594, %dma_wait3A_595] : memref<3x40x1024xf32, #tpu.memory_space<vmem>> -> memref<1x40x1024xf32, #tpu.memory_space<vmem>>
    %dma_wait3A_597 = tpu.memref_squeeze %dma_wait3A_596 : memref<1x40x1024xf32, #tpu.memory_space<vmem>> -> memref<40x1024xf32, #tpu.memory_space<vmem>>
    %dma_wait3A_598 = arith.constant 0 : i32
    %dma_wait3A_599 = tpu.memref_slice %arg3[%add3A_363, %dma_wait3A_593, %dma_wait3A_598] : memref<8192x4x1024xf32, #tpu.memory_space<hbm>> -> memref<40x1x1024xf32, #tpu.memory_space<hbm>>
    %dma_wait3A_600 = tpu.memref_squeeze %dma_wait3A_599 : memref<40x1x1024xf32, #tpu.memory_space<hbm>> -> memref<40x1024xf32, #tpu.memory_space<hbm>>
    %dma_wait3A_601 = arith.constant 0 : i32
    %dma_wait3A_602 = tpu.memref_slice %arg3[%add3A_363, %dma_wait3A_593, %dma_wait3A_601] : memref<8192x4x1024xf32, #tpu.memory_space<hbm>> -> memref<40x1x1024xf32, #tpu.memory_space<hbm>>
    %dma_wait3A_603 = tpu.memref_squeeze %dma_wait3A_602 : memref<40x1x1024xf32, #tpu.memory_space<hbm>> -> memref<40x1024xf32, #tpu.memory_space<hbm>>
    %dma_wait3A_604 = arith.constant 0 : i32
    %dma_wait3A_605 = arith.constant 0 : i32
    %dma_wait3A_606 = tpu.memref_slice %arg4[%dma_wait3A_592, %dma_wait3A_604, %dma_wait3A_605] : memref<3x40x1024xf32, #tpu.memory_space<vmem>> -> memref<1x40x1024xf32, #tpu.memory_space<vmem>>
    %dma_wait3A_607 = tpu.memref_squeeze %dma_wait3A_606 : memref<1x40x1024xf32, #tpu.memory_space<vmem>> -> memref<40x1024xf32, #tpu.memory_space<vmem>>
    tpu.wait_dma2 semaphore(%arg6 : memref<!tpu.dma_semaphore, #tpu.memory_space<semaphore_mem>>) src(%dma_wait3A_607 : memref<40x1024xf32, #tpu.memory_space<vmem>>) dst(%dma_wait3A_603 : memref<40x1024xf32, #tpu.memory_space<hbm>>)
    %add3A_608 = arith.constant 200 : i32
    %add3A_609 = arith.addi %mul3A_2, %add3A_608 : i32
    %dma_start3A_610 = arith.constant 2 : i32
    %dma_start3A_611 = arith.constant 0 : i32
    %dma_start3A_612 = arith.constant 0 : i32
    %dma_start3A_613 = tpu.memref_slice %arg4[%dma_start3A_610, %dma_start3A_611, %dma_start3A_612] : memref<3x40x1024xf32, #tpu.memory_space<vmem>> -> memref<1x40x1024xf32, #tpu.memory_space<vmem>>
    %dma_start3A_614 = tpu.memref_squeeze %dma_start3A_613 : memref<1x40x1024xf32, #tpu.memory_space<vmem>> -> memref<40x1024xf32, #tpu.memory_space<vmem>>
    %dma_start3A_615 = arith.constant 0 : i32
    %dma_start3A_616 = tpu.memref_slice %arg2[%add3A_609, %dma_start3A_615] : memref<8192x1024xf32, #tpu.memory_space<hbm>> -> memref<40x1024xf32, #tpu.memory_space<hbm>>
    %dma_start3A_617 = arith.constant 0 : i32
    %dma_start3A_618 = arith.constant 0 : i32
    %dma_start3A_619 = tpu.memref_slice %arg4[%dma_start3A_610, %dma_start3A_617, %dma_start3A_618] : memref<3x40x1024xf32, #tpu.memory_space<vmem>> -> memref<1x40x1024xf32, #tpu.memory_space<vmem>>
    %dma_start3A_620 = tpu.memref_squeeze %dma_start3A_619 : memref<1x40x1024xf32, #tpu.memory_space<vmem>> -> memref<40x1024xf32, #tpu.memory_space<vmem>>
    %dma_start3A_621 = arith.constant 0 : i32
    %dma_start3A_622 = tpu.memref_slice %arg2[%add3A_609, %dma_start3A_621] : memref<8192x1024xf32, #tpu.memory_space<hbm>> -> memref<40x1024xf32, #tpu.memory_space<hbm>>
    tpu.enqueue_dma source(%dma_start3A_622 : memref<40x1024xf32, #tpu.memory_space<hbm>>) target(%dma_start3A_620 : memref<40x1024xf32, #tpu.memory_space<vmem>>) target_semaphore(%arg5 : memref<!tpu.dma_semaphore, #tpu.memory_space<semaphore_mem>>)
    %dma_wait3A_623 = arith.constant 1 : i32
    %dma_wait3A_624 = arith.constant 0 : i32
    %dma_wait3A_625 = arith.constant 0 : i32
    %dma_wait3A_626 = tpu.memref_slice %arg4[%dma_wait3A_623, %dma_wait3A_624, %dma_wait3A_625] : memref<3x40x1024xf32, #tpu.memory_space<vmem>> -> memref<1x40x1024xf32, #tpu.memory_space<vmem>>
    %dma_wait3A_627 = tpu.memref_squeeze %dma_wait3A_626 : memref<1x40x1024xf32, #tpu.memory_space<vmem>> -> memref<40x1024xf32, #tpu.memory_space<vmem>>
    %dma_wait3A_628 = arith.constant 0 : i32
    %dma_wait3A_629 = tpu.memref_slice %arg2[%add3A_445, %dma_wait3A_628] : memref<8192x1024xf32, #tpu.memory_space<hbm>> -> memref<40x1024xf32, #tpu.memory_space<hbm>>
    %dma_wait3A_630 = arith.constant 0 : i32
    %dma_wait3A_631 = arith.constant 0 : i32
    %dma_wait3A_632 = tpu.memref_slice %arg4[%dma_wait3A_623, %dma_wait3A_630, %dma_wait3A_631] : memref<3x40x1024xf32, #tpu.memory_space<vmem>> -> memref<1x40x1024xf32, #tpu.memory_space<vmem>>
    %dma_wait3A_633 = tpu.memref_squeeze %dma_wait3A_632 : memref<1x40x1024xf32, #tpu.memory_space<vmem>> -> memref<40x1024xf32, #tpu.memory_space<vmem>>
    %dma_wait3A_634 = arith.constant 0 : i32
    %dma_wait3A_635 = tpu.memref_slice %arg2[%add3A_445, %dma_wait3A_634] : memref<8192x1024xf32, #tpu.memory_space<hbm>> -> memref<40x1024xf32, #tpu.memory_space<hbm>>
    tpu.wait_dma2 semaphore(%arg5 : memref<!tpu.dma_semaphore, #tpu.memory_space<semaphore_mem>>) src(%dma_wait3A_635 : memref<40x1024xf32, #tpu.memory_space<hbm>>) dst(%dma_wait3A_633 : memref<40x1024xf32, #tpu.memory_space<vmem>>)
    %add3A_636 = arith.constant 160 : i32
    %add3A_637 = arith.addi %mul3A_2, %add3A_636 : i32
    %dma_start3A_638 = arith.constant 1 : i32
    %dma_start3A_639 = arith.constant 0 : i32
    %dma_start3A_640 = arith.constant 0 : i32
    %dma_start3A_641 = arith.constant 0 : i32
    %dma_start3A_642 = tpu.memref_slice %arg4[%dma_start3A_638, %dma_start3A_640, %dma_start3A_641] : memref<3x40x1024xf32, #tpu.memory_space<vmem>> -> memref<1x40x1024xf32, #tpu.memory_space<vmem>>
    %dma_start3A_643 = tpu.memref_squeeze %dma_start3A_642 : memref<1x40x1024xf32, #tpu.memory_space<vmem>> -> memref<40x1024xf32, #tpu.memory_space<vmem>>
    %dma_start3A_644 = arith.constant 0 : i32
    %dma_start3A_645 = tpu.memref_slice %arg3[%add3A_637, %dma_start3A_639, %dma_start3A_644] : memref<8192x4x1024xf32, #tpu.memory_space<hbm>> -> memref<40x1x1024xf32, #tpu.memory_space<hbm>>
    %dma_start3A_646 = tpu.memref_squeeze %dma_start3A_645 : memref<40x1x1024xf32, #tpu.memory_space<hbm>> -> memref<40x1024xf32, #tpu.memory_space<hbm>>
    %dma_start3A_647 = arith.constant 0 : i32
    %dma_start3A_648 = tpu.memref_slice %arg3[%add3A_637, %dma_start3A_639, %dma_start3A_647] : memref<8192x4x1024xf32, #tpu.memory_space<hbm>> -> memref<40x1x1024xf32, #tpu.memory_space<hbm>>
    %dma_start3A_649 = tpu.memref_squeeze %dma_start3A_648 : memref<40x1x1024xf32, #tpu.memory_space<hbm>> -> memref<40x1024xf32, #tpu.memory_space<hbm>>
    %dma_start3A_650 = arith.constant 0 : i32
    %dma_start3A_651 = arith.constant 0 : i32
    %dma_start3A_652 = tpu.memref_slice %arg4[%dma_start3A_638, %dma_start3A_650, %dma_start3A_651] : memref<3x40x1024xf32, #tpu.memory_space<vmem>> -> memref<1x40x1024xf32, #tpu.memory_space<vmem>>
    %dma_start3A_653 = tpu.memref_squeeze %dma_start3A_652 : memref<1x40x1024xf32, #tpu.memory_space<vmem>> -> memref<40x1024xf32, #tpu.memory_space<vmem>>
    tpu.enqueue_dma source(%dma_start3A_653 : memref<40x1024xf32, #tpu.memory_space<vmem>>) target(%dma_start3A_649 : memref<40x1024xf32, #tpu.memory_space<hbm>>) target_semaphore(%arg6 : memref<!tpu.dma_semaphore, #tpu.memory_space<semaphore_mem>>)
    %add3A_654 = arith.constant 160 : i32
    %add3A_655 = arith.addi %mul3A_2, %add3A_654 : i32
    %dma_start3A_656 = arith.constant 1 : i32
    %dma_start3A_657 = arith.constant 1 : i32
    %dma_start3A_658 = arith.constant 0 : i32
    %dma_start3A_659 = arith.constant 0 : i32
    %dma_start3A_660 = tpu.memref_slice %arg4[%dma_start3A_656, %dma_start3A_658, %dma_start3A_659] : memref<3x40x1024xf32, #tpu.memory_space<vmem>> -> memref<1x40x1024xf32, #tpu.memory_space<vmem>>
    %dma_start3A_661 = tpu.memref_squeeze %dma_start3A_660 : memref<1x40x1024xf32, #tpu.memory_space<vmem>> -> memref<40x1024xf32, #tpu.memory_space<vmem>>
    %dma_start3A_662 = arith.constant 0 : i32
    %dma_start3A_663 = tpu.memref_slice %arg3[%add3A_655, %dma_start3A_657, %dma_start3A_662] : memref<8192x4x1024xf32, #tpu.memory_space<hbm>> -> memref<40x1x1024xf32, #tpu.memory_space<hbm>>
    %dma_start3A_664 = tpu.memref_squeeze %dma_start3A_663 : memref<40x1x1024xf32, #tpu.memory_space<hbm>> -> memref<40x1024xf32, #tpu.memory_space<hbm>>
    %dma_start3A_665 = arith.constant 0 : i32
    %dma_start3A_666 = tpu.memref_slice %arg3[%add3A_655, %dma_start3A_657, %dma_start3A_665] : memref<8192x4x1024xf32, #tpu.memory_space<hbm>> -> memref<40x1x1024xf32, #tpu.memory_space<hbm>>
    %dma_start3A_667 = tpu.memref_squeeze %dma_start3A_666 : memref<40x1x1024xf32, #tpu.memory_space<hbm>> -> memref<40x1024xf32, #tpu.memory_space<hbm>>
    %dma_start3A_668 = arith.constant 0 : i32
    %dma_start3A_669 = arith.constant 0 : i32
    %dma_start3A_670 = tpu.memref_slice %arg4[%dma_start3A_656, %dma_start3A_668, %dma_start3A_669] : memref<3x40x1024xf32, #tpu.memory_space<vmem>> -> memref<1x40x1024xf32, #tpu.memory_space<vmem>>
    %dma_start3A_671 = tpu.memref_squeeze %dma_start3A_670 : memref<1x40x1024xf32, #tpu.memory_space<vmem>> -> memref<40x1024xf32, #tpu.memory_space<vmem>>
    tpu.enqueue_dma source(%dma_start3A_671 : memref<40x1024xf32, #tpu.memory_space<vmem>>) target(%dma_start3A_667 : memref<40x1024xf32, #tpu.memory_space<hbm>>) target_semaphore(%arg6 : memref<!tpu.dma_semaphore, #tpu.memory_space<semaphore_mem>>)
    %add3A_672 = arith.constant 160 : i32
    %add3A_673 = arith.addi %mul3A_2, %add3A_672 : i32
    %dma_start3A_674 = arith.constant 1 : i32
    %dma_start3A_675 = arith.constant 2 : i32
    %dma_start3A_676 = arith.constant 0 : i32
    %dma_start3A_677 = arith.constant 0 : i32
    %dma_start3A_678 = tpu.memref_slice %arg4[%dma_start3A_674, %dma_start3A_676, %dma_start3A_677] : memref<3x40x1024xf32, #tpu.memory_space<vmem>> -> memref<1x40x1024xf32, #tpu.memory_space<vmem>>
    %dma_start3A_679 = tpu.memref_squeeze %dma_start3A_678 : memref<1x40x1024xf32, #tpu.memory_space<vmem>> -> memref<40x1024xf32, #tpu.memory_space<vmem>>
    %dma_start3A_680 = arith.constant 0 : i32
    %dma_start3A_681 = tpu.memref_slice %arg3[%add3A_673, %dma_start3A_675, %dma_start3A_680] : memref<8192x4x1024xf32, #tpu.memory_space<hbm>> -> memref<40x1x1024xf32, #tpu.memory_space<hbm>>
    %dma_start3A_682 = tpu.memref_squeeze %dma_start3A_681 : memref<40x1x1024xf32, #tpu.memory_space<hbm>> -> memref<40x1024xf32, #tpu.memory_space<hbm>>
    %dma_start3A_683 = arith.constant 0 : i32
    %dma_start3A_684 = tpu.memref_slice %arg3[%add3A_673, %dma_start3A_675, %dma_start3A_683] : memref<8192x4x1024xf32, #tpu.memory_space<hbm>> -> memref<40x1x1024xf32, #tpu.memory_space<hbm>>
    %dma_start3A_685 = tpu.memref_squeeze %dma_start3A_684 : memref<40x1x1024xf32, #tpu.memory_space<hbm>> -> memref<40x1024xf32, #tpu.memory_space<hbm>>
    %dma_start3A_686 = arith.constant 0 : i32
    %dma_start3A_687 = arith.constant 0 : i32
    %dma_start3A_688 = tpu.memref_slice %arg4[%dma_start3A_674, %dma_start3A_686, %dma_start3A_687] : memref<3x40x1024xf32, #tpu.memory_space<vmem>> -> memref<1x40x1024xf32, #tpu.memory_space<vmem>>
    %dma_start3A_689 = tpu.memref_squeeze %dma_start3A_688 : memref<1x40x1024xf32, #tpu.memory_space<vmem>> -> memref<40x1024xf32, #tpu.memory_space<vmem>>
    tpu.enqueue_dma source(%dma_start3A_689 : memref<40x1024xf32, #tpu.memory_space<vmem>>) target(%dma_start3A_685 : memref<40x1024xf32, #tpu.memory_space<hbm>>) target_semaphore(%arg6 : memref<!tpu.dma_semaphore, #tpu.memory_space<semaphore_mem>>)
    %add3A_690 = arith.constant 160 : i32
    %add3A_691 = arith.addi %mul3A_2, %add3A_690 : i32
    %dma_start3A_692 = arith.constant 1 : i32
    %dma_start3A_693 = arith.constant 3 : i32
    %dma_start3A_694 = arith.constant 0 : i32
    %dma_start3A_695 = arith.constant 0 : i32
    %dma_start3A_696 = tpu.memref_slice %arg4[%dma_start3A_692, %dma_start3A_694, %dma_start3A_695] : memref<3x40x1024xf32, #tpu.memory_space<vmem>> -> memref<1x40x1024xf32, #tpu.memory_space<vmem>>
    %dma_start3A_697 = tpu.memref_squeeze %dma_start3A_696 : memref<1x40x1024xf32, #tpu.memory_space<vmem>> -> memref<40x1024xf32, #tpu.memory_space<vmem>>
    %dma_start3A_698 = arith.constant 0 : i32
    %dma_start3A_699 = tpu.memref_slice %arg3[%add3A_691, %dma_start3A_693, %dma_start3A_698] : memref<8192x4x1024xf32, #tpu.memory_space<hbm>> -> memref<40x1x1024xf32, #tpu.memory_space<hbm>>
    %dma_start3A_700 = tpu.memref_squeeze %dma_start3A_699 : memref<40x1x1024xf32, #tpu.memory_space<hbm>> -> memref<40x1024xf32, #tpu.memory_space<hbm>>
    %dma_start3A_701 = arith.constant 0 : i32
    %dma_start3A_702 = tpu.memref_slice %arg3[%add3A_691, %dma_start3A_693, %dma_start3A_701] : memref<8192x4x1024xf32, #tpu.memory_space<hbm>> -> memref<40x1x1024xf32, #tpu.memory_space<hbm>>
    %dma_start3A_703 = tpu.memref_squeeze %dma_start3A_702 : memref<40x1x1024xf32, #tpu.memory_space<hbm>> -> memref<40x1024xf32, #tpu.memory_space<hbm>>
    %dma_start3A_704 = arith.constant 0 : i32
    %dma_start3A_705 = arith.constant 0 : i32
    %dma_start3A_706 = tpu.memref_slice %arg4[%dma_start3A_692, %dma_start3A_704, %dma_start3A_705] : memref<3x40x1024xf32, #tpu.memory_space<vmem>> -> memref<1x40x1024xf32, #tpu.memory_space<vmem>>
    %dma_start3A_707 = tpu.memref_squeeze %dma_start3A_706 : memref<1x40x1024xf32, #tpu.memory_space<vmem>> -> memref<40x1024xf32, #tpu.memory_space<vmem>>
    tpu.enqueue_dma source(%dma_start3A_707 : memref<40x1024xf32, #tpu.memory_space<vmem>>) target(%dma_start3A_703 : memref<40x1024xf32, #tpu.memory_space<hbm>>) target_semaphore(%arg6 : memref<!tpu.dma_semaphore, #tpu.memory_space<semaphore_mem>>)
    %dma_wait3A_708 = arith.constant 0 : i32
    %dma_wait3A_709 = arith.constant 0 : i32
    %dma_wait3A_710 = arith.constant 0 : i32
    %dma_wait3A_711 = arith.constant 0 : i32
    %dma_wait3A_712 = tpu.memref_slice %arg4[%dma_wait3A_708, %dma_wait3A_710, %dma_wait3A_711] : memref<3x40x1024xf32, #tpu.memory_space<vmem>> -> memref<1x40x1024xf32, #tpu.memory_space<vmem>>
    %dma_wait3A_713 = tpu.memref_squeeze %dma_wait3A_712 : memref<1x40x1024xf32, #tpu.memory_space<vmem>> -> memref<40x1024xf32, #tpu.memory_space<vmem>>
    %dma_wait3A_714 = arith.constant 0 : i32
    %dma_wait3A_715 = tpu.memref_slice %arg3[%add3A_473, %dma_wait3A_709, %dma_wait3A_714] : memref<8192x4x1024xf32, #tpu.memory_space<hbm>> -> memref<40x1x1024xf32, #tpu.memory_space<hbm>>
    %dma_wait3A_716 = tpu.memref_squeeze %dma_wait3A_715 : memref<40x1x1024xf32, #tpu.memory_space<hbm>> -> memref<40x1024xf32, #tpu.memory_space<hbm>>
    %dma_wait3A_717 = arith.constant 0 : i32
    %dma_wait3A_718 = tpu.memref_slice %arg3[%add3A_473, %dma_wait3A_709, %dma_wait3A_717] : memref<8192x4x1024xf32, #tpu.memory_space<hbm>> -> memref<40x1x1024xf32, #tpu.memory_space<hbm>>
    %dma_wait3A_719 = tpu.memref_squeeze %dma_wait3A_718 : memref<40x1x1024xf32, #tpu.memory_space<hbm>> -> memref<40x1024xf32, #tpu.memory_space<hbm>>
    %dma_wait3A_720 = arith.constant 0 : i32
    %dma_wait3A_721 = arith.constant 0 : i32
    %dma_wait3A_722 = tpu.memref_slice %arg4[%dma_wait3A_708, %dma_wait3A_720, %dma_wait3A_721] : memref<3x40x1024xf32, #tpu.memory_space<vmem>> -> memref<1x40x1024xf32, #tpu.memory_space<vmem>>
    %dma_wait3A_723 = tpu.memref_squeeze %dma_wait3A_722 : memref<1x40x1024xf32, #tpu.memory_space<vmem>> -> memref<40x1024xf32, #tpu.memory_space<vmem>>
    tpu.wait_dma2 semaphore(%arg6 : memref<!tpu.dma_semaphore, #tpu.memory_space<semaphore_mem>>) src(%dma_wait3A_723 : memref<40x1024xf32, #tpu.memory_space<vmem>>) dst(%dma_wait3A_719 : memref<40x1024xf32, #tpu.memory_space<hbm>>)
    %dma_wait3A_724 = arith.constant 0 : i32
    %dma_wait3A_725 = arith.constant 1 : i32
    %dma_wait3A_726 = arith.constant 0 : i32
    %dma_wait3A_727 = arith.constant 0 : i32
    %dma_wait3A_728 = tpu.memref_slice %arg4[%dma_wait3A_724, %dma_wait3A_726, %dma_wait3A_727] : memref<3x40x1024xf32, #tpu.memory_space<vmem>> -> memref<1x40x1024xf32, #tpu.memory_space<vmem>>
    %dma_wait3A_729 = tpu.memref_squeeze %dma_wait3A_728 : memref<1x40x1024xf32, #tpu.memory_space<vmem>> -> memref<40x1024xf32, #tpu.memory_space<vmem>>
    %dma_wait3A_730 = arith.constant 0 : i32
    %dma_wait3A_731 = tpu.memref_slice %arg3[%add3A_491, %dma_wait3A_725, %dma_wait3A_730] : memref<8192x4x1024xf32, #tpu.memory_space<hbm>> -> memref<40x1x1024xf32, #tpu.memory_space<hbm>>
    %dma_wait3A_732 = tpu.memref_squeeze %dma_wait3A_731 : memref<40x1x1024xf32, #tpu.memory_space<hbm>> -> memref<40x1024xf32, #tpu.memory_space<hbm>>
    %dma_wait3A_733 = arith.constant 0 : i32
    %dma_wait3A_734 = tpu.memref_slice %arg3[%add3A_491, %dma_wait3A_725, %dma_wait3A_733] : memref<8192x4x1024xf32, #tpu.memory_space<hbm>> -> memref<40x1x1024xf32, #tpu.memory_space<hbm>>
    %dma_wait3A_735 = tpu.memref_squeeze %dma_wait3A_734 : memref<40x1x1024xf32, #tpu.memory_space<hbm>> -> memref<40x1024xf32, #tpu.memory_space<hbm>>
    %dma_wait3A_736 = arith.constant 0 : i32
    %dma_wait3A_737 = arith.constant 0 : i32
    %dma_wait3A_738 = tpu.memref_slice %arg4[%dma_wait3A_724, %dma_wait3A_736, %dma_wait3A_737] : memref<3x40x1024xf32, #tpu.memory_space<vmem>> -> memref<1x40x1024xf32, #tpu.memory_space<vmem>>
    %dma_wait3A_739 = tpu.memref_squeeze %dma_wait3A_738 : memref<1x40x1024xf32, #tpu.memory_space<vmem>> -> memref<40x1024xf32, #tpu.memory_space<vmem>>
    tpu.wait_dma2 semaphore(%arg6 : memref<!tpu.dma_semaphore, #tpu.memory_space<semaphore_mem>>) src(%dma_wait3A_739 : memref<40x1024xf32, #tpu.memory_space<vmem>>) dst(%dma_wait3A_735 : memref<40x1024xf32, #tpu.memory_space<hbm>>)
    %dma_wait3A_740 = arith.constant 0 : i32
    %dma_wait3A_741 = arith.constant 2 : i32
    %dma_wait3A_742 = arith.constant 0 : i32
    %dma_wait3A_743 = arith.constant 0 : i32
    %dma_wait3A_744 = tpu.memref_slice %arg4[%dma_wait3A_740, %dma_wait3A_742, %dma_wait3A_743] : memref<3x40x1024xf32, #tpu.memory_space<vmem>> -> memref<1x40x1024xf32, #tpu.memory_space<vmem>>
    %dma_wait3A_745 = tpu.memref_squeeze %dma_wait3A_744 : memref<1x40x1024xf32, #tpu.memory_space<vmem>> -> memref<40x1024xf32, #tpu.memory_space<vmem>>
    %dma_wait3A_746 = arith.constant 0 : i32
    %dma_wait3A_747 = tpu.memref_slice %arg3[%add3A_509, %dma_wait3A_741, %dma_wait3A_746] : memref<8192x4x1024xf32, #tpu.memory_space<hbm>> -> memref<40x1x1024xf32, #tpu.memory_space<hbm>>
    %dma_wait3A_748 = tpu.memref_squeeze %dma_wait3A_747 : memref<40x1x1024xf32, #tpu.memory_space<hbm>> -> memref<40x1024xf32, #tpu.memory_space<hbm>>
    %dma_wait3A_749 = arith.constant 0 : i32
    %dma_wait3A_750 = tpu.memref_slice %arg3[%add3A_509, %dma_wait3A_741, %dma_wait3A_749] : memref<8192x4x1024xf32, #tpu.memory_space<hbm>> -> memref<40x1x1024xf32, #tpu.memory_space<hbm>>
    %dma_wait3A_751 = tpu.memref_squeeze %dma_wait3A_750 : memref<40x1x1024xf32, #tpu.memory_space<hbm>> -> memref<40x1024xf32, #tpu.memory_space<hbm>>
    %dma_wait3A_752 = arith.constant 0 : i32
    %dma_wait3A_753 = arith.constant 0 : i32
    %dma_wait3A_754 = tpu.memref_slice %arg4[%dma_wait3A_740, %dma_wait3A_752, %dma_wait3A_753] : memref<3x40x1024xf32, #tpu.memory_space<vmem>> -> memref<1x40x1024xf32, #tpu.memory_space<vmem>>
    %dma_wait3A_755 = tpu.memref_squeeze %dma_wait3A_754 : memref<1x40x1024xf32, #tpu.memory_space<vmem>> -> memref<40x1024xf32, #tpu.memory_space<vmem>>
    tpu.wait_dma2 semaphore(%arg6 : memref<!tpu.dma_semaphore, #tpu.memory_space<semaphore_mem>>) src(%dma_wait3A_755 : memref<40x1024xf32, #tpu.memory_space<vmem>>) dst(%dma_wait3A_751 : memref<40x1024xf32, #tpu.memory_space<hbm>>)
    %dma_wait3A_756 = arith.constant 0 : i32
    %dma_wait3A_757 = arith.constant 3 : i32
    %dma_wait3A_758 = arith.constant 0 : i32
    %dma_wait3A_759 = arith.constant 0 : i32
    %dma_wait3A_760 = tpu.memref_slice %arg4[%dma_wait3A_756, %dma_wait3A_758, %dma_wait3A_759] : memref<3x40x1024xf32, #tpu.memory_space<vmem>> -> memref<1x40x1024xf32, #tpu.memory_space<vmem>>
    %dma_wait3A_761 = tpu.memref_squeeze %dma_wait3A_760 : memref<1x40x1024xf32, #tpu.memory_space<vmem>> -> memref<40x1024xf32, #tpu.memory_space<vmem>>
    %dma_wait3A_762 = arith.constant 0 : i32
    %dma_wait3A_763 = tpu.memref_slice %arg3[%add3A_527, %dma_wait3A_757, %dma_wait3A_762] : memref<8192x4x1024xf32, #tpu.memory_space<hbm>> -> memref<40x1x1024xf32, #tpu.memory_space<hbm>>
    %dma_wait3A_764 = tpu.memref_squeeze %dma_wait3A_763 : memref<40x1x1024xf32, #tpu.memory_space<hbm>> -> memref<40x1024xf32, #tpu.memory_space<hbm>>
    %dma_wait3A_765 = arith.constant 0 : i32
    %dma_wait3A_766 = tpu.memref_slice %arg3[%add3A_527, %dma_wait3A_757, %dma_wait3A_765] : memref<8192x4x1024xf32, #tpu.memory_space<hbm>> -> memref<40x1x1024xf32, #tpu.memory_space<hbm>>
    %dma_wait3A_767 = tpu.memref_squeeze %dma_wait3A_766 : memref<40x1x1024xf32, #tpu.memory_space<hbm>> -> memref<40x1024xf32, #tpu.memory_space<hbm>>
    %dma_wait3A_768 = arith.constant 0 : i32
    %dma_wait3A_769 = arith.constant 0 : i32
    %dma_wait3A_770 = tpu.memref_slice %arg4[%dma_wait3A_756, %dma_wait3A_768, %dma_wait3A_769] : memref<3x40x1024xf32, #tpu.memory_space<vmem>> -> memref<1x40x1024xf32, #tpu.memory_space<vmem>>
    %dma_wait3A_771 = tpu.memref_squeeze %dma_wait3A_770 : memref<1x40x1024xf32, #tpu.memory_space<vmem>> -> memref<40x1024xf32, #tpu.memory_space<vmem>>
    tpu.wait_dma2 semaphore(%arg6 : memref<!tpu.dma_semaphore, #tpu.memory_space<semaphore_mem>>) src(%dma_wait3A_771 : memref<40x1024xf32, #tpu.memory_space<vmem>>) dst(%dma_wait3A_767 : memref<40x1024xf32, #tpu.memory_space<hbm>>)
    %add3A_772 = arith.constant 240 : i32
    %add3A_773 = arith.addi %mul3A_2, %add3A_772 : i32
    %dma_start3A_774 = arith.constant 0 : i32
    %dma_start3A_775 = arith.constant 0 : i32
    %dma_start3A_776 = arith.constant 0 : i32
    %dma_start3A_777 = tpu.memref_slice %arg4[%dma_start3A_774, %dma_start3A_775, %dma_start3A_776] : memref<3x40x1024xf32, #tpu.memory_space<vmem>> -> memref<1x16x1024xf32, #tpu.memory_space<vmem>>
    %dma_start3A_778 = tpu.memref_squeeze %dma_start3A_777 : memref<1x16x1024xf32, #tpu.memory_space<vmem>> -> memref<16x1024xf32, #tpu.memory_space<vmem>>
    %dma_start3A_779 = arith.constant 0 : i32
    %dma_start3A_780 = tpu.memref_slice %arg2[%add3A_773, %dma_start3A_779] : memref<8192x1024xf32, #tpu.memory_space<hbm>> -> memref<16x1024xf32, #tpu.memory_space<hbm>>
    %dma_start3A_781 = arith.constant 0 : i32
    %dma_start3A_782 = arith.constant 0 : i32
    %dma_start3A_783 = tpu.memref_slice %arg4[%dma_start3A_774, %dma_start3A_781, %dma_start3A_782] : memref<3x40x1024xf32, #tpu.memory_space<vmem>> -> memref<1x16x1024xf32, #tpu.memory_space<vmem>>
    %dma_start3A_784 = tpu.memref_squeeze %dma_start3A_783 : memref<1x16x1024xf32, #tpu.memory_space<vmem>> -> memref<16x1024xf32, #tpu.memory_space<vmem>>
    %dma_start3A_785 = arith.constant 0 : i32
    %dma_start3A_786 = tpu.memref_slice %arg2[%add3A_773, %dma_start3A_785] : memref<8192x1024xf32, #tpu.memory_space<hbm>> -> memref<16x1024xf32, #tpu.memory_space<hbm>>
    tpu.enqueue_dma source(%dma_start3A_786 : memref<16x1024xf32, #tpu.memory_space<hbm>>) target(%dma_start3A_784 : memref<16x1024xf32, #tpu.memory_space<vmem>>) target_semaphore(%arg5 : memref<!tpu.dma_semaphore, #tpu.memory_space<semaphore_mem>>)
    %dma_wait3A_787 = arith.constant 2 : i32
    %dma_wait3A_788 = arith.constant 0 : i32
    %dma_wait3A_789 = arith.constant 0 : i32
    %dma_wait3A_790 = tpu.memref_slice %arg4[%dma_wait3A_787, %dma_wait3A_788, %dma_wait3A_789] : memref<3x40x1024xf32, #tpu.memory_space<vmem>> -> memref<1x40x1024xf32, #tpu.memory_space<vmem>>
    %dma_wait3A_791 = tpu.memref_squeeze %dma_wait3A_790 : memref<1x40x1024xf32, #tpu.memory_space<vmem>> -> memref<40x1024xf32, #tpu.memory_space<vmem>>
    %dma_wait3A_792 = arith.constant 0 : i32
    %dma_wait3A_793 = tpu.memref_slice %arg2[%add3A_609, %dma_wait3A_792] : memref<8192x1024xf32, #tpu.memory_space<hbm>> -> memref<40x1024xf32, #tpu.memory_space<hbm>>
    %dma_wait3A_794 = arith.constant 0 : i32
    %dma_wait3A_795 = arith.constant 0 : i32
    %dma_wait3A_796 = tpu.memref_slice %arg4[%dma_wait3A_787, %dma_wait3A_794, %dma_wait3A_795] : memref<3x40x1024xf32, #tpu.memory_space<vmem>> -> memref<1x40x1024xf32, #tpu.memory_space<vmem>>
    %dma_wait3A_797 = tpu.memref_squeeze %dma_wait3A_796 : memref<1x40x1024xf32, #tpu.memory_space<vmem>> -> memref<40x1024xf32, #tpu.memory_space<vmem>>
    %dma_wait3A_798 = arith.constant 0 : i32
    %dma_wait3A_799 = tpu.memref_slice %arg2[%add3A_609, %dma_wait3A_798] : memref<8192x1024xf32, #tpu.memory_space<hbm>> -> memref<40x1024xf32, #tpu.memory_space<hbm>>
    tpu.wait_dma2 semaphore(%arg5 : memref<!tpu.dma_semaphore, #tpu.memory_space<semaphore_mem>>) src(%dma_wait3A_799 : memref<40x1024xf32, #tpu.memory_space<hbm>>) dst(%dma_wait3A_797 : memref<40x1024xf32, #tpu.memory_space<vmem>>)
    %add3A_800 = arith.constant 200 : i32
    %add3A_801 = arith.addi %mul3A_2, %add3A_800 : i32
    %dma_start3A_802 = arith.constant 2 : i32
    %dma_start3A_803 = arith.constant 0 : i32
    %dma_start3A_804 = arith.constant 0 : i32
    %dma_start3A_805 = arith.constant 0 : i32
    %dma_start3A_806 = tpu.memref_slice %arg4[%dma_start3A_802, %dma_start3A_804, %dma_start3A_805] : memref<3x40x1024xf32, #tpu.memory_space<vmem>> -> memref<1x40x1024xf32, #tpu.memory_space<vmem>>
    %dma_start3A_807 = tpu.memref_squeeze %dma_start3A_806 : memref<1x40x1024xf32, #tpu.memory_space<vmem>> -> memref<40x1024xf32, #tpu.memory_space<vmem>>
    %dma_start3A_808 = arith.constant 0 : i32
    %dma_start3A_809 = tpu.memref_slice %arg3[%add3A_801, %dma_start3A_803, %dma_start3A_808] : memref<8192x4x1024xf32, #tpu.memory_space<hbm>> -> memref<40x1x1024xf32, #tpu.memory_space<hbm>>
    %dma_start3A_810 = tpu.memref_squeeze %dma_start3A_809 : memref<40x1x1024xf32, #tpu.memory_space<hbm>> -> memref<40x1024xf32, #tpu.memory_space<hbm>>
    %dma_start3A_811 = arith.constant 0 : i32
    %dma_start3A_812 = tpu.memref_slice %arg3[%add3A_801, %dma_start3A_803, %dma_start3A_811] : memref<8192x4x1024xf32, #tpu.memory_space<hbm>> -> memref<40x1x1024xf32, #tpu.memory_space<hbm>>
    %dma_start3A_813 = tpu.memref_squeeze %dma_start3A_812 : memref<40x1x1024xf32, #tpu.memory_space<hbm>> -> memref<40x1024xf32, #tpu.memory_space<hbm>>
    %dma_start3A_814 = arith.constant 0 : i32
    %dma_start3A_815 = arith.constant 0 : i32
    %dma_start3A_816 = tpu.memref_slice %arg4[%dma_start3A_802, %dma_start3A_814, %dma_start3A_815] : memref<3x40x1024xf32, #tpu.memory_space<vmem>> -> memref<1x40x1024xf32, #tpu.memory_space<vmem>>
    %dma_start3A_817 = tpu.memref_squeeze %dma_start3A_816 : memref<1x40x1024xf32, #tpu.memory_space<vmem>> -> memref<40x1024xf32, #tpu.memory_space<vmem>>
    tpu.enqueue_dma source(%dma_start3A_817 : memref<40x1024xf32, #tpu.memory_space<vmem>>) target(%dma_start3A_813 : memref<40x1024xf32, #tpu.memory_space<hbm>>) target_semaphore(%arg6 : memref<!tpu.dma_semaphore, #tpu.memory_space<semaphore_mem>>)
    %add3A_818 = arith.constant 200 : i32
    %add3A_819 = arith.addi %mul3A_2, %add3A_818 : i32
    %dma_start3A_820 = arith.constant 2 : i32
    %dma_start3A_821 = arith.constant 1 : i32
    %dma_start3A_822 = arith.constant 0 : i32
    %dma_start3A_823 = arith.constant 0 : i32
    %dma_start3A_824 = tpu.memref_slice %arg4[%dma_start3A_820, %dma_start3A_822, %dma_start3A_823] : memref<3x40x1024xf32, #tpu.memory_space<vmem>> -> memref<1x40x1024xf32, #tpu.memory_space<vmem>>
    %dma_start3A_825 = tpu.memref_squeeze %dma_start3A_824 : memref<1x40x1024xf32, #tpu.memory_space<vmem>> -> memref<40x1024xf32, #tpu.memory_space<vmem>>
    %dma_start3A_826 = arith.constant 0 : i32
    %dma_start3A_827 = tpu.memref_slice %arg3[%add3A_819, %dma_start3A_821, %dma_start3A_826] : memref<8192x4x1024xf32, #tpu.memory_space<hbm>> -> memref<40x1x1024xf32, #tpu.memory_space<hbm>>
    %dma_start3A_828 = tpu.memref_squeeze %dma_start3A_827 : memref<40x1x1024xf32, #tpu.memory_space<hbm>> -> memref<40x1024xf32, #tpu.memory_space<hbm>>
    %dma_start3A_829 = arith.constant 0 : i32
    %dma_start3A_830 = tpu.memref_slice %arg3[%add3A_819, %dma_start3A_821, %dma_start3A_829] : memref<8192x4x1024xf32, #tpu.memory_space<hbm>> -> memref<40x1x1024xf32, #tpu.memory_space<hbm>>
    %dma_start3A_831 = tpu.memref_squeeze %dma_start3A_830 : memref<40x1x1024xf32, #tpu.memory_space<hbm>> -> memref<40x1024xf32, #tpu.memory_space<hbm>>
    %dma_start3A_832 = arith.constant 0 : i32
    %dma_start3A_833 = arith.constant 0 : i32
    %dma_start3A_834 = tpu.memref_slice %arg4[%dma_start3A_820, %dma_start3A_832, %dma_start3A_833] : memref<3x40x1024xf32, #tpu.memory_space<vmem>> -> memref<1x40x1024xf32, #tpu.memory_space<vmem>>
    %dma_start3A_835 = tpu.memref_squeeze %dma_start3A_834 : memref<1x40x1024xf32, #tpu.memory_space<vmem>> -> memref<40x1024xf32, #tpu.memory_space<vmem>>
    tpu.enqueue_dma source(%dma_start3A_835 : memref<40x1024xf32, #tpu.memory_space<vmem>>) target(%dma_start3A_831 : memref<40x1024xf32, #tpu.memory_space<hbm>>) target_semaphore(%arg6 : memref<!tpu.dma_semaphore, #tpu.memory_space<semaphore_mem>>)
    %add3A_836 = arith.constant 200 : i32
    %add3A_837 = arith.addi %mul3A_2, %add3A_836 : i32
    %dma_start3A_838 = arith.constant 2 : i32
    %dma_start3A_839 = arith.constant 2 : i32
    %dma_start3A_840 = arith.constant 0 : i32
    %dma_start3A_841 = arith.constant 0 : i32
    %dma_start3A_842 = tpu.memref_slice %arg4[%dma_start3A_838, %dma_start3A_840, %dma_start3A_841] : memref<3x40x1024xf32, #tpu.memory_space<vmem>> -> memref<1x40x1024xf32, #tpu.memory_space<vmem>>
    %dma_start3A_843 = tpu.memref_squeeze %dma_start3A_842 : memref<1x40x1024xf32, #tpu.memory_space<vmem>> -> memref<40x1024xf32, #tpu.memory_space<vmem>>
    %dma_start3A_844 = arith.constant 0 : i32
    %dma_start3A_845 = tpu.memref_slice %arg3[%add3A_837, %dma_start3A_839, %dma_start3A_844] : memref<8192x4x1024xf32, #tpu.memory_space<hbm>> -> memref<40x1x1024xf32, #tpu.memory_space<hbm>>
    %dma_start3A_846 = tpu.memref_squeeze %dma_start3A_845 : memref<40x1x1024xf32, #tpu.memory_space<hbm>> -> memref<40x1024xf32, #tpu.memory_space<hbm>>
    %dma_start3A_847 = arith.constant 0 : i32
    %dma_start3A_848 = tpu.memref_slice %arg3[%add3A_837, %dma_start3A_839, %dma_start3A_847] : memref<8192x4x1024xf32, #tpu.memory_space<hbm>> -> memref<40x1x1024xf32, #tpu.memory_space<hbm>>
    %dma_start3A_849 = tpu.memref_squeeze %dma_start3A_848 : memref<40x1x1024xf32, #tpu.memory_space<hbm>> -> memref<40x1024xf32, #tpu.memory_space<hbm>>
    %dma_start3A_850 = arith.constant 0 : i32
    %dma_start3A_851 = arith.constant 0 : i32
    %dma_start3A_852 = tpu.memref_slice %arg4[%dma_start3A_838, %dma_start3A_850, %dma_start3A_851] : memref<3x40x1024xf32, #tpu.memory_space<vmem>> -> memref<1x40x1024xf32, #tpu.memory_space<vmem>>
    %dma_start3A_853 = tpu.memref_squeeze %dma_start3A_852 : memref<1x40x1024xf32, #tpu.memory_space<vmem>> -> memref<40x1024xf32, #tpu.memory_space<vmem>>
    tpu.enqueue_dma source(%dma_start3A_853 : memref<40x1024xf32, #tpu.memory_space<vmem>>) target(%dma_start3A_849 : memref<40x1024xf32, #tpu.memory_space<hbm>>) target_semaphore(%arg6 : memref<!tpu.dma_semaphore, #tpu.memory_space<semaphore_mem>>)
    %add3A_854 = arith.constant 200 : i32
    %add3A_855 = arith.addi %mul3A_2, %add3A_854 : i32
    %dma_start3A_856 = arith.constant 2 : i32
    %dma_start3A_857 = arith.constant 3 : i32
    %dma_start3A_858 = arith.constant 0 : i32
    %dma_start3A_859 = arith.constant 0 : i32
    %dma_start3A_860 = tpu.memref_slice %arg4[%dma_start3A_856, %dma_start3A_858, %dma_start3A_859] : memref<3x40x1024xf32, #tpu.memory_space<vmem>> -> memref<1x40x1024xf32, #tpu.memory_space<vmem>>
    %dma_start3A_861 = tpu.memref_squeeze %dma_start3A_860 : memref<1x40x1024xf32, #tpu.memory_space<vmem>> -> memref<40x1024xf32, #tpu.memory_space<vmem>>
    %dma_start3A_862 = arith.constant 0 : i32
    %dma_start3A_863 = tpu.memref_slice %arg3[%add3A_855, %dma_start3A_857, %dma_start3A_862] : memref<8192x4x1024xf32, #tpu.memory_space<hbm>> -> memref<40x1x1024xf32, #tpu.memory_space<hbm>>
    %dma_start3A_864 = tpu.memref_squeeze %dma_start3A_863 : memref<40x1x1024xf32, #tpu.memory_space<hbm>> -> memref<40x1024xf32, #tpu.memory_space<hbm>>
    %dma_start3A_865 = arith.constant 0 : i32
    %dma_start3A_866 = tpu.memref_slice %arg3[%add3A_855, %dma_start3A_857, %dma_start3A_865] : memref<8192x4x1024xf32, #tpu.memory_space<hbm>> -> memref<40x1x1024xf32, #tpu.memory_space<hbm>>
    %dma_start3A_867 = tpu.memref_squeeze %dma_start3A_866 : memref<40x1x1024xf32, #tpu.memory_space<hbm>> -> memref<40x1024xf32, #tpu.memory_space<hbm>>
    %dma_start3A_868 = arith.constant 0 : i32
    %dma_start3A_869 = arith.constant 0 : i32
    %dma_start3A_870 = tpu.memref_slice %arg4[%dma_start3A_856, %dma_start3A_868, %dma_start3A_869] : memref<3x40x1024xf32, #tpu.memory_space<vmem>> -> memref<1x40x1024xf32, #tpu.memory_space<vmem>>
    %dma_start3A_871 = tpu.memref_squeeze %dma_start3A_870 : memref<1x40x1024xf32, #tpu.memory_space<vmem>> -> memref<40x1024xf32, #tpu.memory_space<vmem>>
    tpu.enqueue_dma source(%dma_start3A_871 : memref<40x1024xf32, #tpu.memory_space<vmem>>) target(%dma_start3A_867 : memref<40x1024xf32, #tpu.memory_space<hbm>>) target_semaphore(%arg6 : memref<!tpu.dma_semaphore, #tpu.memory_space<semaphore_mem>>)
    %dma_wait3A_872 = arith.constant 0 : i32
    %dma_wait3A_873 = arith.constant 0 : i32
    %dma_wait3A_874 = arith.constant 0 : i32
    %dma_wait3A_875 = tpu.memref_slice %arg4[%dma_wait3A_872, %dma_wait3A_873, %dma_wait3A_874] : memref<3x40x1024xf32, #tpu.memory_space<vmem>> -> memref<1x16x1024xf32, #tpu.memory_space<vmem>>
    %dma_wait3A_876 = tpu.memref_squeeze %dma_wait3A_875 : memref<1x16x1024xf32, #tpu.memory_space<vmem>> -> memref<16x1024xf32, #tpu.memory_space<vmem>>
    %dma_wait3A_877 = arith.constant 0 : i32
    %dma_wait3A_878 = tpu.memref_slice %arg2[%add3A_773, %dma_wait3A_877] : memref<8192x1024xf32, #tpu.memory_space<hbm>> -> memref<16x1024xf32, #tpu.memory_space<hbm>>
    %dma_wait3A_879 = arith.constant 0 : i32
    %dma_wait3A_880 = arith.constant 0 : i32
    %dma_wait3A_881 = tpu.memref_slice %arg4[%dma_wait3A_872, %dma_wait3A_879, %dma_wait3A_880] : memref<3x40x1024xf32, #tpu.memory_space<vmem>> -> memref<1x16x1024xf32, #tpu.memory_space<vmem>>
    %dma_wait3A_882 = tpu.memref_squeeze %dma_wait3A_881 : memref<1x16x1024xf32, #tpu.memory_space<vmem>> -> memref<16x1024xf32, #tpu.memory_space<vmem>>
    %dma_wait3A_883 = arith.constant 0 : i32
    %dma_wait3A_884 = tpu.memref_slice %arg2[%add3A_773, %dma_wait3A_883] : memref<8192x1024xf32, #tpu.memory_space<hbm>> -> memref<16x1024xf32, #tpu.memory_space<hbm>>
    tpu.wait_dma2 semaphore(%arg5 : memref<!tpu.dma_semaphore, #tpu.memory_space<semaphore_mem>>) src(%dma_wait3A_884 : memref<16x1024xf32, #tpu.memory_space<hbm>>) dst(%dma_wait3A_882 : memref<16x1024xf32, #tpu.memory_space<vmem>>)
    %add3A_885 = arith.constant 240 : i32
    %add3A_886 = arith.addi %mul3A_2, %add3A_885 : i32
    %dma_start3A_887 = arith.constant 0 : i32
    %dma_start3A_888 = arith.constant 0 : i32
    %dma_start3A_889 = arith.constant 0 : i32
    %dma_start3A_890 = arith.constant 0 : i32
    %dma_start3A_891 = tpu.memref_slice %arg4[%dma_start3A_887, %dma_start3A_889, %dma_start3A_890] : memref<3x40x1024xf32, #tpu.memory_space<vmem>> -> memref<1x16x1024xf32, #tpu.memory_space<vmem>>
    %dma_start3A_892 = tpu.memref_squeeze %dma_start3A_891 : memref<1x16x1024xf32, #tpu.memory_space<vmem>> -> memref<16x1024xf32, #tpu.memory_space<vmem>>
    %dma_start3A_893 = arith.constant 0 : i32
    %dma_start3A_894 = tpu.memref_slice %arg3[%add3A_886, %dma_start3A_888, %dma_start3A_893] : memref<8192x4x1024xf32, #tpu.memory_space<hbm>> -> memref<16x1x1024xf32, #tpu.memory_space<hbm>>
    %dma_start3A_895 = tpu.memref_squeeze %dma_start3A_894 : memref<16x1x1024xf32, #tpu.memory_space<hbm>> -> memref<16x1024xf32, #tpu.memory_space<hbm>>
    %dma_start3A_896 = arith.constant 0 : i32
    %dma_start3A_897 = tpu.memref_slice %arg3[%add3A_886, %dma_start3A_888, %dma_start3A_896] : memref<8192x4x1024xf32, #tpu.memory_space<hbm>> -> memref<16x1x1024xf32, #tpu.memory_space<hbm>>
    %dma_start3A_898 = tpu.memref_squeeze %dma_start3A_897 : memref<16x1x1024xf32, #tpu.memory_space<hbm>> -> memref<16x1024xf32, #tpu.memory_space<hbm>>
    %dma_start3A_899 = arith.constant 0 : i32
    %dma_start3A_900 = arith.constant 0 : i32
    %dma_start3A_901 = tpu.memref_slice %arg4[%dma_start3A_887, %dma_start3A_899, %dma_start3A_900] : memref<3x40x1024xf32, #tpu.memory_space<vmem>> -> memref<1x16x1024xf32, #tpu.memory_space<vmem>>
    %dma_start3A_902 = tpu.memref_squeeze %dma_start3A_901 : memref<1x16x1024xf32, #tpu.memory_space<vmem>> -> memref<16x1024xf32, #tpu.memory_space<vmem>>
    tpu.enqueue_dma source(%dma_start3A_902 : memref<16x1024xf32, #tpu.memory_space<vmem>>) target(%dma_start3A_898 : memref<16x1024xf32, #tpu.memory_space<hbm>>) target_semaphore(%arg6 : memref<!tpu.dma_semaphore, #tpu.memory_space<semaphore_mem>>)
    %add3A_903 = arith.constant 240 : i32
    %add3A_904 = arith.addi %mul3A_2, %add3A_903 : i32
    %dma_start3A_905 = arith.constant 0 : i32
    %dma_start3A_906 = arith.constant 1 : i32
    %dma_start3A_907 = arith.constant 0 : i32
    %dma_start3A_908 = arith.constant 0 : i32
    %dma_start3A_909 = tpu.memref_slice %arg4[%dma_start3A_905, %dma_start3A_907, %dma_start3A_908] : memref<3x40x1024xf32, #tpu.memory_space<vmem>> -> memref<1x16x1024xf32, #tpu.memory_space<vmem>>
    %dma_start3A_910 = tpu.memref_squeeze %dma_start3A_909 : memref<1x16x1024xf32, #tpu.memory_space<vmem>> -> memref<16x1024xf32, #tpu.memory_space<vmem>>
    %dma_start3A_911 = arith.constant 0 : i32
    %dma_start3A_912 = tpu.memref_slice %arg3[%add3A_904, %dma_start3A_906, %dma_start3A_911] : memref<8192x4x1024xf32, #tpu.memory_space<hbm>> -> memref<16x1x1024xf32, #tpu.memory_space<hbm>>
    %dma_start3A_913 = tpu.memref_squeeze %dma_start3A_912 : memref<16x1x1024xf32, #tpu.memory_space<hbm>> -> memref<16x1024xf32, #tpu.memory_space<hbm>>
    %dma_start3A_914 = arith.constant 0 : i32
    %dma_start3A_915 = tpu.memref_slice %arg3[%add3A_904, %dma_start3A_906, %dma_start3A_914] : memref<8192x4x1024xf32, #tpu.memory_space<hbm>> -> memref<16x1x1024xf32, #tpu.memory_space<hbm>>
    %dma_start3A_916 = tpu.memref_squeeze %dma_start3A_915 : memref<16x1x1024xf32, #tpu.memory_space<hbm>> -> memref<16x1024xf32, #tpu.memory_space<hbm>>
    %dma_start3A_917 = arith.constant 0 : i32
    %dma_start3A_918 = arith.constant 0 : i32
    %dma_start3A_919 = tpu.memref_slice %arg4[%dma_start3A_905, %dma_start3A_917, %dma_start3A_918] : memref<3x40x1024xf32, #tpu.memory_space<vmem>> -> memref<1x16x1024xf32, #tpu.memory_space<vmem>>
    %dma_start3A_920 = tpu.memref_squeeze %dma_start3A_919 : memref<1x16x1024xf32, #tpu.memory_space<vmem>> -> memref<16x1024xf32, #tpu.memory_space<vmem>>
    tpu.enqueue_dma source(%dma_start3A_920 : memref<16x1024xf32, #tpu.memory_space<vmem>>) target(%dma_start3A_916 : memref<16x1024xf32, #tpu.memory_space<hbm>>) target_semaphore(%arg6 : memref<!tpu.dma_semaphore, #tpu.memory_space<semaphore_mem>>)
    %add3A_921 = arith.constant 240 : i32
    %add3A_922 = arith.addi %mul3A_2, %add3A_921 : i32
    %dma_start3A_923 = arith.constant 0 : i32
    %dma_start3A_924 = arith.constant 2 : i32
    %dma_start3A_925 = arith.constant 0 : i32
    %dma_start3A_926 = arith.constant 0 : i32
    %dma_start3A_927 = tpu.memref_slice %arg4[%dma_start3A_923, %dma_start3A_925, %dma_start3A_926] : memref<3x40x1024xf32, #tpu.memory_space<vmem>> -> memref<1x16x1024xf32, #tpu.memory_space<vmem>>
    %dma_start3A_928 = tpu.memref_squeeze %dma_start3A_927 : memref<1x16x1024xf32, #tpu.memory_space<vmem>> -> memref<16x1024xf32, #tpu.memory_space<vmem>>
    %dma_start3A_929 = arith.constant 0 : i32
    %dma_start3A_930 = tpu.memref_slice %arg3[%add3A_922, %dma_start3A_924, %dma_start3A_929] : memref<8192x4x1024xf32, #tpu.memory_space<hbm>> -> memref<16x1x1024xf32, #tpu.memory_space<hbm>>
    %dma_start3A_931 = tpu.memref_squeeze %dma_start3A_930 : memref<16x1x1024xf32, #tpu.memory_space<hbm>> -> memref<16x1024xf32, #tpu.memory_space<hbm>>
    %dma_start3A_932 = arith.constant 0 : i32
    %dma_start3A_933 = tpu.memref_slice %arg3[%add3A_922, %dma_start3A_924, %dma_start3A_932] : memref<8192x4x1024xf32, #tpu.memory_space<hbm>> -> memref<16x1x1024xf32, #tpu.memory_space<hbm>>
    %dma_start3A_934 = tpu.memref_squeeze %dma_start3A_933 : memref<16x1x1024xf32, #tpu.memory_space<hbm>> -> memref<16x1024xf32, #tpu.memory_space<hbm>>
    %dma_start3A_935 = arith.constant 0 : i32
    %dma_start3A_936 = arith.constant 0 : i32
    %dma_start3A_937 = tpu.memref_slice %arg4[%dma_start3A_923, %dma_start3A_935, %dma_start3A_936] : memref<3x40x1024xf32, #tpu.memory_space<vmem>> -> memref<1x16x1024xf32, #tpu.memory_space<vmem>>
    %dma_start3A_938 = tpu.memref_squeeze %dma_start3A_937 : memref<1x16x1024xf32, #tpu.memory_space<vmem>> -> memref<16x1024xf32, #tpu.memory_space<vmem>>
    tpu.enqueue_dma source(%dma_start3A_938 : memref<16x1024xf32, #tpu.memory_space<vmem>>) target(%dma_start3A_934 : memref<16x1024xf32, #tpu.memory_space<hbm>>) target_semaphore(%arg6 : memref<!tpu.dma_semaphore, #tpu.memory_space<semaphore_mem>>)
    %add3A_939 = arith.constant 240 : i32
    %add3A_940 = arith.addi %mul3A_2, %add3A_939 : i32
    %dma_start3A_941 = arith.constant 0 : i32
    %dma_start3A_942 = arith.constant 3 : i32
    %dma_start3A_943 = arith.constant 0 : i32
    %dma_start3A_944 = arith.constant 0 : i32
    %dma_start3A_945 = tpu.memref_slice %arg4[%dma_start3A_941, %dma_start3A_943, %dma_start3A_944] : memref<3x40x1024xf32, #tpu.memory_space<vmem>> -> memref<1x16x1024xf32, #tpu.memory_space<vmem>>
    %dma_start3A_946 = tpu.memref_squeeze %dma_start3A_945 : memref<1x16x1024xf32, #tpu.memory_space<vmem>> -> memref<16x1024xf32, #tpu.memory_space<vmem>>
    %dma_start3A_947 = arith.constant 0 : i32
    %dma_start3A_948 = tpu.memref_slice %arg3[%add3A_940, %dma_start3A_942, %dma_start3A_947] : memref<8192x4x1024xf32, #tpu.memory_space<hbm>> -> memref<16x1x1024xf32, #tpu.memory_space<hbm>>
    %dma_start3A_949 = tpu.memref_squeeze %dma_start3A_948 : memref<16x1x1024xf32, #tpu.memory_space<hbm>> -> memref<16x1024xf32, #tpu.memory_space<hbm>>
    %dma_start3A_950 = arith.constant 0 : i32
    %dma_start3A_951 = tpu.memref_slice %arg3[%add3A_940, %dma_start3A_942, %dma_start3A_950] : memref<8192x4x1024xf32, #tpu.memory_space<hbm>> -> memref<16x1x1024xf32, #tpu.memory_space<hbm>>
    %dma_start3A_952 = tpu.memref_squeeze %dma_start3A_951 : memref<16x1x1024xf32, #tpu.memory_space<hbm>> -> memref<16x1024xf32, #tpu.memory_space<hbm>>
    %dma_start3A_953 = arith.constant 0 : i32
    %dma_start3A_954 = arith.constant 0 : i32
    %dma_start3A_955 = tpu.memref_slice %arg4[%dma_start3A_941, %dma_start3A_953, %dma_start3A_954] : memref<3x40x1024xf32, #tpu.memory_space<vmem>> -> memref<1x16x1024xf32, #tpu.memory_space<vmem>>
    %dma_start3A_956 = tpu.memref_squeeze %dma_start3A_955 : memref<1x16x1024xf32, #tpu.memory_space<vmem>> -> memref<16x1024xf32, #tpu.memory_space<vmem>>
    tpu.enqueue_dma source(%dma_start3A_956 : memref<16x1024xf32, #tpu.memory_space<vmem>>) target(%dma_start3A_952 : memref<16x1024xf32, #tpu.memory_space<hbm>>) target_semaphore(%arg6 : memref<!tpu.dma_semaphore, #tpu.memory_space<semaphore_mem>>)
    %dma_wait3A_957 = arith.constant 1 : i32
    %dma_wait3A_958 = arith.constant 0 : i32
    %dma_wait3A_959 = arith.constant 0 : i32
    %dma_wait3A_960 = arith.constant 0 : i32
    %dma_wait3A_961 = tpu.memref_slice %arg4[%dma_wait3A_957, %dma_wait3A_959, %dma_wait3A_960] : memref<3x40x1024xf32, #tpu.memory_space<vmem>> -> memref<1x40x1024xf32, #tpu.memory_space<vmem>>
    %dma_wait3A_962 = tpu.memref_squeeze %dma_wait3A_961 : memref<1x40x1024xf32, #tpu.memory_space<vmem>> -> memref<40x1024xf32, #tpu.memory_space<vmem>>
    %dma_wait3A_963 = arith.constant 0 : i32
    %dma_wait3A_964 = tpu.memref_slice %arg3[%add3A_637, %dma_wait3A_958, %dma_wait3A_963] : memref<8192x4x1024xf32, #tpu.memory_space<hbm>> -> memref<40x1x1024xf32, #tpu.memory_space<hbm>>
    %dma_wait3A_965 = tpu.memref_squeeze %dma_wait3A_964 : memref<40x1x1024xf32, #tpu.memory_space<hbm>> -> memref<40x1024xf32, #tpu.memory_space<hbm>>
    %dma_wait3A_966 = arith.constant 0 : i32
    %dma_wait3A_967 = tpu.memref_slice %arg3[%add3A_637, %dma_wait3A_958, %dma_wait3A_966] : memref<8192x4x1024xf32, #tpu.memory_space<hbm>> -> memref<40x1x1024xf32, #tpu.memory_space<hbm>>
    %dma_wait3A_968 = tpu.memref_squeeze %dma_wait3A_967 : memref<40x1x1024xf32, #tpu.memory_space<hbm>> -> memref<40x1024xf32, #tpu.memory_space<hbm>>
    %dma_wait3A_969 = arith.constant 0 : i32
    %dma_wait3A_970 = arith.constant 0 : i32
    %dma_wait3A_971 = tpu.memref_slice %arg4[%dma_wait3A_957, %dma_wait3A_969, %dma_wait3A_970] : memref<3x40x1024xf32, #tpu.memory_space<vmem>> -> memref<1x40x1024xf32, #tpu.memory_space<vmem>>
    %dma_wait3A_972 = tpu.memref_squeeze %dma_wait3A_971 : memref<1x40x1024xf32, #tpu.memory_space<vmem>> -> memref<40x1024xf32, #tpu.memory_space<vmem>>
    tpu.wait_dma2 semaphore(%arg6 : memref<!tpu.dma_semaphore, #tpu.memory_space<semaphore_mem>>) src(%dma_wait3A_972 : memref<40x1024xf32, #tpu.memory_space<vmem>>) dst(%dma_wait3A_968 : memref<40x1024xf32, #tpu.memory_space<hbm>>)
    %dma_wait3A_973 = arith.constant 1 : i32
    %dma_wait3A_974 = arith.constant 1 : i32
    %dma_wait3A_975 = arith.constant 0 : i32
    %dma_wait3A_976 = arith.constant 0 : i32
    %dma_wait3A_977 = tpu.memref_slice %arg4[%dma_wait3A_973, %dma_wait3A_975, %dma_wait3A_976] : memref<3x40x1024xf32, #tpu.memory_space<vmem>> -> memref<1x40x1024xf32, #tpu.memory_space<vmem>>
    %dma_wait3A_978 = tpu.memref_squeeze %dma_wait3A_977 : memref<1x40x1024xf32, #tpu.memory_space<vmem>> -> memref<40x1024xf32, #tpu.memory_space<vmem>>
    %dma_wait3A_979 = arith.constant 0 : i32
    %dma_wait3A_980 = tpu.memref_slice %arg3[%add3A_655, %dma_wait3A_974, %dma_wait3A_979] : memref<8192x4x1024xf32, #tpu.memory_space<hbm>> -> memref<40x1x1024xf32, #tpu.memory_space<hbm>>
    %dma_wait3A_981 = tpu.memref_squeeze %dma_wait3A_980 : memref<40x1x1024xf32, #tpu.memory_space<hbm>> -> memref<40x1024xf32, #tpu.memory_space<hbm>>
    %dma_wait3A_982 = arith.constant 0 : i32
    %dma_wait3A_983 = tpu.memref_slice %arg3[%add3A_655, %dma_wait3A_974, %dma_wait3A_982] : memref<8192x4x1024xf32, #tpu.memory_space<hbm>> -> memref<40x1x1024xf32, #tpu.memory_space<hbm>>
    %dma_wait3A_984 = tpu.memref_squeeze %dma_wait3A_983 : memref<40x1x1024xf32, #tpu.memory_space<hbm>> -> memref<40x1024xf32, #tpu.memory_space<hbm>>
    %dma_wait3A_985 = arith.constant 0 : i32
    %dma_wait3A_986 = arith.constant 0 : i32
    %dma_wait3A_987 = tpu.memref_slice %arg4[%dma_wait3A_973, %dma_wait3A_985, %dma_wait3A_986] : memref<3x40x1024xf32, #tpu.memory_space<vmem>> -> memref<1x40x1024xf32, #tpu.memory_space<vmem>>
    %dma_wait3A_988 = tpu.memref_squeeze %dma_wait3A_987 : memref<1x40x1024xf32, #tpu.memory_space<vmem>> -> memref<40x1024xf32, #tpu.memory_space<vmem>>
    tpu.wait_dma2 semaphore(%arg6 : memref<!tpu.dma_semaphore, #tpu.memory_space<semaphore_mem>>) src(%dma_wait3A_988 : memref<40x1024xf32, #tpu.memory_space<vmem>>) dst(%dma_wait3A_984 : memref<40x1024xf32, #tpu.memory_space<hbm>>)
    %dma_wait3A_989 = arith.constant 1 : i32
    %dma_wait3A_990 = arith.constant 2 : i32
    %dma_wait3A_991 = arith.constant 0 : i32
    %dma_wait3A_992 = arith.constant 0 : i32
    %dma_wait3A_993 = tpu.memref_slice %arg4[%dma_wait3A_989, %dma_wait3A_991, %dma_wait3A_992] : memref<3x40x1024xf32, #tpu.memory_space<vmem>> -> memref<1x40x1024xf32, #tpu.memory_space<vmem>>
    %dma_wait3A_994 = tpu.memref_squeeze %dma_wait3A_993 : memref<1x40x1024xf32, #tpu.memory_space<vmem>> -> memref<40x1024xf32, #tpu.memory_space<vmem>>
    %dma_wait3A_995 = arith.constant 0 : i32
    %dma_wait3A_996 = tpu.memref_slice %arg3[%add3A_673, %dma_wait3A_990, %dma_wait3A_995] : memref<8192x4x1024xf32, #tpu.memory_space<hbm>> -> memref<40x1x1024xf32, #tpu.memory_space<hbm>>
    %dma_wait3A_997 = tpu.memref_squeeze %dma_wait3A_996 : memref<40x1x1024xf32, #tpu.memory_space<hbm>> -> memref<40x1024xf32, #tpu.memory_space<hbm>>
    %dma_wait3A_998 = arith.constant 0 : i32
    %dma_wait3A_999 = tpu.memref_slice %arg3[%add3A_673, %dma_wait3A_990, %dma_wait3A_998] : memref<8192x4x1024xf32, #tpu.memory_space<hbm>> -> memref<40x1x1024xf32, #tpu.memory_space<hbm>>
    %dma_wait3A_1000 = tpu.memref_squeeze %dma_wait3A_999 : memref<40x1x1024xf32, #tpu.memory_space<hbm>> -> memref<40x1024xf32, #tpu.memory_space<hbm>>
    %dma_wait3A_1001 = arith.constant 0 : i32
    %dma_wait3A_1002 = arith.constant 0 : i32
    %dma_wait3A_1003 = tpu.memref_slice %arg4[%dma_wait3A_989, %dma_wait3A_1001, %dma_wait3A_1002] : memref<3x40x1024xf32, #tpu.memory_space<vmem>> -> memref<1x40x1024xf32, #tpu.memory_space<vmem>>
    %dma_wait3A_1004 = tpu.memref_squeeze %dma_wait3A_1003 : memref<1x40x1024xf32, #tpu.memory_space<vmem>> -> memref<40x1024xf32, #tpu.memory_space<vmem>>
    tpu.wait_dma2 semaphore(%arg6 : memref<!tpu.dma_semaphore, #tpu.memory_space<semaphore_mem>>) src(%dma_wait3A_1004 : memref<40x1024xf32, #tpu.memory_space<vmem>>) dst(%dma_wait3A_1000 : memref<40x1024xf32, #tpu.memory_space<hbm>>)
    %dma_wait3A_1005 = arith.constant 1 : i32
    %dma_wait3A_1006 = arith.constant 3 : i32
    %dma_wait3A_1007 = arith.constant 0 : i32
    %dma_wait3A_1008 = arith.constant 0 : i32
    %dma_wait3A_1009 = tpu.memref_slice %arg4[%dma_wait3A_1005, %dma_wait3A_1007, %dma_wait3A_1008] : memref<3x40x1024xf32, #tpu.memory_space<vmem>> -> memref<1x40x1024xf32, #tpu.memory_space<vmem>>
    %dma_wait3A_1010 = tpu.memref_squeeze %dma_wait3A_1009 : memref<1x40x1024xf32, #tpu.memory_space<vmem>> -> memref<40x1024xf32, #tpu.memory_space<vmem>>
    %dma_wait3A_1011 = arith.constant 0 : i32
    %dma_wait3A_1012 = tpu.memref_slice %arg3[%add3A_691, %dma_wait3A_1006, %dma_wait3A_1011] : memref<8192x4x1024xf32, #tpu.memory_space<hbm>> -> memref<40x1x1024xf32, #tpu.memory_space<hbm>>
    %dma_wait3A_1013 = tpu.memref_squeeze %dma_wait3A_1012 : memref<40x1x1024xf32, #tpu.memory_space<hbm>> -> memref<40x1024xf32, #tpu.memory_space<hbm>>
    %dma_wait3A_1014 = arith.constant 0 : i32
    %dma_wait3A_1015 = tpu.memref_slice %arg3[%add3A_691, %dma_wait3A_1006, %dma_wait3A_1014] : memref<8192x4x1024xf32, #tpu.memory_space<hbm>> -> memref<40x1x1024xf32, #tpu.memory_space<hbm>>
    %dma_wait3A_1016 = tpu.memref_squeeze %dma_wait3A_1015 : memref<40x1x1024xf32, #tpu.memory_space<hbm>> -> memref<40x1024xf32, #tpu.memory_space<hbm>>
    %dma_wait3A_1017 = arith.constant 0 : i32
    %dma_wait3A_1018 = arith.constant 0 : i32
    %dma_wait3A_1019 = tpu.memref_slice %arg4[%dma_wait3A_1005, %dma_wait3A_1017, %dma_wait3A_1018] : memref<3x40x1024xf32, #tpu.memory_space<vmem>> -> memref<1x40x1024xf32, #tpu.memory_space<vmem>>
    %dma_wait3A_1020 = tpu.memref_squeeze %dma_wait3A_1019 : memref<1x40x1024xf32, #tpu.memory_space<vmem>> -> memref<40x1024xf32, #tpu.memory_space<vmem>>
    tpu.wait_dma2 semaphore(%arg6 : memref<!tpu.dma_semaphore, #tpu.memory_space<semaphore_mem>>) src(%dma_wait3A_1020 : memref<40x1024xf32, #tpu.memory_space<vmem>>) dst(%dma_wait3A_1016 : memref<40x1024xf32, #tpu.memory_space<hbm>>)
    %dma_wait3A_1021 = arith.constant 2 : i32
    %dma_wait3A_1022 = arith.constant 0 : i32
    %dma_wait3A_1023 = arith.constant 0 : i32
    %dma_wait3A_1024 = arith.constant 0 : i32
    %dma_wait3A_1025 = tpu.memref_slice %arg4[%dma_wait3A_1021, %dma_wait3A_1023, %dma_wait3A_1024] : memref<3x40x1024xf32, #tpu.memory_space<vmem>> -> memref<1x40x1024xf32, #tpu.memory_space<vmem>>
    %dma_wait3A_1026 = tpu.memref_squeeze %dma_wait3A_1025 : memref<1x40x1024xf32, #tpu.memory_space<vmem>> -> memref<40x1024xf32, #tpu.memory_space<vmem>>
    %dma_wait3A_1027 = arith.constant 0 : i32
    %dma_wait3A_1028 = tpu.memref_slice %arg3[%add3A_801, %dma_wait3A_1022, %dma_wait3A_1027] : memref<8192x4x1024xf32, #tpu.memory_space<hbm>> -> memref<40x1x1024xf32, #tpu.memory_space<hbm>>
    %dma_wait3A_1029 = tpu.memref_squeeze %dma_wait3A_1028 : memref<40x1x1024xf32, #tpu.memory_space<hbm>> -> memref<40x1024xf32, #tpu.memory_space<hbm>>
    %dma_wait3A_1030 = arith.constant 0 : i32
    %dma_wait3A_1031 = tpu.memref_slice %arg3[%add3A_801, %dma_wait3A_1022, %dma_wait3A_1030] : memref<8192x4x1024xf32, #tpu.memory_space<hbm>> -> memref<40x1x1024xf32, #tpu.memory_space<hbm>>
    %dma_wait3A_1032 = tpu.memref_squeeze %dma_wait3A_1031 : memref<40x1x1024xf32, #tpu.memory_space<hbm>> -> memref<40x1024xf32, #tpu.memory_space<hbm>>
    %dma_wait3A_1033 = arith.constant 0 : i32
    %dma_wait3A_1034 = arith.constant 0 : i32
    %dma_wait3A_1035 = tpu.memref_slice %arg4[%dma_wait3A_1021, %dma_wait3A_1033, %dma_wait3A_1034] : memref<3x40x1024xf32, #tpu.memory_space<vmem>> -> memref<1x40x1024xf32, #tpu.memory_space<vmem>>
    %dma_wait3A_1036 = tpu.memref_squeeze %dma_wait3A_1035 : memref<1x40x1024xf32, #tpu.memory_space<vmem>> -> memref<40x1024xf32, #tpu.memory_space<vmem>>
    tpu.wait_dma2 semaphore(%arg6 : memref<!tpu.dma_semaphore, #tpu.memory_space<semaphore_mem>>) src(%dma_wait3A_1036 : memref<40x1024xf32, #tpu.memory_space<vmem>>) dst(%dma_wait3A_1032 : memref<40x1024xf32, #tpu.memory_space<hbm>>)
    %dma_wait3A_1037 = arith.constant 2 : i32
    %dma_wait3A_1038 = arith.constant 1 : i32
    %dma_wait3A_1039 = arith.constant 0 : i32
    %dma_wait3A_1040 = arith.constant 0 : i32
    %dma_wait3A_1041 = tpu.memref_slice %arg4[%dma_wait3A_1037, %dma_wait3A_1039, %dma_wait3A_1040] : memref<3x40x1024xf32, #tpu.memory_space<vmem>> -> memref<1x40x1024xf32, #tpu.memory_space<vmem>>
    %dma_wait3A_1042 = tpu.memref_squeeze %dma_wait3A_1041 : memref<1x40x1024xf32, #tpu.memory_space<vmem>> -> memref<40x1024xf32, #tpu.memory_space<vmem>>
    %dma_wait3A_1043 = arith.constant 0 : i32
    %dma_wait3A_1044 = tpu.memref_slice %arg3[%add3A_819, %dma_wait3A_1038, %dma_wait3A_1043] : memref<8192x4x1024xf32, #tpu.memory_space<hbm>> -> memref<40x1x1024xf32, #tpu.memory_space<hbm>>
    %dma_wait3A_1045 = tpu.memref_squeeze %dma_wait3A_1044 : memref<40x1x1024xf32, #tpu.memory_space<hbm>> -> memref<40x1024xf32, #tpu.memory_space<hbm>>
    %dma_wait3A_1046 = arith.constant 0 : i32
    %dma_wait3A_1047 = tpu.memref_slice %arg3[%add3A_819, %dma_wait3A_1038, %dma_wait3A_1046] : memref<8192x4x1024xf32, #tpu.memory_space<hbm>> -> memref<40x1x1024xf32, #tpu.memory_space<hbm>>
    %dma_wait3A_1048 = tpu.memref_squeeze %dma_wait3A_1047 : memref<40x1x1024xf32, #tpu.memory_space<hbm>> -> memref<40x1024xf32, #tpu.memory_space<hbm>>
    %dma_wait3A_1049 = arith.constant 0 : i32
    %dma_wait3A_1050 = arith.constant 0 : i32
    %dma_wait3A_1051 = tpu.memref_slice %arg4[%dma_wait3A_1037, %dma_wait3A_1049, %dma_wait3A_1050] : memref<3x40x1024xf32, #tpu.memory_space<vmem>> -> memref<1x40x1024xf32, #tpu.memory_space<vmem>>
    %dma_wait3A_1052 = tpu.memref_squeeze %dma_wait3A_1051 : memref<1x40x1024xf32, #tpu.memory_space<vmem>> -> memref<40x1024xf32, #tpu.memory_space<vmem>>
    tpu.wait_dma2 semaphore(%arg6 : memref<!tpu.dma_semaphore, #tpu.memory_space<semaphore_mem>>) src(%dma_wait3A_1052 : memref<40x1024xf32, #tpu.memory_space<vmem>>) dst(%dma_wait3A_1048 : memref<40x1024xf32, #tpu.memory_space<hbm>>)
    %dma_wait3A_1053 = arith.constant 2 : i32
    %dma_wait3A_1054 = arith.constant 2 : i32
    %dma_wait3A_1055 = arith.constant 0 : i32
    %dma_wait3A_1056 = arith.constant 0 : i32
    %dma_wait3A_1057 = tpu.memref_slice %arg4[%dma_wait3A_1053, %dma_wait3A_1055, %dma_wait3A_1056] : memref<3x40x1024xf32, #tpu.memory_space<vmem>> -> memref<1x40x1024xf32, #tpu.memory_space<vmem>>
    %dma_wait3A_1058 = tpu.memref_squeeze %dma_wait3A_1057 : memref<1x40x1024xf32, #tpu.memory_space<vmem>> -> memref<40x1024xf32, #tpu.memory_space<vmem>>
    %dma_wait3A_1059 = arith.constant 0 : i32
    %dma_wait3A_1060 = tpu.memref_slice %arg3[%add3A_837, %dma_wait3A_1054, %dma_wait3A_1059] : memref<8192x4x1024xf32, #tpu.memory_space<hbm>> -> memref<40x1x1024xf32, #tpu.memory_space<hbm>>
    %dma_wait3A_1061 = tpu.memref_squeeze %dma_wait3A_1060 : memref<40x1x1024xf32, #tpu.memory_space<hbm>> -> memref<40x1024xf32, #tpu.memory_space<hbm>>
    %dma_wait3A_1062 = arith.constant 0 : i32
    %dma_wait3A_1063 = tpu.memref_slice %arg3[%add3A_837, %dma_wait3A_1054, %dma_wait3A_1062] : memref<8192x4x1024xf32, #tpu.memory_space<hbm>> -> memref<40x1x1024xf32, #tpu.memory_space<hbm>>
    %dma_wait3A_1064 = tpu.memref_squeeze %dma_wait3A_1063 : memref<40x1x1024xf32, #tpu.memory_space<hbm>> -> memref<40x1024xf32, #tpu.memory_space<hbm>>
    %dma_wait3A_1065 = arith.constant 0 : i32
    %dma_wait3A_1066 = arith.constant 0 : i32
    %dma_wait3A_1067 = tpu.memref_slice %arg4[%dma_wait3A_1053, %dma_wait3A_1065, %dma_wait3A_1066] : memref<3x40x1024xf32, #tpu.memory_space<vmem>> -> memref<1x40x1024xf32, #tpu.memory_space<vmem>>
    %dma_wait3A_1068 = tpu.memref_squeeze %dma_wait3A_1067 : memref<1x40x1024xf32, #tpu.memory_space<vmem>> -> memref<40x1024xf32, #tpu.memory_space<vmem>>
    tpu.wait_dma2 semaphore(%arg6 : memref<!tpu.dma_semaphore, #tpu.memory_space<semaphore_mem>>) src(%dma_wait3A_1068 : memref<40x1024xf32, #tpu.memory_space<vmem>>) dst(%dma_wait3A_1064 : memref<40x1024xf32, #tpu.memory_space<hbm>>)
    %dma_wait3A_1069 = arith.constant 2 : i32
    %dma_wait3A_1070 = arith.constant 3 : i32
    %dma_wait3A_1071 = arith.constant 0 : i32
    %dma_wait3A_1072 = arith.constant 0 : i32
    %dma_wait3A_1073 = tpu.memref_slice %arg4[%dma_wait3A_1069, %dma_wait3A_1071, %dma_wait3A_1072] : memref<3x40x1024xf32, #tpu.memory_space<vmem>> -> memref<1x40x1024xf32, #tpu.memory_space<vmem>>
    %dma_wait3A_1074 = tpu.memref_squeeze %dma_wait3A_1073 : memref<1x40x1024xf32, #tpu.memory_space<vmem>> -> memref<40x1024xf32, #tpu.memory_space<vmem>>
    %dma_wait3A_1075 = arith.constant 0 : i32
    %dma_wait3A_1076 = tpu.memref_slice %arg3[%add3A_855, %dma_wait3A_1070, %dma_wait3A_1075] : memref<8192x4x1024xf32, #tpu.memory_space<hbm>> -> memref<40x1x1024xf32, #tpu.memory_space<hbm>>
    %dma_wait3A_1077 = tpu.memref_squeeze %dma_wait3A_1076 : memref<40x1x1024xf32, #tpu.memory_space<hbm>> -> memref<40x1024xf32, #tpu.memory_space<hbm>>
    %dma_wait3A_1078 = arith.constant 0 : i32
    %dma_wait3A_1079 = tpu.memref_slice %arg3[%add3A_855, %dma_wait3A_1070, %dma_wait3A_1078] : memref<8192x4x1024xf32, #tpu.memory_space<hbm>> -> memref<40x1x1024xf32, #tpu.memory_space<hbm>>
    %dma_wait3A_1080 = tpu.memref_squeeze %dma_wait3A_1079 : memref<40x1x1024xf32, #tpu.memory_space<hbm>> -> memref<40x1024xf32, #tpu.memory_space<hbm>>
    %dma_wait3A_1081 = arith.constant 0 : i32
    %dma_wait3A_1082 = arith.constant 0 : i32
    %dma_wait3A_1083 = tpu.memref_slice %arg4[%dma_wait3A_1069, %dma_wait3A_1081, %dma_wait3A_1082] : memref<3x40x1024xf32, #tpu.memory_space<vmem>> -> memref<1x40x1024xf32, #tpu.memory_space<vmem>>
    %dma_wait3A_1084 = tpu.memref_squeeze %dma_wait3A_1083 : memref<1x40x1024xf32, #tpu.memory_space<vmem>> -> memref<40x1024xf32, #tpu.memory_space<vmem>>
    tpu.wait_dma2 semaphore(%arg6 : memref<!tpu.dma_semaphore, #tpu.memory_space<semaphore_mem>>) src(%dma_wait3A_1084 : memref<40x1024xf32, #tpu.memory_space<vmem>>) dst(%dma_wait3A_1080 : memref<40x1024xf32, #tpu.memory_space<hbm>>)
    %dma_wait3A_1085 = arith.constant 0 : i32
    %dma_wait3A_1086 = arith.constant 0 : i32
    %dma_wait3A_1087 = arith.constant 0 : i32
    %dma_wait3A_1088 = arith.constant 0 : i32
    %dma_wait3A_1089 = tpu.memref_slice %arg4[%dma_wait3A_1085, %dma_wait3A_1087, %dma_wait3A_1088] : memref<3x40x1024xf32, #tpu.memory_space<vmem>> -> memref<1x16x1024xf32, #tpu.memory_space<vmem>>
    %dma_wait3A_1090 = tpu.memref_squeeze %dma_wait3A_1089 : memref<1x16x1024xf32, #tpu.memory_space<vmem>> -> memref<16x1024xf32, #tpu.memory_space<vmem>>
    %dma_wait3A_1091 = arith.constant 0 : i32
    %dma_wait3A_1092 = tpu.memref_slice %arg3[%add3A_886, %dma_wait3A_1086, %dma_wait3A_1091] : memref<8192x4x1024xf32, #tpu.memory_space<hbm>> -> memref<16x1x1024xf32, #tpu.memory_space<hbm>>
    %dma_wait3A_1093 = tpu.memref_squeeze %dma_wait3A_1092 : memref<16x1x1024xf32, #tpu.memory_space<hbm>> -> memref<16x1024xf32, #tpu.memory_space<hbm>>
    %dma_wait3A_1094 = arith.constant 0 : i32
    %dma_wait3A_1095 = tpu.memref_slice %arg3[%add3A_886, %dma_wait3A_1086, %dma_wait3A_1094] : memref<8192x4x1024xf32, #tpu.memory_space<hbm>> -> memref<16x1x1024xf32, #tpu.memory_space<hbm>>
    %dma_wait3A_1096 = tpu.memref_squeeze %dma_wait3A_1095 : memref<16x1x1024xf32, #tpu.memory_space<hbm>> -> memref<16x1024xf32, #tpu.memory_space<hbm>>
    %dma_wait3A_1097 = arith.constant 0 : i32
    %dma_wait3A_1098 = arith.constant 0 : i32
    %dma_wait3A_1099 = tpu.memref_slice %arg4[%dma_wait3A_1085, %dma_wait3A_1097, %dma_wait3A_1098] : memref<3x40x1024xf32, #tpu.memory_space<vmem>> -> memref<1x16x1024xf32, #tpu.memory_space<vmem>>
    %dma_wait3A_1100 = tpu.memref_squeeze %dma_wait3A_1099 : memref<1x16x1024xf32, #tpu.memory_space<vmem>> -> memref<16x1024xf32, #tpu.memory_space<vmem>>
    tpu.wait_dma2 semaphore(%arg6 : memref<!tpu.dma_semaphore, #tpu.memory_space<semaphore_mem>>) src(%dma_wait3A_1100 : memref<16x1024xf32, #tpu.memory_space<vmem>>) dst(%dma_wait3A_1096 : memref<16x1024xf32, #tpu.memory_space<hbm>>)
    %dma_wait3A_1101 = arith.constant 0 : i32
    %dma_wait3A_1102 = arith.constant 1 : i32
    %dma_wait3A_1103 = arith.constant 0 : i32
    %dma_wait3A_1104 = arith.constant 0 : i32
    %dma_wait3A_1105 = tpu.memref_slice %arg4[%dma_wait3A_1101, %dma_wait3A_1103, %dma_wait3A_1104] : memref<3x40x1024xf32, #tpu.memory_space<vmem>> -> memref<1x16x1024xf32, #tpu.memory_space<vmem>>
    %dma_wait3A_1106 = tpu.memref_squeeze %dma_wait3A_1105 : memref<1x16x1024xf32, #tpu.memory_space<vmem>> -> memref<16x1024xf32, #tpu.memory_space<vmem>>
    %dma_wait3A_1107 = arith.constant 0 : i32
    %dma_wait3A_1108 = tpu.memref_slice %arg3[%add3A_904, %dma_wait3A_1102, %dma_wait3A_1107] : memref<8192x4x1024xf32, #tpu.memory_space<hbm>> -> memref<16x1x1024xf32, #tpu.memory_space<hbm>>
    %dma_wait3A_1109 = tpu.memref_squeeze %dma_wait3A_1108 : memref<16x1x1024xf32, #tpu.memory_space<hbm>> -> memref<16x1024xf32, #tpu.memory_space<hbm>>
    %dma_wait3A_1110 = arith.constant 0 : i32
    %dma_wait3A_1111 = tpu.memref_slice %arg3[%add3A_904, %dma_wait3A_1102, %dma_wait3A_1110] : memref<8192x4x1024xf32, #tpu.memory_space<hbm>> -> memref<16x1x1024xf32, #tpu.memory_space<hbm>>
    %dma_wait3A_1112 = tpu.memref_squeeze %dma_wait3A_1111 : memref<16x1x1024xf32, #tpu.memory_space<hbm>> -> memref<16x1024xf32, #tpu.memory_space<hbm>>
    %dma_wait3A_1113 = arith.constant 0 : i32
    %dma_wait3A_1114 = arith.constant 0 : i32
    %dma_wait3A_1115 = tpu.memref_slice %arg4[%dma_wait3A_1101, %dma_wait3A_1113, %dma_wait3A_1114] : memref<3x40x1024xf32, #tpu.memory_space<vmem>> -> memref<1x16x1024xf32, #tpu.memory_space<vmem>>
    %dma_wait3A_1116 = tpu.memref_squeeze %dma_wait3A_1115 : memref<1x16x1024xf32, #tpu.memory_space<vmem>> -> memref<16x1024xf32, #tpu.memory_space<vmem>>
    tpu.wait_dma2 semaphore(%arg6 : memref<!tpu.dma_semaphore, #tpu.memory_space<semaphore_mem>>) src(%dma_wait3A_1116 : memref<16x1024xf32, #tpu.memory_space<vmem>>) dst(%dma_wait3A_1112 : memref<16x1024xf32, #tpu.memory_space<hbm>>)
    %dma_wait3A_1117 = arith.constant 0 : i32
    %dma_wait3A_1118 = arith.constant 2 : i32
    %dma_wait3A_1119 = arith.constant 0 : i32
    %dma_wait3A_1120 = arith.constant 0 : i32
    %dma_wait3A_1121 = tpu.memref_slice %arg4[%dma_wait3A_1117, %dma_wait3A_1119, %dma_wait3A_1120] : memref<3x40x1024xf32, #tpu.memory_space<vmem>> -> memref<1x16x1024xf32, #tpu.memory_space<vmem>>
    %dma_wait3A_1122 = tpu.memref_squeeze %dma_wait3A_1121 : memref<1x16x1024xf32, #tpu.memory_space<vmem>> -> memref<16x1024xf32, #tpu.memory_space<vmem>>
    %dma_wait3A_1123 = arith.constant 0 : i32
    %dma_wait3A_1124 = tpu.memref_slice %arg3[%add3A_922, %dma_wait3A_1118, %dma_wait3A_1123] : memref<8192x4x1024xf32, #tpu.memory_space<hbm>> -> memref<16x1x1024xf32, #tpu.memory_space<hbm>>
    %dma_wait3A_1125 = tpu.memref_squeeze %dma_wait3A_1124 : memref<16x1x1024xf32, #tpu.memory_space<hbm>> -> memref<16x1024xf32, #tpu.memory_space<hbm>>
    %dma_wait3A_1126 = arith.constant 0 : i32
    %dma_wait3A_1127 = tpu.memref_slice %arg3[%add3A_922, %dma_wait3A_1118, %dma_wait3A_1126] : memref<8192x4x1024xf32, #tpu.memory_space<hbm>> -> memref<16x1x1024xf32, #tpu.memory_space<hbm>>
    %dma_wait3A_1128 = tpu.memref_squeeze %dma_wait3A_1127 : memref<16x1x1024xf32, #tpu.memory_space<hbm>> -> memref<16x1024xf32, #tpu.memory_space<hbm>>
    %dma_wait3A_1129 = arith.constant 0 : i32
    %dma_wait3A_1130 = arith.constant 0 : i32
    %dma_wait3A_1131 = tpu.memref_slice %arg4[%dma_wait3A_1117, %dma_wait3A_1129, %dma_wait3A_1130] : memref<3x40x1024xf32, #tpu.memory_space<vmem>> -> memref<1x16x1024xf32, #tpu.memory_space<vmem>>
    %dma_wait3A_1132 = tpu.memref_squeeze %dma_wait3A_1131 : memref<1x16x1024xf32, #tpu.memory_space<vmem>> -> memref<16x1024xf32, #tpu.memory_space<vmem>>
    tpu.wait_dma2 semaphore(%arg6 : memref<!tpu.dma_semaphore, #tpu.memory_space<semaphore_mem>>) src(%dma_wait3A_1132 : memref<16x1024xf32, #tpu.memory_space<vmem>>) dst(%dma_wait3A_1128 : memref<16x1024xf32, #tpu.memory_space<hbm>>)
    %dma_wait3A_1133 = arith.constant 0 : i32
    %dma_wait3A_1134 = arith.constant 3 : i32
    %dma_wait3A_1135 = arith.constant 0 : i32
    %dma_wait3A_1136 = arith.constant 0 : i32
    %dma_wait3A_1137 = tpu.memref_slice %arg4[%dma_wait3A_1133, %dma_wait3A_1135, %dma_wait3A_1136] : memref<3x40x1024xf32, #tpu.memory_space<vmem>> -> memref<1x16x1024xf32, #tpu.memory_space<vmem>>
    %dma_wait3A_1138 = tpu.memref_squeeze %dma_wait3A_1137 : memref<1x16x1024xf32, #tpu.memory_space<vmem>> -> memref<16x1024xf32, #tpu.memory_space<vmem>>
    %dma_wait3A_1139 = arith.constant 0 : i32
    %dma_wait3A_1140 = tpu.memref_slice %arg3[%add3A_940, %dma_wait3A_1134, %dma_wait3A_1139] : memref<8192x4x1024xf32, #tpu.memory_space<hbm>> -> memref<16x1x1024xf32, #tpu.memory_space<hbm>>
    %dma_wait3A_1141 = tpu.memref_squeeze %dma_wait3A_1140 : memref<16x1x1024xf32, #tpu.memory_space<hbm>> -> memref<16x1024xf32, #tpu.memory_space<hbm>>
    %dma_wait3A_1142 = arith.constant 0 : i32
    %dma_wait3A_1143 = tpu.memref_slice %arg3[%add3A_940, %dma_wait3A_1134, %dma_wait3A_1142] : memref<8192x4x1024xf32, #tpu.memory_space<hbm>> -> memref<16x1x1024xf32, #tpu.memory_space<hbm>>
    %dma_wait3A_1144 = tpu.memref_squeeze %dma_wait3A_1143 : memref<16x1x1024xf32, #tpu.memory_space<hbm>> -> memref<16x1024xf32, #tpu.memory_space<hbm>>
    %dma_wait3A_1145 = arith.constant 0 : i32
    %dma_wait3A_1146 = arith.constant 0 : i32
    %dma_wait3A_1147 = tpu.memref_slice %arg4[%dma_wait3A_1133, %dma_wait3A_1145, %dma_wait3A_1146] : memref<3x40x1024xf32, #tpu.memory_space<vmem>> -> memref<1x16x1024xf32, #tpu.memory_space<vmem>>
    %dma_wait3A_1148 = tpu.memref_squeeze %dma_wait3A_1147 : memref<1x16x1024xf32, #tpu.memory_space<vmem>> -> memref<16x1024xf32, #tpu.memory_space<vmem>>
    tpu.wait_dma2 semaphore(%arg6 : memref<!tpu.dma_semaphore, #tpu.memory_space<semaphore_mem>>) src(%dma_wait3A_1148 : memref<16x1024xf32, #tpu.memory_space<vmem>>) dst(%dma_wait3A_1144 : memref<16x1024xf32, #tpu.memory_space<hbm>>)
    return
  }
}

</mosaic_0001>

<sc_bundles>
// kernel: kernel.3.cloned.1.call-start
scs
__scs_entry_jumppad:
0x0: {  	(pc) =	sbr.rel $0x88, $3  }
0x1: {  	(tag) =	ssettag $0x0;
	lr =	simm.s32 $0x1  }
0x2: {  	[smem:$0x3FA0] =	sst lr;
	_ =	strace $0xD0000000  }
0x3: {  	_ = 	snop  }
0x4: {  	_ = 	snop  }
0x5: {  	_ = 	snop  }
0x6: {  	_ = 	snop  }
0x7: {  	_ = 	snop  }
__scs_overlays_trampoline_lowered:
0x8: {  	[smem:$0x3FAF] =	sst s0  }
0x9: {  	[smem:$0x3FB0] =	sst s1  }
0xa: {  	[smem:$0x3FB1] =	sst s2  }
0xb: {  	[smem:$0x3FB2] =	sst s3  }
0xc: {  	[smem:$0x3FB3] =	sst s4  }
0xd: {  	[smem:$0x3FB4] =	sst s5  }
0xe: {  	[smem:$0x3FB5] =	sst s6  }
0xf: {  	[smem:$0x3FB6] =	sst s7  }
0x10: {  	[smem:$0x3FB7] =	sst s8  }
0x11: {  	[smem:$0x3FB8] =	sst s9;
	s0 =	simm.s32 @!p0 $0x0  }
0x12: {  	s1 =	sld [smem:$0x3F9E];
	s0 =	simm.s32 @p0 $0x1  }
0x13: {  	[smem:$0x3FB9] =	sst s0;
	s0 =	simm.s32 @!p1 $0x0  }
0x14: {  	s2 =	sld [smem:$0x3F9D];
	s0 =	simm.s32 @p1 $0x1  }
0x15: {  	[smem:$0x3FBA] =	sst s0;
	s0 =	simm.s32 @!p2 $0x0  }
0x16: {  	s3 =	sld [smem:$0x3FDB];
	s0 =	simm.s32 @p2 $0x1  }
0x17: {  	s4 =	simm.s32 $0x1BF5;
	[smem:$0x3FBC] =	sst s0  }
0x18: {  	s0 =	sld [smem:$0x3F9F];
	_ =	swait.ge [sflag:s4], $0x0  }
0x19: {  	s7 =	sld [smem:$0x3FA0]  }
0x1a: {  	s8 =	sadd.s32 $0xFFFFE003, lr  }
0x1b: {  	s9 =	sadd.s32 $0xFFFFFEF7, lr;
	s5 =	simm.s32 $0xFFFFFFFF;
	p2 =	slt.u32 s8, $0xFFFFF086  }
0x1c: {  	p1 =	slt.u32 s9, $0xF7A;
	s5 =	simm.s32 @!p2 $0x0  }
0x1d: {  	s5 =	simm.s32 @p1 $0x1;
	p0 =	seq.s32 s7, s2  }
0x1e: {  	s7 =	smul.u32 @!p0 $0xF7A, s2;
	p2 =	seq.s32 @!p0 s5, $0x0  }
0x1f: {  	s9 =	smul.u32 $0xF7A, s1;
	s8 =	simm.s32 @!p0 $0x1BF5;
	p2 =	por !p2, p0  }
0x20: {  	[sflag:s8] =	ssyncset.s32 @!p0 $0xFFFFF086;
	s6 =	sadd.s32 @!p0 s3, s7;
	s7 =	simm.s32 @!p0 $0x108  }
0x21: {  	s3 =	sadd.s32 s3, s9;
	s6 =	sadd.s32 @!p0 $0x88, s6;
	s7 =	simm.s32 @p2 $0x1082  }
0x22: {  	[simem:s7], [sflag:s8] =	dma.local @!p0 [hbm:s6], $0xF7A  }
0x23: {  	s9 =	sor.u32 $0xD0000000, s2;
	s6 =	simm.s32 $0x108;
	_ =	swait.ge @!p0 [sflag:s8], $0x0  }
0x24: {  	s3 =	sadd.s32 $0x88, s3;
	s6 =	simm.s32 @!p1 $0x1082;
	[sflag:s4] =	ssyncset.s32 $0xFFFFF086  }
0x25: {  	[simem:s6], [sflag:s4] =	dma.local [hbm:s3], $0xF7A  }
0x26: {  	[smem:$0x3FA0] =	sst s1;
	(tag) =	ssettag s2;
	_ =	strace s9  }
0x27: {  	s1 =	sld [smem:$0x3FB0]  }
0x28: {  	s2 =	sld [smem:$0x3FB1]  }
0x29: {  	s4 =	sld [smem:$0x3FB3]  }
0x2a: {  	p0 =	seq.s32 s5, $0x0;
	s5 =	sld [smem:$0x3FB4]  }
0x2b: {  	s6 =	sld [smem:$0x3FB5]  }
0x2c: {  	s7 =	sld [smem:$0x3FB6]  }
0x2d: {  	s3 =	simm.s32 $0x108;
	s8 =	sld [smem:$0x3FB7]  }
0x2e: {  	s3 =	simm.s32 @!p0 $0x1082;
	s9 =	sld [smem:$0x3FB8]  }
0x2f: {  	lr =	sadd.s32 s0, s3;
	s0 =	sld [smem:$0x3FAF]  }
0x30: {  	s3 =	sld [smem:$0x3FB2]  }
0x31: {  	[smem:$0x3FBB] =	sst s10  }
0x32: {  	s10 =	sld [smem:$0x3FB9];
	_ =	sdelay $0x3  }
0x33: {  	p0 =	seq.s32 s10, $0x1;
	s10 =	sld [smem:$0x3FBB];
	_ =	sdelay $0x3  }
0x34: {  	[smem:$0x3FBB] =	sst s10  }
0x35: {  	s10 =	sld [smem:$0x3FBA];
	_ =	sdelay $0x3  }
0x36: {  	p1 =	seq.s32 s10, $0x1;
	s10 =	sld [smem:$0x3FBB];
	_ =	sdelay $0x3  }
0x37: {  	[smem:$0x3FBB] =	sst s10  }
0x38: {  	s10 =	sld [smem:$0x3FBC]  }
0x39: {  	_ = 	snop;
	(pc) =	sbr.ind lr, $3  }
0x3a: {  	_ = 	snop  }
0x3b: {  	_ = 	snop  }
0x3c: {  	p2 =	seq.s32 s10, $0x1;
	s10 =	sld [smem:$0x3FBB]  }
0x3d: {  	_ =	shalt  }
0x3e: {  	_ =	shalt  }
0x3f: {  	_ =	shalt  }
0x40: {  	_ =	shalt  }
0x41: {  	_ =	shalt  }
0x42: {  	_ =	shalt  }
0x43: {  	_ =	shalt  }
0x44: {  	_ =	shalt  }
0x45: {  	_ =	shalt  }
0x46: {  	_ =	shalt  }
0x47: {  	_ =	shalt  }
0x48: {  	_ =	shalt  }
0x49: {  	_ =	shalt  }
0x4a: {  	_ =	shalt  }
0x4b: {  	_ =	shalt  }
0x4c: {  	_ =	shalt  }
0x4d: {  	_ =	shalt  }
0x4e: {  	_ =	shalt  }
0x4f: {  	_ =	shalt  }
0x50: {  	_ =	shalt  }
0x51: {  	_ =	shalt  }
0x52: {  	_ =	shalt  }
0x53: {  	_ =	shalt  }
0x54: {  	_ =	shalt  }
0x55: {  	_ =	shalt  }
0x56: {  	_ =	shalt  }
0x57: {  	_ =	shalt  }
0x58: {  	_ =	shalt  }
0x59: {  	_ =	shalt  }
0x5a: {  	_ =	shalt  }
0x5b: {  	_ =	shalt  }
0x5c: {  	_ =	shalt  }
0x5d: {  	_ =	shalt  }
0x5e: {  	_ =	shalt  }
0x5f: {  	_ =	shalt  }
0x60: {  	_ =	shalt  }
0x61: {  	_ =	shalt  }
0x62: {  	_ =	shalt  }
0x63: {  	_ =	shalt  }
0x64: {  	_ =	shalt  }
0x65: {  	_ =	shalt  }
0x66: {  	_ =	shalt  }
0x67: {  	_ =	shalt  }
0x68: {  	_ =	shalt  }
0x69: {  	_ =	shalt  }
0x6a: {  	_ =	shalt  }
0x6b: {  	_ =	shalt  }
0x6c: {  	_ =	shalt  }
0x6d: {  	_ =	shalt  }
0x6e: {  	_ =	shalt  }
0x6f: {  	_ =	shalt  }
0x70: {  	_ =	shalt  }
0x71: {  	_ =	shalt  }
0x72: {  	_ =	shalt  }
0x73: {  	_ =	shalt  }
0x74: {  	_ =	shalt  }
0x75: {  	_ =	shalt  }
0x76: {  	_ =	shalt  }
0x77: {  	_ =	shalt  }
0x78: {  	_ =	shalt  }
0x79: {  	_ =	shalt  }
0x7a: {  	_ =	shalt  }
0x7b: {  	_ =	shalt  }
0x7c: {  	_ =	shalt  }
0x7d: {  	_ =	shalt  }
0x7e: {  	_ =	shalt  }
0x7f: {  	_ =	shalt  }
0x80: {  	_ =	shalt  }
0x81: {  	_ =	shalt  }
0x82: {  	_ =	shalt  }
0x83: {  	_ =	shalt  }
0x84: {  	_ =	shalt  }
0x85: {  	_ =	shalt  }
0x86: {  	_ =	shalt  }
0x87: {  	_ =	shalt  }
.Lfunc_end0:
.L_simem_size_0:
called_computation_lowered:
.L_overlay_start_0:
0x88: {  	s2 =	sld [smem:$0x3FD9]  }
0x89: {  	s3 =	sld [smem:$0x3FFE];
	_ =	sdelay $0x1  }
0x8a: {  	s1 =	srdreg.scid  }
0x8b: {  	s0 =	sand.u32 $0x1, s1  }
0x8c: {  	s18 =	sshll.u32 s0, $0xA;
	s2 =	sadd.s32 s3, s2  }
0x8d: {  	s2 =	sadd.s32 s2, s18  }
0x8e: {  	[smem:$0x3FC7] =	sst s2  }
0x8f: {  	_ = 	snop  }
0x90: {  	s2 =	sld [smem:$0x3FC9]  }
0x91: {  	s19 =	sld [smem:$0x3FD0];
	(tm) =	ssettm $0x1  }
0x92: {  	s4 =	sld [smem:$0x3FFB];
	_ =	sdelay $0x3  }
0x93: {  	_ =	strace s4  }
0x94: {  	s4 =	sld [smem:$0x3FFC];
	_ =	sdelay $0x3  }
0x95: {  	_ =	strace s4  }
0x96: {  	s4 =	sld [smem:$0x3FFD];
	_ =	sdelay $0x3  }
0x97: {  	_ =	strace s4  }
0x98: {  	_ =	strace $0x8FFFFFFF  }
0x99: {  	s20 =	sld [smem:$0x3FDB];
	_ =	sdelay $0x1  }
0x9a: {  	s5 =	simm.s32 $_scs_section_size  }
0x9b: {  	s6 =	simm.s32 $_size__tile_overlayer_lowered;
	s7 =	simm.s32 $_tile_overlayer_lowered  }
0x9c: {  	s23 =	simm.s32 $0x1BFF;
	s22 =	sshll.u32 s7, $0x1;
	s4 =	sadd.s32 s5, s20  }
0x9d: {  	s8 =	simm.s32 $0x0;
	s21 =	sshll.u32 s6, $0x1;
	s6 =	sadd.s32 s22, s4  }
0x9e: {  	[timem:s8], [sflag:s23] =	dma.local [hbm:s6], s21  }
0x9f: {  	_ =	swait.ge [sflag:s23], s21  }
0xa0: {  	s5 =	ssub.s32 $0x0, s21;
	[sflag:s23] =	ssyncset.done $0x0  }
0xa1: {  	[sflag:s23] =	ssyncadd.s32 s5;
	_ =	sdelay $0x1  }
0xa2: {  	s24 =	simm.s32 $0x1B8B  }
0xa3: {  	_ =	swait.ge [sflag:s24], $0x1  }
0xa4: {  	[sflag:s24] =	ssyncset.done $0x0  }
0xa5: {  	s25 =	simm.s32 $0x1B8E;
	[sflag:s24] =	ssyncadd.s32 $0xFFFFFFFF  }
0xa6: {  	s26 =	simm.s32 $execute0_lowered;
	[smem:$0x3FD2] =	sst s25  }
0xa7: {  	s5 =	sshll.u32 s26, $0x1;
	_ =	strace $0x80000046;
	[dreg:$0x1] =	wrdreg $0xFFFFFFFF  }
0xa8: {  	s28 =	simm.s32 $_size_execute0_lowered;
	s4 =	sadd.s32 s4, s5;
	[dreg:$0x0] =	wrdreg $0x0  }
0xa9: {  	s5 =	sshll.u32 s28, $0x1;
	[dreg:$0x2] =	wrdreg s4  }
0xaa: {  	[dreg:$0x3] =	wrdreg s5  }
0xab: {  	[dreg:$0x4] =	wrdreg $0xC0  }
0xac: {  	_ =	task [dreg:s8], $0x5FFFF  }
0xad: {  	[dreg:$0x1] =	wrdreg $0xFFFFFFFF  }
0xae: {  	[dreg:$0x0] =	wrdreg $0x60  }
0xaf: {  	[dreg:$0x2] =	wrdreg s2  }
0xb0: {  	[dreg:$0x3] =	wrdreg s19  }
0xb1: {  	[dreg:$0x4] =	wrdreg $0x9  }
0xb2: {  	_ =	task.clear_ibuf [dreg:s8], $0x5FFFF;
	_ =	strace $0x90000046  }
0xb3: {  	s29 =	simm.s32 $0x9;
	_ =	strace $0x80000048  }
0xb4: {  	_ =	swait.ge [sflag:s29], $0x1  }
0xb5: {  	[sflag:s29] =	ssyncadd.s32 $0xFFFFFFFF  }
0xb6: {  	_ =	strace $0x90000048  }
0xb7: {  	_ =	sfence  }
0xb8: {  	s30 =	sld [smem:$0x0];
	_ =	sdelay $0x2  }
0xb9: {  	s31 =	sshll.u32 s1, $0xD;
	s1 =	sshrl.u32 s1, $0x2  }
0xba: {  	s3 =	sand.u32 $0x4000, s31;
	s1 =	sadd.s32 s1, s30  }
0xbb: {  	s0 =	sor.u32 s3, s0;
	s1 =	sshll.u32 s1, $0x11  }
0xbc: {  	s0 =	sor.u32 s1, s0  }
0xbd: {  	s0 =	sadd.s32 $0x8F2B, s0  }
0xbe: {  	[sflag:s0] =	ssyncadd.remote.s32 $0x1  }
0xbf: {  	_ =	sfence.sel $0xFFFF  }
0xc0: {  	[dreg:$0x0] =	wrdreg $0xFFFFFFFF;
	(pc) =	sbr.abs _section_cstart, $3  }
0xc1: {  	[dreg:$0x1] =	wrdreg $0xFFFFFFFF  }
0xc2: {  	_ =	task.clear_ibuf [dreg:s8], $0x2FFFF;
	_ =	strace $0x9FFFFFFF  }
0xc3: {  	(tm) =	ssettm $0x7FFFFFFF  }
tec
execute0_lowered:
.L_overlay_start_1:
0x0: {  	(tag) =	ssettag $0x1  }
0x1: {  	s0 =	srdreg.scid;
	s1 =	rddreg [dreg:$0x0]  }
0x2: {  	s2 =	stileid.u32;
	s3 =	rddreg [dreg:$0x1];
	s14 =	simm.s32 $0x0  }
0x3: {  	s0 =	sand.u32 $0x1, s0;
	s2 =	sshll.u32 s2, $0x1;
	[smem:$0x7FF] =	sst s14  }
0x4: {  	s9 =	sadd.s32 $0x20, s3;
	s2 =	sor.u32 s0, s2;
	s0 =	ssub.s32 $0x2, s0  }
0x5: {  	s11 =	sadd.s32 $0x30, s3;
	s4 =	sshll.u32 s2, $0x8;
	s5 =	sshrl.u32 s0, $0x1  }
0x6: {  	s6 =	sshll.u32 s2, $0xF;
	s16 =	sshll.u32 s2, $0x11;
	s7 =	sor.u32 $0x28, s4  }
0x7: {  	s5 =	ssub.s32 s0, s5;
	s13 =	sadd.s32 s1, s6;
	s6 =	sadd.s32 $0x10, s3  }
0x8: {  	s2 =	sadd.s32 s3, s16;
	s18 =	sadd.s32 s16, s9;
	s19 =	sor.u32 $0x50, s4  }
0x9: {  	s8 =	sor.u32 $0x78, s4;
	s23 =	sor.u32 $0xA0, s4;
	[dreg:$0x3] =	wrdreg s13  }
0xa: {  	s12 =	sor.u32 $0xC8, s4;
	s4 =	sor.u32 $0xF0, s4;
	[dreg:$0x5] =	wrdreg s2  }
0xb: {  	s15 =	sshll.u32 s7, $0x7;
	s17 =	sadd.s32 s16, s6;
	[dreg:$0x7] =	wrdreg s18  }
0xc: {  	s20 =	sshll.u32 s19, $0x7;
	s21 =	sshll.u32 s7, $0x9;
	s22 =	sshll.u32 s8, $0x7  }
0xd: {  	s24 =	sshll.u32 s23, $0x7;
	s25 =	sshll.u32 s12, $0x7;
	s13 =	sshll.u32 s4, $0x7  }
0xe: {  	s18 =	sshll.u32 s8, $0x9;
	s0 =	sadd.s32 s1, s15;
	[dreg:$0x6] =	wrdreg s17  }
0xf: {  	s4 =	sshll.u32 s4, $0x9;
	s10 =	sadd.s32 s3, s21;
	[dreg:$0x4] =	wrdreg s0  }
0x10: {  	s7 =	sadd.s32 s1, s22;
	s26 =	sadd.s32 s21, s6;
	[dreg:$0xa] =	wrdreg s10  }
0x11: {  	s22 =	sadd.s32 s18, s9;
	s8 =	sadd.s32 s4, s6;
	[dreg:$0xb] =	wrdreg s7  }
0x12: {  	s0 =	sadd.s32 s16, s11;
	s10 =	sadd.s32 s1, s24;
	[dreg:$0xf] =	wrdreg s26  }
0x13: {  	[dreg:$0x19] =	wrdreg s22;
	s24 =	sshll.u32 s12, $0x9;
	s12 =	simm.s32 $0x80  }
0x14: {  	s22 =	simm.s32 $0x3000;
	[dreg:$0x8] =	wrdreg s0;
	s0 =	sadd.s32 s1, s20  }
0x15: {  	[dreg:$0xc] =	wrdreg s10;
	s10 =	sadd.s32 s1, s25;
	s1 =	sadd.s32 s1, s13  }
0x16: {  	s13 =	sshll.u32 s19, $0x9;
	s19 =	sshll.u32 s23, $0x9;
	s20 =	sadd.s32 s3, s18  }
0x17: {  	s30 =	sadd.s32 s3, s24;
	s31 =	sadd.s32 s24, s6;
	[dreg:$0x9] =	wrdreg s0  }
0x18: {  	s2 =	sadd.s32 s24, s11;
	s25 =	smax.u32 s5, $0x1;
	[dreg:$0xd] =	wrdreg s10  }
0x19: {  	[dreg:$0xe] =	wrdreg s1;
	s10 =	sadd.s32 s21, s9;
	s0 =	sadd.s32 s21, s11  }
0x1a: {  	s15 =	sadd.s32 s3, s13;
	s16 =	sadd.s32 s13, s6;
	[dreg:$0x17] =	wrdreg s20  }
0x1b: {  	s17 =	sadd.s32 s13, s9;
	s21 =	sadd.s32 s18, s6;
	[dreg:$0x10] =	wrdreg s10  }
0x1c: {  	s23 =	sadd.s32 s3, s19;
	s26 =	sadd.s32 s19, s6;
	[dreg:$0x12] =	wrdreg s0  }
0x1d: {  	s28 =	sadd.s32 s19, s9;
	s29 =	sadd.s32 s19, s11;
	[dreg:$0x13] =	wrdreg s15  }
0x1e: {  	s3 =	sadd.s32 s3, s4;
	s1 =	simm.s32 $0x1000;
	[dreg:$0x14] =	wrdreg s16  }
0x1f: {  	s6 =	simm.s32 $0x0;
	s19 =	simm.s32 $0x2400;
	[dreg:$0x15] =	wrdreg s17  }
0x20: {  	s20 =	simm.s32 $0x2800;
	s0 =	sadd.s32 s13, s11;
	[dreg:$0x18] =	wrdreg s21  }
0x21: {  	[dreg:$0x1b] =	wrdreg s23;
	s10 =	sadd.s32 s4, s9;
	s13 =	simm.s32 $0x1  }
0x22: {  	s16 =	simm.s32 $0x1800;
	s17 =	simm.s32 $0x1C00;
	s21 =	simm.s32 $0x2C00  }
0x23: {  	s23 =	simm.s32 $0x3400;
	[dreg:$0x16] =	wrdreg s0;
	s0 =	sadd.s32 s18, s11  }
0x24: {  	s11 =	sadd.s32 s4, s11;
	s4 =	simm.s32 $0x2;
	s18 =	simm.s32 $0x2000  }
0x25: {  	[dreg:$0x1a] =	wrdreg s0;
	s0 =	sadd.s32 s24, s9;
	s24 =	simm.s32 $0x3800  }
0x26: {  	_ =	strace $0x80000047;
	[dreg:$0x11] =	wrdreg s25;
	s25 =	simm.s32 $0x3C00  }
.LBB2_1:
0x27: {  	[dreg:$0x1c] =	wrdreg s6  }
0x28: {  	s5 =	rddreg [dreg:$0x3]  }
0x29: {  	[tilespmem:s14], [sflag:$0x1] =	stream.linear.gather [hbm4b:s5+s14], $0xA000, $0x38;
	[tilespmem:$0x1E000] =	vst v63  }
0x2a: {  	s7 =	rddreg [dreg:$0x4];
	s9 =	simm.s32 $0xA000  }
0x2b: {  	[tilespmem:s9], [sflag:$0x1] =	stream.linear.gather [hbm4b:s7+s14], $0xA000, $0x38;
	[tilespmem:$0x1E000] =	vst v63  }
0x2c: {  	_ =	swait.ge [sflag:s13], $0xA000  }
0x2d: {  	[sflag:s13] =	ssyncset.done $0x0  }
0x2e: {  	s15 =	simm.s32 $0x0;
	s14 =	rddreg [dreg:$0x5];
	[sflag:s13] =	ssyncadd.s32 $0xFFFF6000  }
0x2f: {  	[hbm4b:s14+s12] =	stream.strided.scatter [tilespmem:s15], [sflag:$0x2], $0x400, s1, s12, $0x38;
	[tilespmem:$0x1E000] =	vst v63  }
0x30: {  	s6 =	simm.s32 $0x400;
	s7 =	sadd.s32 $0x40, s14  }
0x31: {  	[hbm4b:s7+s12] =	stream.strided.scatter [tilespmem:s6], [sflag:$0x2], $0x400, s1, s12, $0x38;
	[tilespmem:$0x1E000] =	vst v63  }
0x32: {  	s9 =	simm.s32 $0x800;
	s15 =	sadd.s32 $0x80, s14  }
0x33: {  	[hbm4b:s15+s12] =	stream.strided.scatter [tilespmem:s9], [sflag:$0x2], $0x400, s1, s12, $0x38;
	[tilespmem:$0x1E000] =	vst v63  }
0x34: {  	s6 =	simm.s32 $0xC00;
	s7 =	sadd.s32 $0xC0, s14  }
0x35: {  	[hbm4b:s7+s12] =	stream.strided.scatter [tilespmem:s6], [sflag:$0x2], $0x400, s1, s12, $0x38;
	[tilespmem:$0x1E000] =	vst v63  }
0x36: {  	s9 =	simm.s32 $0x1000;
	s15 =	sadd.s32 $0x100, s14  }
0x37: {  	[hbm4b:s15+s12] =	stream.strided.scatter [tilespmem:s9], [sflag:$0x2], $0x400, s1, s12, $0x38;
	[tilespmem:$0x1E000] =	vst v63  }
0x38: {  	s6 =	simm.s32 $0x1400;
	s7 =	sadd.s32 $0x140, s14  }
0x39: {  	[hbm4b:s7+s12] =	stream.strided.scatter [tilespmem:s6], [sflag:$0x2], $0x400, s1, s12, $0x38;
	[tilespmem:$0x1E000] =	vst v63  }
0x3a: {  	s5 =	simm.s32 $0x8000;
	s9 =	simm.s32 $0x1800;
	s15 =	sadd.s32 $0x180, s14  }
0x3b: {  	[hbm4b:s15+s12] =	stream.strided.scatter [tilespmem:s9], [sflag:$0x2], $0x400, s1, s12, $0x38;
	[tilespmem:$0x1E000] =	vst v63  }
0x3c: {  	s7 =	simm.s32 $0x1C00;
	s6 =	sadd.s32 $0x1000, s14;
	s9 =	sadd.s32 $0x1C0, s14  }
.LBB2_2:
0x3d: {  	[hbm4b:s9+s12] =	stream.strided.scatter [tilespmem:s7], [sflag:$0x2], $0x400, s1, s12, $0x38;
	[tilespmem:$0x1E000] =	vst v63  }
0x3e: {  	s7 =	sshra.s32 s5, $0x2;
	p0 =	sne.s32 s5, $0x20000;
	s5 =	sadd.s32 $0x8000, s5  }
0x3f: {  	[hbm4b:s6+s12] =	stream.strided.scatter [tilespmem:s7], [sflag:$0x2], $0x400, s1, s12, $0x38;
	[tilespmem:$0x1E000] =	vst v63  }
0x40: {  	s14 =	sadd.s32 $0x40, s6;
	s9 =	sadd.s32 $0x400, s7  }
0x41: {  	[hbm4b:s14+s12] =	stream.strided.scatter [tilespmem:s9], [sflag:$0x2], $0x400, s1, s12, $0x38;
	[tilespmem:$0x1E000] =	vst v63  }
0x42: {  	s9 =	sadd.s32 $0x800, s7;
	s14 =	sadd.s32 $0x80, s6  }
0x43: {  	[hbm4b:s14+s12] =	stream.strided.scatter [tilespmem:s9], [sflag:$0x2], $0x400, s1, s12, $0x38;
	[tilespmem:$0x1E000] =	vst v63  }
0x44: {  	s9 =	sadd.s32 $0xC00, s7;
	s14 =	sadd.s32 $0xC0, s6  }
0x45: {  	[hbm4b:s14+s12] =	stream.strided.scatter [tilespmem:s9], [sflag:$0x2], $0x400, s1, s12, $0x38;
	[tilespmem:$0x1E000] =	vst v63  }
0x46: {  	s9 =	sadd.s32 $0x1000, s7;
	s14 =	sadd.s32 $0x100, s6  }
0x47: {  	[hbm4b:s14+s12] =	stream.strided.scatter [tilespmem:s9], [sflag:$0x2], $0x400, s1, s12, $0x38;
	[tilespmem:$0x1E000] =	vst v63  }
.Ltmp0:
0x48: {  	s9 =	sadd.s32 $0x1400, s7;
	s14 =	sadd.s32 $0x140, s6;
	(pc) =	sbr.rel @p0 .LBB2_2-.Ltmp0, $4  }
0x49: {  	[hbm4b:s14+s12] =	stream.strided.scatter [tilespmem:s9], [sflag:$0x2], $0x400, s1, s12, $0x38;
	[tilespmem:$0x1E000] =	vst v63  }
0x4a: {  	s9 =	sadd.s32 $0x1800, s7;
	s14 =	sadd.s32 $0x180, s6  }
0x4b: {  	[hbm4b:s14+s12] =	stream.strided.scatter [tilespmem:s9], [sflag:$0x2], $0x400, s1, s12, $0x38;
	[tilespmem:$0x1E000] =	vst v63  }
0x4c: {  	s7 =	sadd.s32 $0x1C00, s7;
	s9 =	sadd.s32 $0x1C0, s6;
	s6 =	sadd.s32 $0x1000, s6  }
0x4d: {  	[hbm4b:s9+s12] =	stream.strided.scatter [tilespmem:s7], [sflag:$0x2], $0x400, s1, s12, $0x38;
	[tilespmem:$0x1E000] =	vst v63  }
0x4e: {  	s5 =	simm.s32 $0x0;
	s14 =	rddreg [dreg:$0x6]  }
0x4f: {  	[hbm4b:s14+s12] =	stream.strided.scatter [tilespmem:s5], [sflag:$0x2], $0x400, s1, s12, $0x38;
	[tilespmem:$0x1E000] =	vst v63  }
0x50: {  	s7 =	simm.s32 $0x400;
	s6 =	sadd.s32 $0x40, s14  }
0x51: {  	[hbm4b:s6+s12] =	stream.strided.scatter [tilespmem:s7], [sflag:$0x2], $0x400, s1, s12, $0x38;
	[tilespmem:$0x1E000] =	vst v63  }
0x52: {  	s9 =	simm.s32 $0x800;
	s15 =	sadd.s32 $0x80, s14  }
0x53: {  	[hbm4b:s15+s12] =	stream.strided.scatter [tilespmem:s9], [sflag:$0x2], $0x400, s1, s12, $0x38;
	[tilespmem:$0x1E000] =	vst v63  }
0x54: {  	s6 =	simm.s32 $0xC00;
	s7 =	sadd.s32 $0xC0, s14  }
0x55: {  	[hbm4b:s7+s12] =	stream.strided.scatter [tilespmem:s6], [sflag:$0x2], $0x400, s1, s12, $0x38;
	[tilespmem:$0x1E000] =	vst v63  }
0x56: {  	s9 =	simm.s32 $0x1000;
	s15 =	sadd.s32 $0x100, s14  }
0x57: {  	[hbm4b:s15+s12] =	stream.strided.scatter [tilespmem:s9], [sflag:$0x2], $0x400, s1, s12, $0x38;
	[tilespmem:$0x1E000] =	vst v63  }
0x58: {  	s6 =	simm.s32 $0x1400;
	s7 =	sadd.s32 $0x140, s14  }
0x59: {  	[hbm4b:s7+s12] =	stream.strided.scatter [tilespmem:s6], [sflag:$0x2], $0x400, s1, s12, $0x38;
	[tilespmem:$0x1E000] =	vst v63  }
0x5a: {  	s5 =	simm.s32 $0x8000;
	s9 =	simm.s32 $0x1800;
	s15 =	sadd.s32 $0x180, s14  }
0x5b: {  	[hbm4b:s15+s12] =	stream.strided.scatter [tilespmem:s9], [sflag:$0x2], $0x400, s1, s12, $0x38;
	[tilespmem:$0x1E000] =	vst v63  }
0x5c: {  	s7 =	simm.s32 $0x1C00;
	s6 =	sadd.s32 $0x1000, s14;
	s9 =	sadd.s32 $0x1C0, s14  }
.LBB2_4:
0x5d: {  	[hbm4b:s9+s12] =	stream.strided.scatter [tilespmem:s7], [sflag:$0x2], $0x400, s1, s12, $0x38;
	[tilespmem:$0x1E000] =	vst v63  }
0x5e: {  	s7 =	sshra.s32 s5, $0x2;
	p0 =	sne.s32 s5, $0x20000;
	s5 =	sadd.s32 $0x8000, s5  }
0x5f: {  	[hbm4b:s6+s12] =	stream.strided.scatter [tilespmem:s7], [sflag:$0x2], $0x400, s1, s12, $0x38;
	[tilespmem:$0x1E000] =	vst v63  }
0x60: {  	s14 =	sadd.s32 $0x40, s6;
	s9 =	sadd.s32 $0x400, s7  }
0x61: {  	[hbm4b:s14+s12] =	stream.strided.scatter [tilespmem:s9], [sflag:$0x2], $0x400, s1, s12, $0x38;
	[tilespmem:$0x1E000] =	vst v63  }
0x62: {  	s9 =	sadd.s32 $0x800, s7;
	s14 =	sadd.s32 $0x80, s6  }
0x63: {  	[hbm4b:s14+s12] =	stream.strided.scatter [tilespmem:s9], [sflag:$0x2], $0x400, s1, s12, $0x38;
	[tilespmem:$0x1E000] =	vst v63  }
0x64: {  	s9 =	sadd.s32 $0xC00, s7;
	s14 =	sadd.s32 $0xC0, s6  }
0x65: {  	[hbm4b:s14+s12] =	stream.strided.scatter [tilespmem:s9], [sflag:$0x2], $0x400, s1, s12, $0x38;
	[tilespmem:$0x1E000] =	vst v63  }
0x66: {  	s9 =	sadd.s32 $0x1000, s7;
	s14 =	sadd.s32 $0x100, s6  }
0x67: {  	[hbm4b:s14+s12] =	stream.strided.scatter [tilespmem:s9], [sflag:$0x2], $0x400, s1, s12, $0x38;
	[tilespmem:$0x1E000] =	vst v63  }
.Ltmp1:
0x68: {  	s9 =	sadd.s32 $0x1400, s7;
	s14 =	sadd.s32 $0x140, s6;
	(pc) =	sbr.rel @p0 .LBB2_4-.Ltmp1, $4  }
0x69: {  	[hbm4b:s14+s12] =	stream.strided.scatter [tilespmem:s9], [sflag:$0x2], $0x400, s1, s12, $0x38;
	[tilespmem:$0x1E000] =	vst v63  }
0x6a: {  	s9 =	sadd.s32 $0x1800, s7;
	s14 =	sadd.s32 $0x180, s6  }
0x6b: {  	[hbm4b:s14+s12] =	stream.strided.scatter [tilespmem:s9], [sflag:$0x2], $0x400, s1, s12, $0x38;
	[tilespmem:$0x1E000] =	vst v63  }
0x6c: {  	s7 =	sadd.s32 $0x1C00, s7;
	s9 =	sadd.s32 $0x1C0, s6;
	s6 =	sadd.s32 $0x1000, s6  }
0x6d: {  	[hbm4b:s9+s12] =	stream.strided.scatter [tilespmem:s7], [sflag:$0x2], $0x400, s1, s12, $0x38;
	[tilespmem:$0x1E000] =	vst v63  }
0x6e: {  	s5 =	simm.s32 $0x0;
	s14 =	rddreg [dreg:$0x7]  }
0x6f: {  	[hbm4b:s14+s12] =	stream.strided.scatter [tilespmem:s5], [sflag:$0x2], $0x400, s1, s12, $0x38;
	[tilespmem:$0x1E000] =	vst v63  }
0x70: {  	s7 =	simm.s32 $0x400;
	s6 =	sadd.s32 $0x40, s14  }
0x71: {  	[hbm4b:s6+s12] =	stream.strided.scatter [tilespmem:s7], [sflag:$0x2], $0x400, s1, s12, $0x38;
	[tilespmem:$0x1E000] =	vst v63  }
0x72: {  	s9 =	simm.s32 $0x800;
	s15 =	sadd.s32 $0x80, s14  }
0x73: {  	[hbm4b:s15+s12] =	stream.strided.scatter [tilespmem:s9], [sflag:$0x2], $0x400, s1, s12, $0x38;
	[tilespmem:$0x1E000] =	vst v63  }
0x74: {  	s6 =	simm.s32 $0xC00;
	s7 =	sadd.s32 $0xC0, s14  }
0x75: {  	[hbm4b:s7+s12] =	stream.strided.scatter [tilespmem:s6], [sflag:$0x2], $0x400, s1, s12, $0x38;
	[tilespmem:$0x1E000] =	vst v63  }
0x76: {  	s9 =	simm.s32 $0x1000;
	s15 =	sadd.s32 $0x100, s14  }
0x77: {  	[hbm4b:s15+s12] =	stream.strided.scatter [tilespmem:s9], [sflag:$0x2], $0x400, s1, s12, $0x38;
	[tilespmem:$0x1E000] =	vst v63  }
0x78: {  	s6 =	simm.s32 $0x1400;
	s7 =	sadd.s32 $0x140, s14  }
0x79: {  	[hbm4b:s7+s12] =	stream.strided.scatter [tilespmem:s6], [sflag:$0x2], $0x400, s1, s12, $0x38;
	[tilespmem:$0x1E000] =	vst v63  }
0x7a: {  	s5 =	simm.s32 $0x8000;
	s9 =	simm.s32 $0x1800;
	s15 =	sadd.s32 $0x180, s14  }
0x7b: {  	[hbm4b:s15+s12] =	stream.strided.scatter [tilespmem:s9], [sflag:$0x2], $0x400, s1, s12, $0x38;
	[tilespmem:$0x1E000] =	vst v63  }
0x7c: {  	s7 =	simm.s32 $0x1C00;
	s6 =	sadd.s32 $0x1000, s14;
	s9 =	sadd.s32 $0x1C0, s14  }
.LBB2_6:
0x7d: {  	[hbm4b:s9+s12] =	stream.strided.scatter [tilespmem:s7], [sflag:$0x2], $0x400, s1, s12, $0x38;
	[tilespmem:$0x1E000] =	vst v63  }
0x7e: {  	s7 =	sshra.s32 s5, $0x2;
	p0 =	sne.s32 s5, $0x20000;
	s5 =	sadd.s32 $0x8000, s5  }
0x7f: {  	[hbm4b:s6+s12] =	stream.strided.scatter [tilespmem:s7], [sflag:$0x2], $0x400, s1, s12, $0x38;
	[tilespmem:$0x1E000] =	vst v63  }
0x80: {  	s14 =	sadd.s32 $0x40, s6;
	s9 =	sadd.s32 $0x400, s7  }
0x81: {  	[hbm4b:s14+s12] =	stream.strided.scatter [tilespmem:s9], [sflag:$0x2], $0x400, s1, s12, $0x38;
	[tilespmem:$0x1E000] =	vst v63  }
0x82: {  	s9 =	sadd.s32 $0x800, s7;
	s14 =	sadd.s32 $0x80, s6  }
0x83: {  	[hbm4b:s14+s12] =	stream.strided.scatter [tilespmem:s9], [sflag:$0x2], $0x400, s1, s12, $0x38;
	[tilespmem:$0x1E000] =	vst v63  }
0x84: {  	s9 =	sadd.s32 $0xC00, s7;
	s14 =	sadd.s32 $0xC0, s6  }
0x85: {  	[hbm4b:s14+s12] =	stream.strided.scatter [tilespmem:s9], [sflag:$0x2], $0x400, s1, s12, $0x38;
	[tilespmem:$0x1E000] =	vst v63  }
0x86: {  	s9 =	sadd.s32 $0x1000, s7;
	s14 =	sadd.s32 $0x100, s6  }
0x87: {  	[hbm4b:s14+s12] =	stream.strided.scatter [tilespmem:s9], [sflag:$0x2], $0x400, s1, s12, $0x38;
	[tilespmem:$0x1E000] =	vst v63  }
.Ltmp2:
0x88: {  	s9 =	sadd.s32 $0x1400, s7;
	s14 =	sadd.s32 $0x140, s6;
	(pc) =	sbr.rel @p0 .LBB2_6-.Ltmp2, $4  }
0x89: {  	[hbm4b:s14+s12] =	stream.strided.scatter [tilespmem:s9], [sflag:$0x2], $0x400, s1, s12, $0x38;
	[tilespmem:$0x1E000] =	vst v63  }
0x8a: {  	s9 =	sadd.s32 $0x1800, s7;
	s14 =	sadd.s32 $0x180, s6  }
0x8b: {  	[hbm4b:s14+s12] =	stream.strided.scatter [tilespmem:s9], [sflag:$0x2], $0x400, s1, s12, $0x38;
	[tilespmem:$0x1E000] =	vst v63  }
0x8c: {  	s7 =	sadd.s32 $0x1C00, s7;
	s9 =	sadd.s32 $0x1C0, s6;
	s6 =	sadd.s32 $0x1000, s6  }
0x8d: {  	[hbm4b:s9+s12] =	stream.strided.scatter [tilespmem:s7], [sflag:$0x2], $0x400, s1, s12, $0x38;
	[tilespmem:$0x1E000] =	vst v63  }
0x8e: {  	s5 =	simm.s32 $0x0;
	s14 =	rddreg [dreg:$0x8]  }
0x8f: {  	[hbm4b:s14+s12] =	stream.strided.scatter [tilespmem:s5], [sflag:$0x2], $0x400, s1, s12, $0x38;
	[tilespmem:$0x1E000] =	vst v63  }
0x90: {  	s7 =	simm.s32 $0x400;
	s6 =	sadd.s32 $0x40, s14  }
0x91: {  	[hbm4b:s6+s12] =	stream.strided.scatter [tilespmem:s7], [sflag:$0x2], $0x400, s1, s12, $0x38;
	[tilespmem:$0x1E000] =	vst v63  }
0x92: {  	s9 =	simm.s32 $0x800;
	s15 =	sadd.s32 $0x80, s14  }
0x93: {  	[hbm4b:s15+s12] =	stream.strided.scatter [tilespmem:s9], [sflag:$0x2], $0x400, s1, s12, $0x38;
	[tilespmem:$0x1E000] =	vst v63  }
0x94: {  	s6 =	simm.s32 $0xC00;
	s7 =	sadd.s32 $0xC0, s14  }
0x95: {  	[hbm4b:s7+s12] =	stream.strided.scatter [tilespmem:s6], [sflag:$0x2], $0x400, s1, s12, $0x38;
	[tilespmem:$0x1E000] =	vst v63  }
0x96: {  	s9 =	simm.s32 $0x1000;
	s15 =	sadd.s32 $0x100, s14  }
0x97: {  	[hbm4b:s15+s12] =	stream.strided.scatter [tilespmem:s9], [sflag:$0x2], $0x400, s1, s12, $0x38;
	[tilespmem:$0x1E000] =	vst v63  }
0x98: {  	s6 =	simm.s32 $0x1400;
	s7 =	sadd.s32 $0x140, s14  }
0x99: {  	[hbm4b:s7+s12] =	stream.strided.scatter [tilespmem:s6], [sflag:$0x2], $0x400, s1, s12, $0x38;
	[tilespmem:$0x1E000] =	vst v63  }
0x9a: {  	s5 =	simm.s32 $0x8000;
	s9 =	simm.s32 $0x1800;
	s15 =	sadd.s32 $0x180, s14  }
0x9b: {  	[hbm4b:s15+s12] =	stream.strided.scatter [tilespmem:s9], [sflag:$0x2], $0x400, s1, s12, $0x38;
	[tilespmem:$0x1E000] =	vst v63  }
0x9c: {  	s7 =	simm.s32 $0x1C00;
	s6 =	sadd.s32 $0x1000, s14;
	s9 =	sadd.s32 $0x1C0, s14  }
.LBB2_8:
0x9d: {  	[hbm4b:s9+s12] =	stream.strided.scatter [tilespmem:s7], [sflag:$0x2], $0x400, s1, s12, $0x38;
	[tilespmem:$0x1E000] =	vst v63  }
0x9e: {  	s7 =	sshra.s32 s5, $0x2;
	p0 =	sne.s32 s5, $0x20000;
	s5 =	sadd.s32 $0x8000, s5  }
0x9f: {  	[hbm4b:s6+s12] =	stream.strided.scatter [tilespmem:s7], [sflag:$0x2], $0x400, s1, s12, $0x38;
	[tilespmem:$0x1E000] =	vst v63  }
0xa0: {  	s14 =	sadd.s32 $0x40, s6;
	s9 =	sadd.s32 $0x400, s7  }
0xa1: {  	[hbm4b:s14+s12] =	stream.strided.scatter [tilespmem:s9], [sflag:$0x2], $0x400, s1, s12, $0x38;
	[tilespmem:$0x1E000] =	vst v63  }
0xa2: {  	s9 =	sadd.s32 $0x800, s7;
	s14 =	sadd.s32 $0x80, s6  }
0xa3: {  	[hbm4b:s14+s12] =	stream.strided.scatter [tilespmem:s9], [sflag:$0x2], $0x400, s1, s12, $0x38;
	[tilespmem:$0x1E000] =	vst v63  }
0xa4: {  	s9 =	sadd.s32 $0xC00, s7;
	s14 =	sadd.s32 $0xC0, s6  }
0xa5: {  	[hbm4b:s14+s12] =	stream.strided.scatter [tilespmem:s9], [sflag:$0x2], $0x400, s1, s12, $0x38;
	[tilespmem:$0x1E000] =	vst v63  }
0xa6: {  	s9 =	sadd.s32 $0x1000, s7;
	s14 =	sadd.s32 $0x100, s6  }
0xa7: {  	[hbm4b:s14+s12] =	stream.strided.scatter [tilespmem:s9], [sflag:$0x2], $0x400, s1, s12, $0x38;
	[tilespmem:$0x1E000] =	vst v63  }
.Ltmp3:
0xa8: {  	s9 =	sadd.s32 $0x1400, s7;
	s14 =	sadd.s32 $0x140, s6;
	(pc) =	sbr.rel @p0 .LBB2_8-.Ltmp3, $4  }
0xa9: {  	[hbm4b:s14+s12] =	stream.strided.scatter [tilespmem:s9], [sflag:$0x2], $0x400, s1, s12, $0x38;
	[tilespmem:$0x1E000] =	vst v63  }
0xaa: {  	s9 =	sadd.s32 $0x1800, s7;
	s14 =	sadd.s32 $0x180, s6  }
0xab: {  	[hbm4b:s14+s12] =	stream.strided.scatter [tilespmem:s9], [sflag:$0x2], $0x400, s1, s12, $0x38;
	[tilespmem:$0x1E000] =	vst v63  }
0xac: {  	s7 =	sadd.s32 $0x1C00, s7;
	s9 =	sadd.s32 $0x1C0, s6;
	s6 =	sadd.s32 $0x1000, s6  }
0xad: {  	[hbm4b:s9+s12] =	stream.strided.scatter [tilespmem:s7], [sflag:$0x2], $0x400, s1, s12, $0x38;
	[tilespmem:$0x1E000] =	vst v63  }
0xae: {  	s5 =	simm.s32 $0x0;
	s6 =	rddreg [dreg:$0x9];
	s9 =	simm.s32 $0x14000  }
0xaf: {  	[tilespmem:s9], [sflag:$0x1] =	stream.linear.gather [hbm4b:s6+s5], $0xA000, $0x38;
	[tilespmem:$0x1E000] =	vst v63  }
0xb0: {  	_ =	swait.ge [sflag:s13], $0xA000  }
0xb1: {  	[sflag:s13] =	ssyncset.done $0x0  }
0xb2: {  	s14 =	simm.s32 $0xA000;
	s15 =	rddreg [dreg:$0xa];
	[sflag:s13] =	ssyncadd.s32 $0xFFFF6000  }
0xb3: {  	[hbm4b:s15+s12] =	stream.strided.scatter [tilespmem:s14], [sflag:$0x2], $0x400, s1, s12, $0x38;
	[tilespmem:$0x1E000] =	vst v63  }
0xb4: {  	s6 =	simm.s32 $0xA400;
	s7 =	sadd.s32 $0x40, s15  }
0xb5: {  	[hbm4b:s7+s12] =	stream.strided.scatter [tilespmem:s6], [sflag:$0x2], $0x400, s1, s12, $0x38;
	[tilespmem:$0x1E000] =	vst v63  }
0xb6: {  	s9 =	simm.s32 $0xA800;
	s14 =	sadd.s32 $0x80, s15  }
0xb7: {  	[hbm4b:s14+s12] =	stream.strided.scatter [tilespmem:s9], [sflag:$0x2], $0x400, s1, s12, $0x38;
	[tilespmem:$0x1E000] =	vst v63  }
0xb8: {  	s6 =	simm.s32 $0xAC00;
	s7 =	sadd.s32 $0xC0, s15  }
0xb9: {  	[hbm4b:s7+s12] =	stream.strided.scatter [tilespmem:s6], [sflag:$0x2], $0x400, s1, s12, $0x38;
	[tilespmem:$0x1E000] =	vst v63  }
0xba: {  	s9 =	simm.s32 $0xB000;
	s14 =	sadd.s32 $0x100, s15  }
0xbb: {  	[hbm4b:s14+s12] =	stream.strided.scatter [tilespmem:s9], [sflag:$0x2], $0x400, s1, s12, $0x38;
	[tilespmem:$0x1E000] =	vst v63  }
0xbc: {  	s5 =	simm.s32 $0x2000;
	s6 =	simm.s32 $0xB400;
	s7 =	sadd.s32 $0x140, s15  }
0xbd: {  	[hbm4b:s7+s12] =	stream.strided.scatter [tilespmem:s6], [sflag:$0x2], $0x400, s1, s12, $0x38;
	[tilespmem:$0x1E000] =	vst v63  }
0xbe: {  	s9 =	simm.s32 $0xB800;
	s14 =	sadd.s32 $0x180, s15;
	s7 =	simm.s32 $0x10000  }
0xbf: {  	[hbm4b:s14+s12] =	stream.strided.scatter [tilespmem:s9], [sflag:$0x2], $0x400, s1, s12, $0x38;
	[tilespmem:$0x1E000] =	vst v63  }
0xc0: {  	s6 =	sadd.s32 $0x1000, s15;
	s9 =	simm.s32 $0xBC00;
	s14 =	sadd.s32 $0x1C0, s15  }
.LBB2_10:
0xc1: {  	[hbm4b:s14+s12] =	stream.strided.scatter [tilespmem:s9], [sflag:$0x2], $0x400, s1, s12, $0x38;
	[tilespmem:$0x1E000] =	vst v63  }
0xc2: {  	s9 =	smov.u32 s5;
	s5 =	smov.u32 s7  }
0xc3: {  	s15 =	sadd.s32 $0x8000, s7;
	s5 =	sshra.s32 s5, $0x2;
	s14 =	sadd.s32 $0xA000, s9  }
0xc4: {  	[hbm4b:s6+s12] =	stream.strided.scatter [tilespmem:s14], [sflag:$0x2], $0x400, s1, s12, $0x38;
	[tilespmem:$0x1E000] =	vst v63  }
0xc5: {  	p0 =	sne.s32 s7, $0x20000;
	s7 =	sadd.s32 $0xA400, s9;
	s14 =	sadd.s32 $0x40, s6  }
0xc6: {  	[hbm4b:s14+s12] =	stream.strided.scatter [tilespmem:s7], [sflag:$0x2], $0x400, s1, s12, $0x38;
	[tilespmem:$0x1E000] =	vst v63  }
0xc7: {  	s7 =	sadd.s32 $0xA800, s9;
	s14 =	sadd.s32 $0x80, s6  }
0xc8: {  	[hbm4b:s14+s12] =	stream.strided.scatter [tilespmem:s7], [sflag:$0x2], $0x400, s1, s12, $0x38;
	[tilespmem:$0x1E000] =	vst v63  }
0xc9: {  	s7 =	sadd.s32 $0xAC00, s9;
	s14 =	sadd.s32 $0xC0, s6  }
0xca: {  	[hbm4b:s14+s12] =	stream.strided.scatter [tilespmem:s7], [sflag:$0x2], $0x400, s1, s12, $0x38;
	[tilespmem:$0x1E000] =	vst v63  }
0xcb: {  	s7 =	sadd.s32 $0xB000, s9;
	s14 =	sadd.s32 $0x100, s6  }
0xcc: {  	[hbm4b:s14+s12] =	stream.strided.scatter [tilespmem:s7], [sflag:$0x2], $0x400, s1, s12, $0x38;
	[tilespmem:$0x1E000] =	vst v63  }
.Ltmp4:
0xcd: {  	s7 =	sadd.s32 $0xB400, s9;
	s14 =	sadd.s32 $0x140, s6;
	(pc) =	sbr.rel @p0 .LBB2_10-.Ltmp4, $4  }
0xce: {  	[hbm4b:s14+s12] =	stream.strided.scatter [tilespmem:s7], [sflag:$0x2], $0x400, s1, s12, $0x38;
	[tilespmem:$0x1E000] =	vst v63  }
0xcf: {  	s7 =	sadd.s32 $0xB800, s9;
	s14 =	sadd.s32 $0x180, s6;
	s9 =	sadd.s32 $0xBC00, s9  }
0xd0: {  	[hbm4b:s14+s12] =	stream.strided.scatter [tilespmem:s7], [sflag:$0x2], $0x400, s1, s12, $0x38;
	[tilespmem:$0x1E000] =	vst v63  }
0xd1: {  	s14 =	sadd.s32 $0x1C0, s6;
	s6 =	sadd.s32 $0x1000, s6;
	s7 =	smov.u32 s15  }
0xd2: {  	[hbm4b:s14+s12] =	stream.strided.scatter [tilespmem:s9], [sflag:$0x2], $0x400, s1, s12, $0x38;
	[tilespmem:$0x1E000] =	vst v63  }
0xd3: {  	s7 =	sadd.s32 $0xA000, s5  }
0xd4: {  	[hbm4b:s6+s12] =	stream.strided.scatter [tilespmem:s7], [sflag:$0x2], $0x400, s1, s12, $0x38;
	[tilespmem:$0x1E000] =	vst v63  }
0xd5: {  	s14 =	sadd.s32 $0xA400, s5;
	s15 =	sadd.s32 $0x40, s6  }
0xd6: {  	[hbm4b:s15+s12] =	stream.strided.scatter [tilespmem:s14], [sflag:$0x2], $0x400, s1, s12, $0x38;
	[tilespmem:$0x1E000] =	vst v63  }
0xd7: {  	s14 =	sadd.s32 $0xA800, s5;
	s15 =	sadd.s32 $0x80, s6  }
0xd8: {  	[hbm4b:s15+s12] =	stream.strided.scatter [tilespmem:s14], [sflag:$0x2], $0x400, s1, s12, $0x38;
	[tilespmem:$0x1E000] =	vst v63  }
0xd9: {  	s14 =	sadd.s32 $0xAC00, s5;
	s15 =	sadd.s32 $0xC0, s6  }
0xda: {  	[hbm4b:s15+s12] =	stream.strided.scatter [tilespmem:s14], [sflag:$0x2], $0x400, s1, s12, $0x38;
	[tilespmem:$0x1E000] =	vst v63  }
0xdb: {  	s14 =	sadd.s32 $0xB000, s5;
	s15 =	sadd.s32 $0x100, s6  }
0xdc: {  	[hbm4b:s15+s12] =	stream.strided.scatter [tilespmem:s14], [sflag:$0x2], $0x400, s1, s12, $0x38;
	[tilespmem:$0x1E000] =	vst v63  }
0xdd: {  	s14 =	sadd.s32 $0xB400, s5;
	s15 =	sadd.s32 $0x140, s6  }
0xde: {  	[hbm4b:s15+s12] =	stream.strided.scatter [tilespmem:s14], [sflag:$0x2], $0x400, s1, s12, $0x38;
	[tilespmem:$0x1E000] =	vst v63  }
0xdf: {  	s14 =	sadd.s32 $0xB800, s5;
	s15 =	sadd.s32 $0x180, s6  }
0xe0: {  	[hbm4b:s15+s12] =	stream.strided.scatter [tilespmem:s14], [sflag:$0x2], $0x400, s1, s12, $0x38;
	[tilespmem:$0x1E000] =	vst v63  }
0xe1: {  	s9 =	sadd.s32 $0x1C0, s6;
	s7 =	sadd.s32 $0xBC00, s5  }
0xe2: {  	[hbm4b:s9+s12] =	stream.strided.scatter [tilespmem:s7], [sflag:$0x2], $0x400, s1, s12, $0x38;
	[tilespmem:$0x1E000] =	vst v63  }
0xe3: {  	s14 =	simm.s32 $0xA000;
	s15 =	rddreg [dreg:$0xf]  }
0xe4: {  	[hbm4b:s15+s12] =	stream.strided.scatter [tilespmem:s14], [sflag:$0x2], $0x400, s1, s12, $0x38;
	[tilespmem:$0x1E000] =	vst v63  }
0xe5: {  	s6 =	simm.s32 $0xA400;
	s7 =	sadd.s32 $0x40, s15  }
0xe6: {  	[hbm4b:s7+s12] =	stream.strided.scatter [tilespmem:s6], [sflag:$0x2], $0x400, s1, s12, $0x38;
	[tilespmem:$0x1E000] =	vst v63  }
0xe7: {  	s9 =	simm.s32 $0xA800;
	s14 =	sadd.s32 $0x80, s15  }
0xe8: {  	[hbm4b:s14+s12] =	stream.strided.scatter [tilespmem:s9], [sflag:$0x2], $0x400, s1, s12, $0x38;
	[tilespmem:$0x1E000] =	vst v63  }
0xe9: {  	s6 =	simm.s32 $0xAC00;
	s7 =	sadd.s32 $0xC0, s15  }
0xea: {  	[hbm4b:s7+s12] =	stream.strided.scatter [tilespmem:s6], [sflag:$0x2], $0x400, s1, s12, $0x38;
	[tilespmem:$0x1E000] =	vst v63  }
0xeb: {  	s9 =	simm.s32 $0xB000;
	s14 =	sadd.s32 $0x100, s15  }
0xec: {  	[hbm4b:s14+s12] =	stream.strided.scatter [tilespmem:s9], [sflag:$0x2], $0x400, s1, s12, $0x38;
	[tilespmem:$0x1E000] =	vst v63  }
0xed: {  	s5 =	simm.s32 $0x2000;
	s6 =	simm.s32 $0xB400;
	s7 =	sadd.s32 $0x140, s15  }
0xee: {  	[hbm4b:s7+s12] =	stream.strided.scatter [tilespmem:s6], [sflag:$0x2], $0x400, s1, s12, $0x38;
	[tilespmem:$0x1E000] =	vst v63  }
0xef: {  	s9 =	simm.s32 $0xB800;
	s14 =	sadd.s32 $0x180, s15;
	s7 =	simm.s32 $0x10000  }
0xf0: {  	[hbm4b:s14+s12] =	stream.strided.scatter [tilespmem:s9], [sflag:$0x2], $0x400, s1, s12, $0x38;
	[tilespmem:$0x1E000] =	vst v63  }
0xf1: {  	s6 =	sadd.s32 $0x1000, s15;
	s9 =	simm.s32 $0xBC00;
	s14 =	sadd.s32 $0x1C0, s15  }
.LBB2_12:
0xf2: {  	[hbm4b:s14+s12] =	stream.strided.scatter [tilespmem:s9], [sflag:$0x2], $0x400, s1, s12, $0x38;
	[tilespmem:$0x1E000] =	vst v63  }
0xf3: {  	s9 =	smov.u32 s5;
	s5 =	smov.u32 s7  }
0xf4: {  	s15 =	sadd.s32 $0x8000, s7;
	s5 =	sshra.s32 s5, $0x2;
	s14 =	sadd.s32 $0xA000, s9  }
0xf5: {  	[hbm4b:s6+s12] =	stream.strided.scatter [tilespmem:s14], [sflag:$0x2], $0x400, s1, s12, $0x38;
	[tilespmem:$0x1E000] =	vst v63  }
0xf6: {  	p0 =	sne.s32 s7, $0x20000;
	s7 =	sadd.s32 $0xA400, s9;
	s14 =	sadd.s32 $0x40, s6  }
0xf7: {  	[hbm4b:s14+s12] =	stream.strided.scatter [tilespmem:s7], [sflag:$0x2], $0x400, s1, s12, $0x38;
	[tilespmem:$0x1E000] =	vst v63  }
0xf8: {  	s7 =	sadd.s32 $0xA800, s9;
	s14 =	sadd.s32 $0x80, s6  }
0xf9: {  	[hbm4b:s14+s12] =	stream.strided.scatter [tilespmem:s7], [sflag:$0x2], $0x400, s1, s12, $0x38;
	[tilespmem:$0x1E000] =	vst v63  }
0xfa: {  	s7 =	sadd.s32 $0xAC00, s9;
	s14 =	sadd.s32 $0xC0, s6  }
0xfb: {  	[hbm4b:s14+s12] =	stream.strided.scatter [tilespmem:s7], [sflag:$0x2], $0x400, s1, s12, $0x38;
	[tilespmem:$0x1E000] =	vst v63  }
0xfc: {  	s7 =	sadd.s32 $0xB000, s9;
	s14 =	sadd.s32 $0x100, s6  }
0xfd: {  	[hbm4b:s14+s12] =	stream.strided.scatter [tilespmem:s7], [sflag:$0x2], $0x400, s1, s12, $0x38;
	[tilespmem:$0x1E000] =	vst v63  }
.Ltmp5:
0xfe: {  	s7 =	sadd.s32 $0xB400, s9;
	s14 =	sadd.s32 $0x140, s6;
	(pc) =	sbr.rel @p0 .LBB2_12-.Ltmp5, $4  }
0xff: {  	[hbm4b:s14+s12] =	stream.strided.scatter [tilespmem:s7], [sflag:$0x2], $0x400, s1, s12, $0x38;
	[tilespmem:$0x1E000] =	vst v63  }
0x100: {  	s7 =	sadd.s32 $0xB800, s9;
	s14 =	sadd.s32 $0x180, s6;
	s9 =	sadd.s32 $0xBC00, s9  }
0x101: {  	[hbm4b:s14+s12] =	stream.strided.scatter [tilespmem:s7], [sflag:$0x2], $0x400, s1, s12, $0x38;
	[tilespmem:$0x1E000] =	vst v63  }
0x102: {  	s14 =	sadd.s32 $0x1C0, s6;
	s6 =	sadd.s32 $0x1000, s6;
	s7 =	smov.u32 s15  }
0x103: {  	[hbm4b:s14+s12] =	stream.strided.scatter [tilespmem:s9], [sflag:$0x2], $0x400, s1, s12, $0x38;
	[tilespmem:$0x1E000] =	vst v63  }
0x104: {  	s7 =	sadd.s32 $0xA000, s5  }
0x105: {  	[hbm4b:s6+s12] =	stream.strided.scatter [tilespmem:s7], [sflag:$0x2], $0x400, s1, s12, $0x38;
	[tilespmem:$0x1E000] =	vst v63  }
0x106: {  	s14 =	sadd.s32 $0xA400, s5;
	s15 =	sadd.s32 $0x40, s6  }
0x107: {  	[hbm4b:s15+s12] =	stream.strided.scatter [tilespmem:s14], [sflag:$0x2], $0x400, s1, s12, $0x38;
	[tilespmem:$0x1E000] =	vst v63  }
0x108: {  	s14 =	sadd.s32 $0xA800, s5;
	s15 =	sadd.s32 $0x80, s6  }
0x109: {  	[hbm4b:s15+s12] =	stream.strided.scatter [tilespmem:s14], [sflag:$0x2], $0x400, s1, s12, $0x38;
	[tilespmem:$0x1E000] =	vst v63  }
0x10a: {  	s14 =	sadd.s32 $0xAC00, s5;
	s15 =	sadd.s32 $0xC0, s6  }
0x10b: {  	[hbm4b:s15+s12] =	stream.strided.scatter [tilespmem:s14], [sflag:$0x2], $0x400, s1, s12, $0x38;
	[tilespmem:$0x1E000] =	vst v63  }
0x10c: {  	s14 =	sadd.s32 $0xB000, s5;
	s15 =	sadd.s32 $0x100, s6  }
0x10d: {  	[hbm4b:s15+s12] =	stream.strided.scatter [tilespmem:s14], [sflag:$0x2], $0x400, s1, s12, $0x38;
	[tilespmem:$0x1E000] =	vst v63  }
0x10e: {  	s14 =	sadd.s32 $0xB400, s5;
	s15 =	sadd.s32 $0x140, s6  }
0x10f: {  	[hbm4b:s15+s12] =	stream.strided.scatter [tilespmem:s14], [sflag:$0x2], $0x400, s1, s12, $0x38;
	[tilespmem:$0x1E000] =	vst v63  }
0x110: {  	s14 =	sadd.s32 $0xB800, s5;
	s15 =	sadd.s32 $0x180, s6  }
0x111: {  	[hbm4b:s15+s12] =	stream.strided.scatter [tilespmem:s14], [sflag:$0x2], $0x400, s1, s12, $0x38;
	[tilespmem:$0x1E000] =	vst v63  }
0x112: {  	s9 =	sadd.s32 $0x1C0, s6;
	s7 =	sadd.s32 $0xBC00, s5  }
0x113: {  	[hbm4b:s9+s12] =	stream.strided.scatter [tilespmem:s7], [sflag:$0x2], $0x400, s1, s12, $0x38;
	[tilespmem:$0x1E000] =	vst v63  }
0x114: {  	s14 =	simm.s32 $0xA000;
	s15 =	rddreg [dreg:$0x10]  }
0x115: {  	[hbm4b:s15+s12] =	stream.strided.scatter [tilespmem:s14], [sflag:$0x2], $0x400, s1, s12, $0x38;
	[tilespmem:$0x1E000] =	vst v63  }
0x116: {  	s6 =	simm.s32 $0xA400;
	s7 =	sadd.s32 $0x40, s15  }
0x117: {  	[hbm4b:s7+s12] =	stream.strided.scatter [tilespmem:s6], [sflag:$0x2], $0x400, s1, s12, $0x38;
	[tilespmem:$0x1E000] =	vst v63  }
0x118: {  	s9 =	simm.s32 $0xA800;
	s14 =	sadd.s32 $0x80, s15  }
0x119: {  	[hbm4b:s14+s12] =	stream.strided.scatter [tilespmem:s9], [sflag:$0x2], $0x400, s1, s12, $0x38;
	[tilespmem:$0x1E000] =	vst v63  }
0x11a: {  	s6 =	simm.s32 $0xAC00;
	s7 =	sadd.s32 $0xC0, s15  }
0x11b: {  	[hbm4b:s7+s12] =	stream.strided.scatter [tilespmem:s6], [sflag:$0x2], $0x400, s1, s12, $0x38;
	[tilespmem:$0x1E000] =	vst v63  }
0x11c: {  	s9 =	simm.s32 $0xB000;
	s14 =	sadd.s32 $0x100, s15  }
0x11d: {  	[hbm4b:s14+s12] =	stream.strided.scatter [tilespmem:s9], [sflag:$0x2], $0x400, s1, s12, $0x38;
	[tilespmem:$0x1E000] =	vst v63  }
0x11e: {  	s5 =	simm.s32 $0x2000;
	s6 =	simm.s32 $0xB400;
	s7 =	sadd.s32 $0x140, s15  }
0x11f: {  	[hbm4b:s7+s12] =	stream.strided.scatter [tilespmem:s6], [sflag:$0x2], $0x400, s1, s12, $0x38;
	[tilespmem:$0x1E000] =	vst v63  }
0x120: {  	s9 =	simm.s32 $0xB800;
	s14 =	sadd.s32 $0x180, s15;
	s7 =	simm.s32 $0x10000  }
0x121: {  	[hbm4b:s14+s12] =	stream.strided.scatter [tilespmem:s9], [sflag:$0x2], $0x400, s1, s12, $0x38;
	[tilespmem:$0x1E000] =	vst v63  }
0x122: {  	s6 =	sadd.s32 $0x1000, s15;
	s9 =	simm.s32 $0xBC00;
	s14 =	sadd.s32 $0x1C0, s15  }
.LBB2_14:
0x123: {  	[hbm4b:s14+s12] =	stream.strided.scatter [tilespmem:s9], [sflag:$0x2], $0x400, s1, s12, $0x38;
	[tilespmem:$0x1E000] =	vst v63  }
0x124: {  	s9 =	smov.u32 s5;
	s5 =	smov.u32 s7  }
0x125: {  	s15 =	sadd.s32 $0x8000, s7;
	s5 =	sshra.s32 s5, $0x2;
	s14 =	sadd.s32 $0xA000, s9  }
0x126: {  	[hbm4b:s6+s12] =	stream.strided.scatter [tilespmem:s14], [sflag:$0x2], $0x400, s1, s12, $0x38;
	[tilespmem:$0x1E000] =	vst v63  }
0x127: {  	p0 =	sne.s32 s7, $0x20000;
	s7 =	sadd.s32 $0xA400, s9;
	s14 =	sadd.s32 $0x40, s6  }
0x128: {  	[hbm4b:s14+s12] =	stream.strided.scatter [tilespmem:s7], [sflag:$0x2], $0x400, s1, s12, $0x38;
	[tilespmem:$0x1E000] =	vst v63  }
0x129: {  	s7 =	sadd.s32 $0xA800, s9;
	s14 =	sadd.s32 $0x80, s6  }
0x12a: {  	[hbm4b:s14+s12] =	stream.strided.scatter [tilespmem:s7], [sflag:$0x2], $0x400, s1, s12, $0x38;
	[tilespmem:$0x1E000] =	vst v63  }
0x12b: {  	s7 =	sadd.s32 $0xAC00, s9;
	s14 =	sadd.s32 $0xC0, s6  }
0x12c: {  	[hbm4b:s14+s12] =	stream.strided.scatter [tilespmem:s7], [sflag:$0x2], $0x400, s1, s12, $0x38;
	[tilespmem:$0x1E000] =	vst v63  }
0x12d: {  	s7 =	sadd.s32 $0xB000, s9;
	s14 =	sadd.s32 $0x100, s6  }
0x12e: {  	[hbm4b:s14+s12] =	stream.strided.scatter [tilespmem:s7], [sflag:$0x2], $0x400, s1, s12, $0x38;
	[tilespmem:$0x1E000] =	vst v63  }
.Ltmp6:
0x12f: {  	s7 =	sadd.s32 $0xB400, s9;
	s14 =	sadd.s32 $0x140, s6;
	(pc) =	sbr.rel @p0 .LBB2_14-.Ltmp6, $4  }
0x130: {  	[hbm4b:s14+s12] =	stream.strided.scatter [tilespmem:s7], [sflag:$0x2], $0x400, s1, s12, $0x38;
	[tilespmem:$0x1E000] =	vst v63  }
0x131: {  	s7 =	sadd.s32 $0xB800, s9;
	s14 =	sadd.s32 $0x180, s6;
	s9 =	sadd.s32 $0xBC00, s9  }
0x132: {  	[hbm4b:s14+s12] =	stream.strided.scatter [tilespmem:s7], [sflag:$0x2], $0x400, s1, s12, $0x38;
	[tilespmem:$0x1E000] =	vst v63  }
0x133: {  	s14 =	sadd.s32 $0x1C0, s6;
	s6 =	sadd.s32 $0x1000, s6;
	s7 =	smov.u32 s15  }
0x134: {  	[hbm4b:s14+s12] =	stream.strided.scatter [tilespmem:s9], [sflag:$0x2], $0x400, s1, s12, $0x38;
	[tilespmem:$0x1E000] =	vst v63  }
0x135: {  	s7 =	sadd.s32 $0xA000, s5  }
0x136: {  	[hbm4b:s6+s12] =	stream.strided.scatter [tilespmem:s7], [sflag:$0x2], $0x400, s1, s12, $0x38;
	[tilespmem:$0x1E000] =	vst v63  }
0x137: {  	s14 =	sadd.s32 $0xA400, s5;
	s15 =	sadd.s32 $0x40, s6  }
0x138: {  	[hbm4b:s15+s12] =	stream.strided.scatter [tilespmem:s14], [sflag:$0x2], $0x400, s1, s12, $0x38;
	[tilespmem:$0x1E000] =	vst v63  }
0x139: {  	s14 =	sadd.s32 $0xA800, s5;
	s15 =	sadd.s32 $0x80, s6  }
0x13a: {  	[hbm4b:s15+s12] =	stream.strided.scatter [tilespmem:s14], [sflag:$0x2], $0x400, s1, s12, $0x38;
	[tilespmem:$0x1E000] =	vst v63  }
0x13b: {  	s14 =	sadd.s32 $0xAC00, s5;
	s15 =	sadd.s32 $0xC0, s6  }
0x13c: {  	[hbm4b:s15+s12] =	stream.strided.scatter [tilespmem:s14], [sflag:$0x2], $0x400, s1, s12, $0x38;
	[tilespmem:$0x1E000] =	vst v63  }
0x13d: {  	s14 =	sadd.s32 $0xB000, s5;
	s15 =	sadd.s32 $0x100, s6  }
0x13e: {  	[hbm4b:s15+s12] =	stream.strided.scatter [tilespmem:s14], [sflag:$0x2], $0x400, s1, s12, $0x38;
	[tilespmem:$0x1E000] =	vst v63  }
0x13f: {  	s14 =	sadd.s32 $0xB400, s5;
	s15 =	sadd.s32 $0x140, s6  }
0x140: {  	[hbm4b:s15+s12] =	stream.strided.scatter [tilespmem:s14], [sflag:$0x2], $0x400, s1, s12, $0x38;
	[tilespmem:$0x1E000] =	vst v63  }
0x141: {  	s14 =	sadd.s32 $0xB800, s5;
	s15 =	sadd.s32 $0x180, s6  }
0x142: {  	[hbm4b:s15+s12] =	stream.strided.scatter [tilespmem:s14], [sflag:$0x2], $0x400, s1, s12, $0x38;
	[tilespmem:$0x1E000] =	vst v63  }
0x143: {  	s9 =	sadd.s32 $0x1C0, s6;
	s7 =	sadd.s32 $0xBC00, s5  }
0x144: {  	[hbm4b:s9+s12] =	stream.strided.scatter [tilespmem:s7], [sflag:$0x2], $0x400, s1, s12, $0x38;
	[tilespmem:$0x1E000] =	vst v63  }
0x145: {  	s14 =	simm.s32 $0xA000;
	s15 =	rddreg [dreg:$0x12]  }
0x146: {  	[hbm4b:s15+s12] =	stream.strided.scatter [tilespmem:s14], [sflag:$0x2], $0x400, s1, s12, $0x38;
	[tilespmem:$0x1E000] =	vst v63  }
0x147: {  	s6 =	simm.s32 $0xA400;
	s7 =	sadd.s32 $0x40, s15  }
0x148: {  	[hbm4b:s7+s12] =	stream.strided.scatter [tilespmem:s6], [sflag:$0x2], $0x400, s1, s12, $0x38;
	[tilespmem:$0x1E000] =	vst v63  }
0x149: {  	s9 =	simm.s32 $0xA800;
	s14 =	sadd.s32 $0x80, s15  }
0x14a: {  	[hbm4b:s14+s12] =	stream.strided.scatter [tilespmem:s9], [sflag:$0x2], $0x400, s1, s12, $0x38;
	[tilespmem:$0x1E000] =	vst v63  }
0x14b: {  	s6 =	simm.s32 $0xAC00;
	s7 =	sadd.s32 $0xC0, s15  }
0x14c: {  	[hbm4b:s7+s12] =	stream.strided.scatter [tilespmem:s6], [sflag:$0x2], $0x400, s1, s12, $0x38;
	[tilespmem:$0x1E000] =	vst v63  }
0x14d: {  	s9 =	simm.s32 $0xB000;
	s14 =	sadd.s32 $0x100, s15  }
0x14e: {  	[hbm4b:s14+s12] =	stream.strided.scatter [tilespmem:s9], [sflag:$0x2], $0x400, s1, s12, $0x38;
	[tilespmem:$0x1E000] =	vst v63  }
0x14f: {  	s5 =	simm.s32 $0x2000;
	s6 =	simm.s32 $0xB400;
	s7 =	sadd.s32 $0x140, s15  }
0x150: {  	[hbm4b:s7+s12] =	stream.strided.scatter [tilespmem:s6], [sflag:$0x2], $0x400, s1, s12, $0x38;
	[tilespmem:$0x1E000] =	vst v63  }
0x151: {  	s9 =	simm.s32 $0xB800;
	s14 =	sadd.s32 $0x180, s15;
	s7 =	simm.s32 $0x10000  }
0x152: {  	[hbm4b:s14+s12] =	stream.strided.scatter [tilespmem:s9], [sflag:$0x2], $0x400, s1, s12, $0x38;
	[tilespmem:$0x1E000] =	vst v63  }
0x153: {  	s6 =	sadd.s32 $0x1000, s15;
	s9 =	simm.s32 $0xBC00;
	s14 =	sadd.s32 $0x1C0, s15  }
.LBB2_16:
0x154: {  	[hbm4b:s14+s12] =	stream.strided.scatter [tilespmem:s9], [sflag:$0x2], $0x400, s1, s12, $0x38;
	[tilespmem:$0x1E000] =	vst v63  }
0x155: {  	s9 =	smov.u32 s5;
	s5 =	smov.u32 s7  }
0x156: {  	s15 =	sadd.s32 $0x8000, s7;
	s5 =	sshra.s32 s5, $0x2;
	s14 =	sadd.s32 $0xA000, s9  }
0x157: {  	[hbm4b:s6+s12] =	stream.strided.scatter [tilespmem:s14], [sflag:$0x2], $0x400, s1, s12, $0x38;
	[tilespmem:$0x1E000] =	vst v63  }
0x158: {  	p0 =	sne.s32 s7, $0x20000;
	s7 =	sadd.s32 $0xA400, s9;
	s14 =	sadd.s32 $0x40, s6  }
0x159: {  	[hbm4b:s14+s12] =	stream.strided.scatter [tilespmem:s7], [sflag:$0x2], $0x400, s1, s12, $0x38;
	[tilespmem:$0x1E000] =	vst v63  }
0x15a: {  	s7 =	sadd.s32 $0xA800, s9;
	s14 =	sadd.s32 $0x80, s6  }
0x15b: {  	[hbm4b:s14+s12] =	stream.strided.scatter [tilespmem:s7], [sflag:$0x2], $0x400, s1, s12, $0x38;
	[tilespmem:$0x1E000] =	vst v63  }
0x15c: {  	s7 =	sadd.s32 $0xAC00, s9;
	s14 =	sadd.s32 $0xC0, s6  }
0x15d: {  	[hbm4b:s14+s12] =	stream.strided.scatter [tilespmem:s7], [sflag:$0x2], $0x400, s1, s12, $0x38;
	[tilespmem:$0x1E000] =	vst v63  }
0x15e: {  	s7 =	sadd.s32 $0xB000, s9;
	s14 =	sadd.s32 $0x100, s6  }
0x15f: {  	[hbm4b:s14+s12] =	stream.strided.scatter [tilespmem:s7], [sflag:$0x2], $0x400, s1, s12, $0x38;
	[tilespmem:$0x1E000] =	vst v63  }
.Ltmp7:
0x160: {  	s7 =	sadd.s32 $0xB400, s9;
	s14 =	sadd.s32 $0x140, s6;
	(pc) =	sbr.rel @p0 .LBB2_16-.Ltmp7, $4  }
0x161: {  	[hbm4b:s14+s12] =	stream.strided.scatter [tilespmem:s7], [sflag:$0x2], $0x400, s1, s12, $0x38;
	[tilespmem:$0x1E000] =	vst v63  }
0x162: {  	s7 =	sadd.s32 $0xB800, s9;
	s14 =	sadd.s32 $0x180, s6;
	s9 =	sadd.s32 $0xBC00, s9  }
0x163: {  	[hbm4b:s14+s12] =	stream.strided.scatter [tilespmem:s7], [sflag:$0x2], $0x400, s1, s12, $0x38;
	[tilespmem:$0x1E000] =	vst v63  }
0x164: {  	s14 =	sadd.s32 $0x1C0, s6;
	s6 =	sadd.s32 $0x1000, s6;
	s7 =	smov.u32 s15  }
0x165: {  	[hbm4b:s14+s12] =	stream.strided.scatter [tilespmem:s9], [sflag:$0x2], $0x400, s1, s12, $0x38;
	[tilespmem:$0x1E000] =	vst v63  }
0x166: {  	s7 =	sadd.s32 $0xA000, s5  }
0x167: {  	[hbm4b:s6+s12] =	stream.strided.scatter [tilespmem:s7], [sflag:$0x2], $0x400, s1, s12, $0x38;
	[tilespmem:$0x1E000] =	vst v63  }
0x168: {  	s14 =	sadd.s32 $0xA400, s5;
	s15 =	sadd.s32 $0x40, s6  }
0x169: {  	[hbm4b:s15+s12] =	stream.strided.scatter [tilespmem:s14], [sflag:$0x2], $0x400, s1, s12, $0x38;
	[tilespmem:$0x1E000] =	vst v63  }
0x16a: {  	s14 =	sadd.s32 $0xA800, s5;
	s15 =	sadd.s32 $0x80, s6  }
0x16b: {  	[hbm4b:s15+s12] =	stream.strided.scatter [tilespmem:s14], [sflag:$0x2], $0x400, s1, s12, $0x38;
	[tilespmem:$0x1E000] =	vst v63  }
0x16c: {  	s14 =	sadd.s32 $0xAC00, s5;
	s15 =	sadd.s32 $0xC0, s6  }
0x16d: {  	[hbm4b:s15+s12] =	stream.strided.scatter [tilespmem:s14], [sflag:$0x2], $0x400, s1, s12, $0x38;
	[tilespmem:$0x1E000] =	vst v63  }
0x16e: {  	s14 =	sadd.s32 $0xB000, s5;
	s15 =	sadd.s32 $0x100, s6  }
0x16f: {  	[hbm4b:s15+s12] =	stream.strided.scatter [tilespmem:s14], [sflag:$0x2], $0x400, s1, s12, $0x38;
	[tilespmem:$0x1E000] =	vst v63  }
0x170: {  	s14 =	sadd.s32 $0xB400, s5;
	s15 =	sadd.s32 $0x140, s6  }
0x171: {  	[hbm4b:s15+s12] =	stream.strided.scatter [tilespmem:s14], [sflag:$0x2], $0x400, s1, s12, $0x38;
	[tilespmem:$0x1E000] =	vst v63  }
0x172: {  	s14 =	sadd.s32 $0xB800, s5;
	s15 =	sadd.s32 $0x180, s6  }
0x173: {  	[hbm4b:s15+s12] =	stream.strided.scatter [tilespmem:s14], [sflag:$0x2], $0x400, s1, s12, $0x38;
	[tilespmem:$0x1E000] =	vst v63  }
0x174: {  	s14 =	sadd.s32 $0xBC00, s5;
	s15 =	sadd.s32 $0x1C0, s6  }
0x175: {  	[hbm4b:s15+s12] =	stream.strided.scatter [tilespmem:s14], [sflag:$0x2], $0x400, s1, s12, $0x38;
	[tilespmem:$0x1E000] =	vst v63  }
0x176: {  	_ =	swait.ge [sflag:s4], $0xA000  }
0x177: {  	[sflag:s4] =	ssyncset.done $0x0  }
0x178: {  	[sflag:s4] =	ssyncadd.s32 $0xFFFF6000  }
0x179: {  	_ =	swait.ge [sflag:s4], $0xA000  }
0x17a: {  	[sflag:s4] =	ssyncset.done $0x0  }
0x17b: {  	[sflag:s4] =	ssyncadd.s32 $0xFFFF6000  }
0x17c: {  	_ =	swait.ge [sflag:s4], $0xA000  }
0x17d: {  	[sflag:s4] =	ssyncset.done $0x0  }
0x17e: {  	[sflag:s4] =	ssyncadd.s32 $0xFFFF6000  }
0x17f: {  	_ =	swait.ge [sflag:s4], $0xA000  }
0x180: {  	[sflag:s4] =	ssyncset.done $0x0  }
0x181: {  	s7 =	simm.s32 $0x0;
	s9 =	rddreg [dreg:$0xb];
	[sflag:s4] =	ssyncadd.s32 $0xFFFF6000  }
0x182: {  	[tilespmem:s7], [sflag:$0x1] =	stream.linear.gather [hbm4b:s9+s7], $0xA000, $0x38;
	[tilespmem:$0x1E000] =	vst v63  }
0x183: {  	_ =	swait.ge [sflag:s13], $0xA000  }
0x184: {  	[sflag:s13] =	ssyncset.done $0x0  }
0x185: {  	s14 =	simm.s32 $0x14000;
	s15 =	rddreg [dreg:$0x13];
	[sflag:s13] =	ssyncadd.s32 $0xFFFF6000  }
0x186: {  	[hbm4b:s15+s12] =	stream.strided.scatter [tilespmem:s14], [sflag:$0x2], $0x400, s1, s12, $0x38;
	[tilespmem:$0x1E000] =	vst v63  }
0x187: {  	s6 =	simm.s32 $0x14400;
	s7 =	sadd.s32 $0x40, s15  }
0x188: {  	[hbm4b:s7+s12] =	stream.strided.scatter [tilespmem:s6], [sflag:$0x2], $0x400, s1, s12, $0x38;
	[tilespmem:$0x1E000] =	vst v63  }
0x189: {  	s9 =	simm.s32 $0x14800;
	s14 =	sadd.s32 $0x80, s15  }
0x18a: {  	[hbm4b:s14+s12] =	stream.strided.scatter [tilespmem:s9], [sflag:$0x2], $0x400, s1, s12, $0x38;
	[tilespmem:$0x1E000] =	vst v63  }
0x18b: {  	s6 =	simm.s32 $0x14C00;
	s7 =	sadd.s32 $0xC0, s15  }
0x18c: {  	[hbm4b:s7+s12] =	stream.strided.scatter [tilespmem:s6], [sflag:$0x2], $0x400, s1, s12, $0x38;
	[tilespmem:$0x1E000] =	vst v63  }
0x18d: {  	s9 =	simm.s32 $0x15000;
	s14 =	sadd.s32 $0x100, s15  }
0x18e: {  	[hbm4b:s14+s12] =	stream.strided.scatter [tilespmem:s9], [sflag:$0x2], $0x400, s1, s12, $0x38;
	[tilespmem:$0x1E000] =	vst v63  }
0x18f: {  	s5 =	simm.s32 $0x2000;
	s6 =	simm.s32 $0x15400;
	s7 =	sadd.s32 $0x140, s15  }
0x190: {  	[hbm4b:s7+s12] =	stream.strided.scatter [tilespmem:s6], [sflag:$0x2], $0x400, s1, s12, $0x38;
	[tilespmem:$0x1E000] =	vst v63  }
0x191: {  	s9 =	simm.s32 $0x15800;
	s14 =	sadd.s32 $0x180, s15;
	s7 =	simm.s32 $0x10000  }
0x192: {  	[hbm4b:s14+s12] =	stream.strided.scatter [tilespmem:s9], [sflag:$0x2], $0x400, s1, s12, $0x38;
	[tilespmem:$0x1E000] =	vst v63  }
0x193: {  	s6 =	sadd.s32 $0x1000, s15;
	s9 =	simm.s32 $0x15C00;
	s14 =	sadd.s32 $0x1C0, s15  }
.LBB2_18:
0x194: {  	[hbm4b:s14+s12] =	stream.strided.scatter [tilespmem:s9], [sflag:$0x2], $0x400, s1, s12, $0x38;
	[tilespmem:$0x1E000] =	vst v63  }
0x195: {  	s9 =	smov.u32 s5;
	s5 =	smov.u32 s7  }
0x196: {  	s15 =	sadd.s32 $0x8000, s7;
	s5 =	sshra.s32 s5, $0x2;
	s14 =	sadd.s32 $0x14000, s9  }
0x197: {  	[hbm4b:s6+s12] =	stream.strided.scatter [tilespmem:s14], [sflag:$0x2], $0x400, s1, s12, $0x38;
	[tilespmem:$0x1E000] =	vst v63  }
0x198: {  	p0 =	sne.s32 s7, $0x20000;
	s7 =	sadd.s32 $0x14400, s9;
	s14 =	sadd.s32 $0x40, s6  }
0x199: {  	[hbm4b:s14+s12] =	stream.strided.scatter [tilespmem:s7], [sflag:$0x2], $0x400, s1, s12, $0x38;
	[tilespmem:$0x1E000] =	vst v63  }
0x19a: {  	s7 =	sadd.s32 $0x14800, s9;
	s14 =	sadd.s32 $0x80, s6  }
0x19b: {  	[hbm4b:s14+s12] =	stream.strided.scatter [tilespmem:s7], [sflag:$0x2], $0x400, s1, s12, $0x38;
	[tilespmem:$0x1E000] =	vst v63  }
0x19c: {  	s7 =	sadd.s32 $0x14C00, s9;
	s14 =	sadd.s32 $0xC0, s6  }
0x19d: {  	[hbm4b:s14+s12] =	stream.strided.scatter [tilespmem:s7], [sflag:$0x2], $0x400, s1, s12, $0x38;
	[tilespmem:$0x1E000] =	vst v63  }
0x19e: {  	s7 =	sadd.s32 $0x15000, s9;
	s14 =	sadd.s32 $0x100, s6  }
0x19f: {  	[hbm4b:s14+s12] =	stream.strided.scatter [tilespmem:s7], [sflag:$0x2], $0x400, s1, s12, $0x38;
	[tilespmem:$0x1E000] =	vst v63  }
.Ltmp8:
0x1a0: {  	s7 =	sadd.s32 $0x15400, s9;
	s14 =	sadd.s32 $0x140, s6;
	(pc) =	sbr.rel @p0 .LBB2_18-.Ltmp8, $4  }
0x1a1: {  	[hbm4b:s14+s12] =	stream.strided.scatter [tilespmem:s7], [sflag:$0x2], $0x400, s1, s12, $0x38;
	[tilespmem:$0x1E000] =	vst v63  }
0x1a2: {  	s7 =	sadd.s32 $0x15800, s9;
	s14 =	sadd.s32 $0x180, s6;
	s9 =	sadd.s32 $0x15C00, s9  }
0x1a3: {  	[hbm4b:s14+s12] =	stream.strided.scatter [tilespmem:s7], [sflag:$0x2], $0x400, s1, s12, $0x38;
	[tilespmem:$0x1E000] =	vst v63  }
0x1a4: {  	s14 =	sadd.s32 $0x1C0, s6;
	s6 =	sadd.s32 $0x1000, s6;
	s7 =	smov.u32 s15  }
0x1a5: {  	[hbm4b:s14+s12] =	stream.strided.scatter [tilespmem:s9], [sflag:$0x2], $0x400, s1, s12, $0x38;
	[tilespmem:$0x1E000] =	vst v63  }
0x1a6: {  	s7 =	sadd.s32 $0x14000, s5  }
0x1a7: {  	[hbm4b:s6+s12] =	stream.strided.scatter [tilespmem:s7], [sflag:$0x2], $0x400, s1, s12, $0x38;
	[tilespmem:$0x1E000] =	vst v63  }
0x1a8: {  	s14 =	sadd.s32 $0x14400, s5;
	s15 =	sadd.s32 $0x40, s6  }
0x1a9: {  	[hbm4b:s15+s12] =	stream.strided.scatter [tilespmem:s14], [sflag:$0x2], $0x400, s1, s12, $0x38;
	[tilespmem:$0x1E000] =	vst v63  }
0x1aa: {  	s14 =	sadd.s32 $0x14800, s5;
	s15 =	sadd.s32 $0x80, s6  }
0x1ab: {  	[hbm4b:s15+s12] =	stream.strided.scatter [tilespmem:s14], [sflag:$0x2], $0x400, s1, s12, $0x38;
	[tilespmem:$0x1E000] =	vst v63  }
0x1ac: {  	s14 =	sadd.s32 $0x14C00, s5;
	s15 =	sadd.s32 $0xC0, s6  }
0x1ad: {  	[hbm4b:s15+s12] =	stream.strided.scatter [tilespmem:s14], [sflag:$0x2], $0x400, s1, s12, $0x38;
	[tilespmem:$0x1E000] =	vst v63  }
0x1ae: {  	s14 =	sadd.s32 $0x15000, s5;
	s15 =	sadd.s32 $0x100, s6  }
0x1af: {  	[hbm4b:s15+s12] =	stream.strided.scatter [tilespmem:s14], [sflag:$0x2], $0x400, s1, s12, $0x38;
	[tilespmem:$0x1E000] =	vst v63  }
0x1b0: {  	s14 =	sadd.s32 $0x15400, s5;
	s15 =	sadd.s32 $0x140, s6  }
0x1b1: {  	[hbm4b:s15+s12] =	stream.strided.scatter [tilespmem:s14], [sflag:$0x2], $0x400, s1, s12, $0x38;
	[tilespmem:$0x1E000] =	vst v63  }
0x1b2: {  	s14 =	sadd.s32 $0x15800, s5;
	s15 =	sadd.s32 $0x180, s6  }
0x1b3: {  	[hbm4b:s15+s12] =	stream.strided.scatter [tilespmem:s14], [sflag:$0x2], $0x400, s1, s12, $0x38;
	[tilespmem:$0x1E000] =	vst v63  }
0x1b4: {  	s9 =	sadd.s32 $0x1C0, s6;
	s7 =	sadd.s32 $0x15C00, s5  }
0x1b5: {  	[hbm4b:s9+s12] =	stream.strided.scatter [tilespmem:s7], [sflag:$0x2], $0x400, s1, s12, $0x38;
	[tilespmem:$0x1E000] =	vst v63  }
0x1b6: {  	s14 =	simm.s32 $0x14000;
	s15 =	rddreg [dreg:$0x14]  }
0x1b7: {  	[hbm4b:s15+s12] =	stream.strided.scatter [tilespmem:s14], [sflag:$0x2], $0x400, s1, s12, $0x38;
	[tilespmem:$0x1E000] =	vst v63  }
0x1b8: {  	s6 =	simm.s32 $0x14400;
	s7 =	sadd.s32 $0x40, s15  }
0x1b9: {  	[hbm4b:s7+s12] =	stream.strided.scatter [tilespmem:s6], [sflag:$0x2], $0x400, s1, s12, $0x38;
	[tilespmem:$0x1E000] =	vst v63  }
0x1ba: {  	s9 =	simm.s32 $0x14800;
	s14 =	sadd.s32 $0x80, s15  }
0x1bb: {  	[hbm4b:s14+s12] =	stream.strided.scatter [tilespmem:s9], [sflag:$0x2], $0x400, s1, s12, $0x38;
	[tilespmem:$0x1E000] =	vst v63  }
0x1bc: {  	s6 =	simm.s32 $0x14C00;
	s7 =	sadd.s32 $0xC0, s15  }
0x1bd: {  	[hbm4b:s7+s12] =	stream.strided.scatter [tilespmem:s6], [sflag:$0x2], $0x400, s1, s12, $0x38;
	[tilespmem:$0x1E000] =	vst v63  }
0x1be: {  	s9 =	simm.s32 $0x15000;
	s14 =	sadd.s32 $0x100, s15  }
0x1bf: {  	[hbm4b:s14+s12] =	stream.strided.scatter [tilespmem:s9], [sflag:$0x2], $0x400, s1, s12, $0x38;
	[tilespmem:$0x1E000] =	vst v63  }
0x1c0: {  	s5 =	simm.s32 $0x2000;
	s6 =	simm.s32 $0x15400;
	s7 =	sadd.s32 $0x140, s15  }
0x1c1: {  	[hbm4b:s7+s12] =	stream.strided.scatter [tilespmem:s6], [sflag:$0x2], $0x400, s1, s12, $0x38;
	[tilespmem:$0x1E000] =	vst v63  }
0x1c2: {  	s9 =	simm.s32 $0x15800;
	s14 =	sadd.s32 $0x180, s15;
	s7 =	simm.s32 $0x10000  }
0x1c3: {  	[hbm4b:s14+s12] =	stream.strided.scatter [tilespmem:s9], [sflag:$0x2], $0x400, s1, s12, $0x38;
	[tilespmem:$0x1E000] =	vst v63  }
0x1c4: {  	s6 =	sadd.s32 $0x1000, s15;
	s9 =	simm.s32 $0x15C00;
	s14 =	sadd.s32 $0x1C0, s15  }
.LBB2_20:
0x1c5: {  	[hbm4b:s14+s12] =	stream.strided.scatter [tilespmem:s9], [sflag:$0x2], $0x400, s1, s12, $0x38;
	[tilespmem:$0x1E000] =	vst v63  }
0x1c6: {  	s9 =	smov.u32 s5;
	s5 =	smov.u32 s7  }
0x1c7: {  	s15 =	sadd.s32 $0x8000, s7;
	s5 =	sshra.s32 s5, $0x2;
	s14 =	sadd.s32 $0x14000, s9  }
0x1c8: {  	[hbm4b:s6+s12] =	stream.strided.scatter [tilespmem:s14], [sflag:$0x2], $0x400, s1, s12, $0x38;
	[tilespmem:$0x1E000] =	vst v63  }
0x1c9: {  	p0 =	sne.s32 s7, $0x20000;
	s7 =	sadd.s32 $0x14400, s9;
	s14 =	sadd.s32 $0x40, s6  }
0x1ca: {  	[hbm4b:s14+s12] =	stream.strided.scatter [tilespmem:s7], [sflag:$0x2], $0x400, s1, s12, $0x38;
	[tilespmem:$0x1E000] =	vst v63  }
0x1cb: {  	s7 =	sadd.s32 $0x14800, s9;
	s14 =	sadd.s32 $0x80, s6  }
0x1cc: {  	[hbm4b:s14+s12] =	stream.strided.scatter [tilespmem:s7], [sflag:$0x2], $0x400, s1, s12, $0x38;
	[tilespmem:$0x1E000] =	vst v63  }
0x1cd: {  	s7 =	sadd.s32 $0x14C00, s9;
	s14 =	sadd.s32 $0xC0, s6  }
0x1ce: {  	[hbm4b:s14+s12] =	stream.strided.scatter [tilespmem:s7], [sflag:$0x2], $0x400, s1, s12, $0x38;
	[tilespmem:$0x1E000] =	vst v63  }
0x1cf: {  	s7 =	sadd.s32 $0x15000, s9;
	s14 =	sadd.s32 $0x100, s6  }
0x1d0: {  	[hbm4b:s14+s12] =	stream.strided.scatter [tilespmem:s7], [sflag:$0x2], $0x400, s1, s12, $0x38;
	[tilespmem:$0x1E000] =	vst v63  }
.Ltmp9:
0x1d1: {  	s7 =	sadd.s32 $0x15400, s9;
	s14 =	sadd.s32 $0x140, s6;
	(pc) =	sbr.rel @p0 .LBB2_20-.Ltmp9, $4  }
0x1d2: {  	[hbm4b:s14+s12] =	stream.strided.scatter [tilespmem:s7], [sflag:$0x2], $0x400, s1, s12, $0x38;
	[tilespmem:$0x1E000] =	vst v63  }
0x1d3: {  	s7 =	sadd.s32 $0x15800, s9;
	s14 =	sadd.s32 $0x180, s6;
	s9 =	sadd.s32 $0x15C00, s9  }
0x1d4: {  	[hbm4b:s14+s12] =	stream.strided.scatter [tilespmem:s7], [sflag:$0x2], $0x400, s1, s12, $0x38;
	[tilespmem:$0x1E000] =	vst v63  }
0x1d5: {  	s14 =	sadd.s32 $0x1C0, s6;
	s6 =	sadd.s32 $0x1000, s6;
	s7 =	smov.u32 s15  }
0x1d6: {  	[hbm4b:s14+s12] =	stream.strided.scatter [tilespmem:s9], [sflag:$0x2], $0x400, s1, s12, $0x38;
	[tilespmem:$0x1E000] =	vst v63  }
0x1d7: {  	s7 =	sadd.s32 $0x14000, s5  }
0x1d8: {  	[hbm4b:s6+s12] =	stream.strided.scatter [tilespmem:s7], [sflag:$0x2], $0x400, s1, s12, $0x38;
	[tilespmem:$0x1E000] =	vst v63  }
0x1d9: {  	s14 =	sadd.s32 $0x14400, s5;
	s15 =	sadd.s32 $0x40, s6  }
0x1da: {  	[hbm4b:s15+s12] =	stream.strided.scatter [tilespmem:s14], [sflag:$0x2], $0x400, s1, s12, $0x38;
	[tilespmem:$0x1E000] =	vst v63  }
0x1db: {  	s14 =	sadd.s32 $0x14800, s5;
	s15 =	sadd.s32 $0x80, s6  }
0x1dc: {  	[hbm4b:s15+s12] =	stream.strided.scatter [tilespmem:s14], [sflag:$0x2], $0x400, s1, s12, $0x38;
	[tilespmem:$0x1E000] =	vst v63  }
0x1dd: {  	s14 =	sadd.s32 $0x14C00, s5;
	s15 =	sadd.s32 $0xC0, s6  }
0x1de: {  	[hbm4b:s15+s12] =	stream.strided.scatter [tilespmem:s14], [sflag:$0x2], $0x400, s1, s12, $0x38;
	[tilespmem:$0x1E000] =	vst v63  }
0x1df: {  	s14 =	sadd.s32 $0x15000, s5;
	s15 =	sadd.s32 $0x100, s6  }
0x1e0: {  	[hbm4b:s15+s12] =	stream.strided.scatter [tilespmem:s14], [sflag:$0x2], $0x400, s1, s12, $0x38;
	[tilespmem:$0x1E000] =	vst v63  }
0x1e1: {  	s14 =	sadd.s32 $0x15400, s5;
	s15 =	sadd.s32 $0x140, s6  }
0x1e2: {  	[hbm4b:s15+s12] =	stream.strided.scatter [tilespmem:s14], [sflag:$0x2], $0x400, s1, s12, $0x38;
	[tilespmem:$0x1E000] =	vst v63  }
0x1e3: {  	s14 =	sadd.s32 $0x15800, s5;
	s15 =	sadd.s32 $0x180, s6  }
0x1e4: {  	[hbm4b:s15+s12] =	stream.strided.scatter [tilespmem:s14], [sflag:$0x2], $0x400, s1, s12, $0x38;
	[tilespmem:$0x1E000] =	vst v63  }
0x1e5: {  	s9 =	sadd.s32 $0x1C0, s6;
	s7 =	sadd.s32 $0x15C00, s5  }
0x1e6: {  	[hbm4b:s9+s12] =	stream.strided.scatter [tilespmem:s7], [sflag:$0x2], $0x400, s1, s12, $0x38;
	[tilespmem:$0x1E000] =	vst v63  }
0x1e7: {  	s14 =	simm.s32 $0x14000;
	s15 =	rddreg [dreg:$0x15]  }
0x1e8: {  	[hbm4b:s15+s12] =	stream.strided.scatter [tilespmem:s14], [sflag:$0x2], $0x400, s1, s12, $0x38;
	[tilespmem:$0x1E000] =	vst v63  }
0x1e9: {  	s6 =	simm.s32 $0x14400;
	s7 =	sadd.s32 $0x40, s15  }
0x1ea: {  	[hbm4b:s7+s12] =	stream.strided.scatter [tilespmem:s6], [sflag:$0x2], $0x400, s1, s12, $0x38;
	[tilespmem:$0x1E000] =	vst v63  }
0x1eb: {  	s9 =	simm.s32 $0x14800;
	s14 =	sadd.s32 $0x80, s15  }
0x1ec: {  	[hbm4b:s14+s12] =	stream.strided.scatter [tilespmem:s9], [sflag:$0x2], $0x400, s1, s12, $0x38;
	[tilespmem:$0x1E000] =	vst v63  }
0x1ed: {  	s6 =	simm.s32 $0x14C00;
	s7 =	sadd.s32 $0xC0, s15  }
0x1ee: {  	[hbm4b:s7+s12] =	stream.strided.scatter [tilespmem:s6], [sflag:$0x2], $0x400, s1, s12, $0x38;
	[tilespmem:$0x1E000] =	vst v63  }
0x1ef: {  	s9 =	simm.s32 $0x15000;
	s14 =	sadd.s32 $0x100, s15  }
0x1f0: {  	[hbm4b:s14+s12] =	stream.strided.scatter [tilespmem:s9], [sflag:$0x2], $0x400, s1, s12, $0x38;
	[tilespmem:$0x1E000] =	vst v63  }
0x1f1: {  	s5 =	simm.s32 $0x2000;
	s6 =	simm.s32 $0x15400;
	s7 =	sadd.s32 $0x140, s15  }
0x1f2: {  	[hbm4b:s7+s12] =	stream.strided.scatter [tilespmem:s6], [sflag:$0x2], $0x400, s1, s12, $0x38;
	[tilespmem:$0x1E000] =	vst v63  }
0x1f3: {  	s9 =	simm.s32 $0x15800;
	s14 =	sadd.s32 $0x180, s15;
	s7 =	simm.s32 $0x10000  }
0x1f4: {  	[hbm4b:s14+s12] =	stream.strided.scatter [tilespmem:s9], [sflag:$0x2], $0x400, s1, s12, $0x38;
	[tilespmem:$0x1E000] =	vst v63  }
0x1f5: {  	s6 =	sadd.s32 $0x1000, s15;
	s9 =	simm.s32 $0x15C00;
	s14 =	sadd.s32 $0x1C0, s15  }
.LBB2_22:
0x1f6: {  	[hbm4b:s14+s12] =	stream.strided.scatter [tilespmem:s9], [sflag:$0x2], $0x400, s1, s12, $0x38;
	[tilespmem:$0x1E000] =	vst v63  }
0x1f7: {  	s9 =	smov.u32 s5;
	s5 =	smov.u32 s7  }
0x1f8: {  	s15 =	sadd.s32 $0x8000, s7;
	s5 =	sshra.s32 s5, $0x2;
	s14 =	sadd.s32 $0x14000, s9  }
0x1f9: {  	[hbm4b:s6+s12] =	stream.strided.scatter [tilespmem:s14], [sflag:$0x2], $0x400, s1, s12, $0x38;
	[tilespmem:$0x1E000] =	vst v63  }
0x1fa: {  	p0 =	sne.s32 s7, $0x20000;
	s7 =	sadd.s32 $0x14400, s9;
	s14 =	sadd.s32 $0x40, s6  }
0x1fb: {  	[hbm4b:s14+s12] =	stream.strided.scatter [tilespmem:s7], [sflag:$0x2], $0x400, s1, s12, $0x38;
	[tilespmem:$0x1E000] =	vst v63  }
0x1fc: {  	s7 =	sadd.s32 $0x14800, s9;
	s14 =	sadd.s32 $0x80, s6  }
0x1fd: {  	[hbm4b:s14+s12] =	stream.strided.scatter [tilespmem:s7], [sflag:$0x2], $0x400, s1, s12, $0x38;
	[tilespmem:$0x1E000] =	vst v63  }
0x1fe: {  	s7 =	sadd.s32 $0x14C00, s9;
	s14 =	sadd.s32 $0xC0, s6  }
0x1ff: {  	[hbm4b:s14+s12] =	stream.strided.scatter [tilespmem:s7], [sflag:$0x2], $0x400, s1, s12, $0x38;
	[tilespmem:$0x1E000] =	vst v63  }
0x200: {  	s7 =	sadd.s32 $0x15000, s9;
	s14 =	sadd.s32 $0x100, s6  }
0x201: {  	[hbm4b:s14+s12] =	stream.strided.scatter [tilespmem:s7], [sflag:$0x2], $0x400, s1, s12, $0x38;
	[tilespmem:$0x1E000] =	vst v63  }
.Ltmp10:
0x202: {  	s7 =	sadd.s32 $0x15400, s9;
	s14 =	sadd.s32 $0x140, s6;
	(pc) =	sbr.rel @p0 .LBB2_22-.Ltmp10, $4  }
0x203: {  	[hbm4b:s14+s12] =	stream.strided.scatter [tilespmem:s7], [sflag:$0x2], $0x400, s1, s12, $0x38;
	[tilespmem:$0x1E000] =	vst v63  }
0x204: {  	s7 =	sadd.s32 $0x15800, s9;
	s14 =	sadd.s32 $0x180, s6;
	s9 =	sadd.s32 $0x15C00, s9  }
0x205: {  	[hbm4b:s14+s12] =	stream.strided.scatter [tilespmem:s7], [sflag:$0x2], $0x400, s1, s12, $0x38;
	[tilespmem:$0x1E000] =	vst v63  }
0x206: {  	s14 =	sadd.s32 $0x1C0, s6;
	s6 =	sadd.s32 $0x1000, s6;
	s7 =	smov.u32 s15  }
0x207: {  	[hbm4b:s14+s12] =	stream.strided.scatter [tilespmem:s9], [sflag:$0x2], $0x400, s1, s12, $0x38;
	[tilespmem:$0x1E000] =	vst v63  }
0x208: {  	s7 =	sadd.s32 $0x14000, s5  }
0x209: {  	[hbm4b:s6+s12] =	stream.strided.scatter [tilespmem:s7], [sflag:$0x2], $0x400, s1, s12, $0x38;
	[tilespmem:$0x1E000] =	vst v63  }
0x20a: {  	s14 =	sadd.s32 $0x14400, s5;
	s15 =	sadd.s32 $0x40, s6  }
0x20b: {  	[hbm4b:s15+s12] =	stream.strided.scatter [tilespmem:s14], [sflag:$0x2], $0x400, s1, s12, $0x38;
	[tilespmem:$0x1E000] =	vst v63  }
0x20c: {  	s14 =	sadd.s32 $0x14800, s5;
	s15 =	sadd.s32 $0x80, s6  }
0x20d: {  	[hbm4b:s15+s12] =	stream.strided.scatter [tilespmem:s14], [sflag:$0x2], $0x400, s1, s12, $0x38;
	[tilespmem:$0x1E000] =	vst v63  }
0x20e: {  	s14 =	sadd.s32 $0x14C00, s5;
	s15 =	sadd.s32 $0xC0, s6  }
0x20f: {  	[hbm4b:s15+s12] =	stream.strided.scatter [tilespmem:s14], [sflag:$0x2], $0x400, s1, s12, $0x38;
	[tilespmem:$0x1E000] =	vst v63  }
0x210: {  	s14 =	sadd.s32 $0x15000, s5;
	s15 =	sadd.s32 $0x100, s6  }
0x211: {  	[hbm4b:s15+s12] =	stream.strided.scatter [tilespmem:s14], [sflag:$0x2], $0x400, s1, s12, $0x38;
	[tilespmem:$0x1E000] =	vst v63  }
0x212: {  	s14 =	sadd.s32 $0x15400, s5;
	s15 =	sadd.s32 $0x140, s6  }
0x213: {  	[hbm4b:s15+s12] =	stream.strided.scatter [tilespmem:s14], [sflag:$0x2], $0x400, s1, s12, $0x38;
	[tilespmem:$0x1E000] =	vst v63  }
0x214: {  	s14 =	sadd.s32 $0x15800, s5;
	s15 =	sadd.s32 $0x180, s6  }
0x215: {  	[hbm4b:s15+s12] =	stream.strided.scatter [tilespmem:s14], [sflag:$0x2], $0x400, s1, s12, $0x38;
	[tilespmem:$0x1E000] =	vst v63  }
0x216: {  	s9 =	sadd.s32 $0x1C0, s6;
	s7 =	sadd.s32 $0x15C00, s5  }
0x217: {  	[hbm4b:s9+s12] =	stream.strided.scatter [tilespmem:s7], [sflag:$0x2], $0x400, s1, s12, $0x38;
	[tilespmem:$0x1E000] =	vst v63  }
0x218: {  	s14 =	simm.s32 $0x14000;
	s15 =	rddreg [dreg:$0x16]  }
0x219: {  	[hbm4b:s15+s12] =	stream.strided.scatter [tilespmem:s14], [sflag:$0x2], $0x400, s1, s12, $0x38;
	[tilespmem:$0x1E000] =	vst v63  }
0x21a: {  	s6 =	simm.s32 $0x14400;
	s7 =	sadd.s32 $0x40, s15  }
0x21b: {  	[hbm4b:s7+s12] =	stream.strided.scatter [tilespmem:s6], [sflag:$0x2], $0x400, s1, s12, $0x38;
	[tilespmem:$0x1E000] =	vst v63  }
0x21c: {  	s9 =	simm.s32 $0x14800;
	s14 =	sadd.s32 $0x80, s15  }
0x21d: {  	[hbm4b:s14+s12] =	stream.strided.scatter [tilespmem:s9], [sflag:$0x2], $0x400, s1, s12, $0x38;
	[tilespmem:$0x1E000] =	vst v63  }
0x21e: {  	s6 =	simm.s32 $0x14C00;
	s7 =	sadd.s32 $0xC0, s15  }
0x21f: {  	[hbm4b:s7+s12] =	stream.strided.scatter [tilespmem:s6], [sflag:$0x2], $0x400, s1, s12, $0x38;
	[tilespmem:$0x1E000] =	vst v63  }
0x220: {  	s9 =	simm.s32 $0x15000;
	s14 =	sadd.s32 $0x100, s15  }
0x221: {  	[hbm4b:s14+s12] =	stream.strided.scatter [tilespmem:s9], [sflag:$0x2], $0x400, s1, s12, $0x38;
	[tilespmem:$0x1E000] =	vst v63  }
0x222: {  	s5 =	simm.s32 $0x2000;
	s6 =	simm.s32 $0x15400;
	s7 =	sadd.s32 $0x140, s15  }
0x223: {  	[hbm4b:s7+s12] =	stream.strided.scatter [tilespmem:s6], [sflag:$0x2], $0x400, s1, s12, $0x38;
	[tilespmem:$0x1E000] =	vst v63  }
0x224: {  	s9 =	simm.s32 $0x15800;
	s14 =	sadd.s32 $0x180, s15;
	s7 =	simm.s32 $0x10000  }
0x225: {  	[hbm4b:s14+s12] =	stream.strided.scatter [tilespmem:s9], [sflag:$0x2], $0x400, s1, s12, $0x38;
	[tilespmem:$0x1E000] =	vst v63  }
0x226: {  	s6 =	sadd.s32 $0x1000, s15;
	s9 =	simm.s32 $0x15C00;
	s14 =	sadd.s32 $0x1C0, s15  }
.LBB2_24:
0x227: {  	[hbm4b:s14+s12] =	stream.strided.scatter [tilespmem:s9], [sflag:$0x2], $0x400, s1, s12, $0x38;
	[tilespmem:$0x1E000] =	vst v63  }
0x228: {  	s9 =	smov.u32 s5;
	s5 =	smov.u32 s7  }
0x229: {  	s15 =	sadd.s32 $0x8000, s7;
	s5 =	sshra.s32 s5, $0x2;
	s14 =	sadd.s32 $0x14000, s9  }
0x22a: {  	[hbm4b:s6+s12] =	stream.strided.scatter [tilespmem:s14], [sflag:$0x2], $0x400, s1, s12, $0x38;
	[tilespmem:$0x1E000] =	vst v63  }
0x22b: {  	p0 =	sne.s32 s7, $0x20000;
	s7 =	sadd.s32 $0x14400, s9;
	s14 =	sadd.s32 $0x40, s6  }
0x22c: {  	[hbm4b:s14+s12] =	stream.strided.scatter [tilespmem:s7], [sflag:$0x2], $0x400, s1, s12, $0x38;
	[tilespmem:$0x1E000] =	vst v63  }
0x22d: {  	s7 =	sadd.s32 $0x14800, s9;
	s14 =	sadd.s32 $0x80, s6  }
0x22e: {  	[hbm4b:s14+s12] =	stream.strided.scatter [tilespmem:s7], [sflag:$0x2], $0x400, s1, s12, $0x38;
	[tilespmem:$0x1E000] =	vst v63  }
0x22f: {  	s7 =	sadd.s32 $0x14C00, s9;
	s14 =	sadd.s32 $0xC0, s6  }
0x230: {  	[hbm4b:s14+s12] =	stream.strided.scatter [tilespmem:s7], [sflag:$0x2], $0x400, s1, s12, $0x38;
	[tilespmem:$0x1E000] =	vst v63  }
0x231: {  	s7 =	sadd.s32 $0x15000, s9;
	s14 =	sadd.s32 $0x100, s6  }
0x232: {  	[hbm4b:s14+s12] =	stream.strided.scatter [tilespmem:s7], [sflag:$0x2], $0x400, s1, s12, $0x38;
	[tilespmem:$0x1E000] =	vst v63  }
.Ltmp11:
0x233: {  	s7 =	sadd.s32 $0x15400, s9;
	s14 =	sadd.s32 $0x140, s6;
	(pc) =	sbr.rel @p0 .LBB2_24-.Ltmp11, $4  }
0x234: {  	[hbm4b:s14+s12] =	stream.strided.scatter [tilespmem:s7], [sflag:$0x2], $0x400, s1, s12, $0x38;
	[tilespmem:$0x1E000] =	vst v63  }
0x235: {  	s7 =	sadd.s32 $0x15800, s9;
	s14 =	sadd.s32 $0x180, s6;
	s9 =	sadd.s32 $0x15C00, s9  }
0x236: {  	[hbm4b:s14+s12] =	stream.strided.scatter [tilespmem:s7], [sflag:$0x2], $0x400, s1, s12, $0x38;
	[tilespmem:$0x1E000] =	vst v63  }
0x237: {  	s14 =	sadd.s32 $0x1C0, s6;
	s6 =	sadd.s32 $0x1000, s6;
	s7 =	smov.u32 s15  }
0x238: {  	[hbm4b:s14+s12] =	stream.strided.scatter [tilespmem:s9], [sflag:$0x2], $0x400, s1, s12, $0x38;
	[tilespmem:$0x1E000] =	vst v63  }
0x239: {  	s7 =	sadd.s32 $0x14000, s5  }
0x23a: {  	[hbm4b:s6+s12] =	stream.strided.scatter [tilespmem:s7], [sflag:$0x2], $0x400, s1, s12, $0x38;
	[tilespmem:$0x1E000] =	vst v63  }
0x23b: {  	s14 =	sadd.s32 $0x14400, s5;
	s15 =	sadd.s32 $0x40, s6  }
0x23c: {  	[hbm4b:s15+s12] =	stream.strided.scatter [tilespmem:s14], [sflag:$0x2], $0x400, s1, s12, $0x38;
	[tilespmem:$0x1E000] =	vst v63  }
0x23d: {  	s14 =	sadd.s32 $0x14800, s5;
	s15 =	sadd.s32 $0x80, s6  }
0x23e: {  	[hbm4b:s15+s12] =	stream.strided.scatter [tilespmem:s14], [sflag:$0x2], $0x400, s1, s12, $0x38;
	[tilespmem:$0x1E000] =	vst v63  }
0x23f: {  	s14 =	sadd.s32 $0x14C00, s5;
	s15 =	sadd.s32 $0xC0, s6  }
0x240: {  	[hbm4b:s15+s12] =	stream.strided.scatter [tilespmem:s14], [sflag:$0x2], $0x400, s1, s12, $0x38;
	[tilespmem:$0x1E000] =	vst v63  }
0x241: {  	s14 =	sadd.s32 $0x15000, s5;
	s15 =	sadd.s32 $0x100, s6  }
0x242: {  	[hbm4b:s15+s12] =	stream.strided.scatter [tilespmem:s14], [sflag:$0x2], $0x400, s1, s12, $0x38;
	[tilespmem:$0x1E000] =	vst v63  }
0x243: {  	s14 =	sadd.s32 $0x15400, s5;
	s15 =	sadd.s32 $0x140, s6  }
0x244: {  	[hbm4b:s15+s12] =	stream.strided.scatter [tilespmem:s14], [sflag:$0x2], $0x400, s1, s12, $0x38;
	[tilespmem:$0x1E000] =	vst v63  }
0x245: {  	s14 =	sadd.s32 $0x15800, s5;
	s15 =	sadd.s32 $0x180, s6  }
0x246: {  	[hbm4b:s15+s12] =	stream.strided.scatter [tilespmem:s14], [sflag:$0x2], $0x400, s1, s12, $0x38;
	[tilespmem:$0x1E000] =	vst v63  }
0x247: {  	s14 =	sadd.s32 $0x15C00, s5;
	s15 =	sadd.s32 $0x1C0, s6  }
0x248: {  	[hbm4b:s15+s12] =	stream.strided.scatter [tilespmem:s14], [sflag:$0x2], $0x400, s1, s12, $0x38;
	[tilespmem:$0x1E000] =	vst v63  }
0x249: {  	_ =	swait.ge [sflag:s4], $0xA000  }
0x24a: {  	[sflag:s4] =	ssyncset.done $0x0  }
0x24b: {  	[sflag:s4] =	ssyncadd.s32 $0xFFFF6000  }
0x24c: {  	_ =	swait.ge [sflag:s4], $0xA000  }
0x24d: {  	[sflag:s4] =	ssyncset.done $0x0  }
0x24e: {  	[sflag:s4] =	ssyncadd.s32 $0xFFFF6000  }
0x24f: {  	_ =	swait.ge [sflag:s4], $0xA000  }
0x250: {  	[sflag:s4] =	ssyncset.done $0x0  }
0x251: {  	[sflag:s4] =	ssyncadd.s32 $0xFFFF6000  }
0x252: {  	_ =	swait.ge [sflag:s4], $0xA000  }
0x253: {  	s7 =	simm.s32 $0x0;
	[sflag:s4] =	ssyncset.done $0x0  }
0x254: {  	s14 =	simm.s32 $0xA000;
	s9 =	rddreg [dreg:$0xc];
	[sflag:s4] =	ssyncadd.s32 $0xFFFF6000  }
0x255: {  	[tilespmem:s14], [sflag:$0x1] =	stream.linear.gather [hbm4b:s9+s7], $0xA000, $0x38;
	[tilespmem:$0x1E000] =	vst v63  }
0x256: {  	_ =	swait.ge [sflag:s13], $0xA000  }
0x257: {  	[sflag:s13] =	ssyncset.done $0x0  }
0x258: {  	s15 =	simm.s32 $0x0;
	s14 =	rddreg [dreg:$0x17];
	[sflag:s13] =	ssyncadd.s32 $0xFFFF6000  }
0x259: {  	[hbm4b:s14+s12] =	stream.strided.scatter [tilespmem:s15], [sflag:$0x2], $0x400, s1, s12, $0x38;
	[tilespmem:$0x1E000] =	vst v63  }
0x25a: {  	s6 =	simm.s32 $0x400;
	s7 =	sadd.s32 $0x40, s14  }
0x25b: {  	[hbm4b:s7+s12] =	stream.strided.scatter [tilespmem:s6], [sflag:$0x2], $0x400, s1, s12, $0x38;
	[tilespmem:$0x1E000] =	vst v63  }
0x25c: {  	s9 =	simm.s32 $0x800;
	s15 =	sadd.s32 $0x80, s14  }
0x25d: {  	[hbm4b:s15+s12] =	stream.strided.scatter [tilespmem:s9], [sflag:$0x2], $0x400, s1, s12, $0x38;
	[tilespmem:$0x1E000] =	vst v63  }
0x25e: {  	s6 =	simm.s32 $0xC00;
	s7 =	sadd.s32 $0xC0, s14  }
0x25f: {  	[hbm4b:s7+s12] =	stream.strided.scatter [tilespmem:s6], [sflag:$0x2], $0x400, s1, s12, $0x38;
	[tilespmem:$0x1E000] =	vst v63  }
0x260: {  	s9 =	simm.s32 $0x1000;
	s15 =	sadd.s32 $0x100, s14  }
0x261: {  	[hbm4b:s15+s12] =	stream.strided.scatter [tilespmem:s9], [sflag:$0x2], $0x400, s1, s12, $0x38;
	[tilespmem:$0x1E000] =	vst v63  }
0x262: {  	s6 =	simm.s32 $0x1400;
	s7 =	sadd.s32 $0x140, s14  }
0x263: {  	[hbm4b:s7+s12] =	stream.strided.scatter [tilespmem:s6], [sflag:$0x2], $0x400, s1, s12, $0x38;
	[tilespmem:$0x1E000] =	vst v63  }
0x264: {  	s5 =	simm.s32 $0x8000;
	s9 =	simm.s32 $0x1800;
	s15 =	sadd.s32 $0x180, s14  }
0x265: {  	[hbm4b:s15+s12] =	stream.strided.scatter [tilespmem:s9], [sflag:$0x2], $0x400, s1, s12, $0x38;
	[tilespmem:$0x1E000] =	vst v63  }
0x266: {  	s7 =	simm.s32 $0x1C00;
	s6 =	sadd.s32 $0x1000, s14;
	s9 =	sadd.s32 $0x1C0, s14  }
.LBB2_26:
0x267: {  	[hbm4b:s9+s12] =	stream.strided.scatter [tilespmem:s7], [sflag:$0x2], $0x400, s1, s12, $0x38;
	[tilespmem:$0x1E000] =	vst v63  }
0x268: {  	s7 =	sshra.s32 s5, $0x2;
	p0 =	sne.s32 s5, $0x20000;
	s5 =	sadd.s32 $0x8000, s5  }
0x269: {  	[hbm4b:s6+s12] =	stream.strided.scatter [tilespmem:s7], [sflag:$0x2], $0x400, s1, s12, $0x38;
	[tilespmem:$0x1E000] =	vst v63  }
0x26a: {  	s14 =	sadd.s32 $0x40, s6;
	s9 =	sadd.s32 $0x400, s7  }
0x26b: {  	[hbm4b:s14+s12] =	stream.strided.scatter [tilespmem:s9], [sflag:$0x2], $0x400, s1, s12, $0x38;
	[tilespmem:$0x1E000] =	vst v63  }
0x26c: {  	s9 =	sadd.s32 $0x800, s7;
	s14 =	sadd.s32 $0x80, s6  }
0x26d: {  	[hbm4b:s14+s12] =	stream.strided.scatter [tilespmem:s9], [sflag:$0x2], $0x400, s1, s12, $0x38;
	[tilespmem:$0x1E000] =	vst v63  }
0x26e: {  	s9 =	sadd.s32 $0xC00, s7;
	s14 =	sadd.s32 $0xC0, s6  }
0x26f: {  	[hbm4b:s14+s12] =	stream.strided.scatter [tilespmem:s9], [sflag:$0x2], $0x400, s1, s12, $0x38;
	[tilespmem:$0x1E000] =	vst v63  }
0x270: {  	s9 =	sadd.s32 $0x1000, s7;
	s14 =	sadd.s32 $0x100, s6  }
0x271: {  	[hbm4b:s14+s12] =	stream.strided.scatter [tilespmem:s9], [sflag:$0x2], $0x400, s1, s12, $0x38;
	[tilespmem:$0x1E000] =	vst v63  }
.Ltmp12:
0x272: {  	s9 =	sadd.s32 $0x1400, s7;
	s14 =	sadd.s32 $0x140, s6;
	(pc) =	sbr.rel @p0 .LBB2_26-.Ltmp12, $4  }
0x273: {  	[hbm4b:s14+s12] =	stream.strided.scatter [tilespmem:s9], [sflag:$0x2], $0x400, s1, s12, $0x38;
	[tilespmem:$0x1E000] =	vst v63  }
0x274: {  	s9 =	sadd.s32 $0x1800, s7;
	s14 =	sadd.s32 $0x180, s6  }
0x275: {  	[hbm4b:s14+s12] =	stream.strided.scatter [tilespmem:s9], [sflag:$0x2], $0x400, s1, s12, $0x38;
	[tilespmem:$0x1E000] =	vst v63  }
0x276: {  	s7 =	sadd.s32 $0x1C00, s7;
	s9 =	sadd.s32 $0x1C0, s6;
	s6 =	sadd.s32 $0x1000, s6  }
0x277: {  	[hbm4b:s9+s12] =	stream.strided.scatter [tilespmem:s7], [sflag:$0x2], $0x400, s1, s12, $0x38;
	[tilespmem:$0x1E000] =	vst v63  }
0x278: {  	s5 =	simm.s32 $0x0;
	s14 =	rddreg [dreg:$0x18]  }
0x279: {  	[hbm4b:s14+s12] =	stream.strided.scatter [tilespmem:s5], [sflag:$0x2], $0x400, s1, s12, $0x38;
	[tilespmem:$0x1E000] =	vst v63  }
0x27a: {  	s7 =	simm.s32 $0x400;
	s6 =	sadd.s32 $0x40, s14  }
0x27b: {  	[hbm4b:s6+s12] =	stream.strided.scatter [tilespmem:s7], [sflag:$0x2], $0x400, s1, s12, $0x38;
	[tilespmem:$0x1E000] =	vst v63  }
0x27c: {  	s9 =	simm.s32 $0x800;
	s15 =	sadd.s32 $0x80, s14  }
0x27d: {  	[hbm4b:s15+s12] =	stream.strided.scatter [tilespmem:s9], [sflag:$0x2], $0x400, s1, s12, $0x38;
	[tilespmem:$0x1E000] =	vst v63  }
0x27e: {  	s6 =	simm.s32 $0xC00;
	s7 =	sadd.s32 $0xC0, s14  }
0x27f: {  	[hbm4b:s7+s12] =	stream.strided.scatter [tilespmem:s6], [sflag:$0x2], $0x400, s1, s12, $0x38;
	[tilespmem:$0x1E000] =	vst v63  }
0x280: {  	s9 =	simm.s32 $0x1000;
	s15 =	sadd.s32 $0x100, s14  }
0x281: {  	[hbm4b:s15+s12] =	stream.strided.scatter [tilespmem:s9], [sflag:$0x2], $0x400, s1, s12, $0x38;
	[tilespmem:$0x1E000] =	vst v63  }
0x282: {  	s6 =	simm.s32 $0x1400;
	s7 =	sadd.s32 $0x140, s14  }
0x283: {  	[hbm4b:s7+s12] =	stream.strided.scatter [tilespmem:s6], [sflag:$0x2], $0x400, s1, s12, $0x38;
	[tilespmem:$0x1E000] =	vst v63  }
0x284: {  	s5 =	simm.s32 $0x8000;
	s9 =	simm.s32 $0x1800;
	s15 =	sadd.s32 $0x180, s14  }
0x285: {  	[hbm4b:s15+s12] =	stream.strided.scatter [tilespmem:s9], [sflag:$0x2], $0x400, s1, s12, $0x38;
	[tilespmem:$0x1E000] =	vst v63  }
0x286: {  	s7 =	simm.s32 $0x1C00;
	s6 =	sadd.s32 $0x1000, s14;
	s9 =	sadd.s32 $0x1C0, s14  }
.LBB2_28:
0x287: {  	[hbm4b:s9+s12] =	stream.strided.scatter [tilespmem:s7], [sflag:$0x2], $0x400, s1, s12, $0x38;
	[tilespmem:$0x1E000] =	vst v63  }
0x288: {  	s7 =	sshra.s32 s5, $0x2;
	p0 =	sne.s32 s5, $0x20000;
	s5 =	sadd.s32 $0x8000, s5  }
0x289: {  	[hbm4b:s6+s12] =	stream.strided.scatter [tilespmem:s7], [sflag:$0x2], $0x400, s1, s12, $0x38;
	[tilespmem:$0x1E000] =	vst v63  }
0x28a: {  	s14 =	sadd.s32 $0x40, s6;
	s9 =	sadd.s32 $0x400, s7  }
0x28b: {  	[hbm4b:s14+s12] =	stream.strided.scatter [tilespmem:s9], [sflag:$0x2], $0x400, s1, s12, $0x38;
	[tilespmem:$0x1E000] =	vst v63  }
0x28c: {  	s9 =	sadd.s32 $0x800, s7;
	s14 =	sadd.s32 $0x80, s6  }
0x28d: {  	[hbm4b:s14+s12] =	stream.strided.scatter [tilespmem:s9], [sflag:$0x2], $0x400, s1, s12, $0x38;
	[tilespmem:$0x1E000] =	vst v63  }
0x28e: {  	s9 =	sadd.s32 $0xC00, s7;
	s14 =	sadd.s32 $0xC0, s6  }
0x28f: {  	[hbm4b:s14+s12] =	stream.strided.scatter [tilespmem:s9], [sflag:$0x2], $0x400, s1, s12, $0x38;
	[tilespmem:$0x1E000] =	vst v63  }
0x290: {  	s9 =	sadd.s32 $0x1000, s7;
	s14 =	sadd.s32 $0x100, s6  }
0x291: {  	[hbm4b:s14+s12] =	stream.strided.scatter [tilespmem:s9], [sflag:$0x2], $0x400, s1, s12, $0x38;
	[tilespmem:$0x1E000] =	vst v63  }
.Ltmp13:
0x292: {  	s9 =	sadd.s32 $0x1400, s7;
	s14 =	sadd.s32 $0x140, s6;
	(pc) =	sbr.rel @p0 .LBB2_28-.Ltmp13, $4  }
0x293: {  	[hbm4b:s14+s12] =	stream.strided.scatter [tilespmem:s9], [sflag:$0x2], $0x400, s1, s12, $0x38;
	[tilespmem:$0x1E000] =	vst v63  }
0x294: {  	s9 =	sadd.s32 $0x1800, s7;
	s14 =	sadd.s32 $0x180, s6  }
0x295: {  	[hbm4b:s14+s12] =	stream.strided.scatter [tilespmem:s9], [sflag:$0x2], $0x400, s1, s12, $0x38;
	[tilespmem:$0x1E000] =	vst v63  }
0x296: {  	s7 =	sadd.s32 $0x1C00, s7;
	s9 =	sadd.s32 $0x1C0, s6;
	s6 =	sadd.s32 $0x1000, s6  }
0x297: {  	[hbm4b:s9+s12] =	stream.strided.scatter [tilespmem:s7], [sflag:$0x2], $0x400, s1, s12, $0x38;
	[tilespmem:$0x1E000] =	vst v63  }
0x298: {  	s5 =	simm.s32 $0x0;
	s14 =	rddreg [dreg:$0x19]  }
0x299: {  	[hbm4b:s14+s12] =	stream.strided.scatter [tilespmem:s5], [sflag:$0x2], $0x400, s1, s12, $0x38;
	[tilespmem:$0x1E000] =	vst v63  }
0x29a: {  	s7 =	simm.s32 $0x400;
	s6 =	sadd.s32 $0x40, s14  }
0x29b: {  	[hbm4b:s6+s12] =	stream.strided.scatter [tilespmem:s7], [sflag:$0x2], $0x400, s1, s12, $0x38;
	[tilespmem:$0x1E000] =	vst v63  }
0x29c: {  	s9 =	simm.s32 $0x800;
	s15 =	sadd.s32 $0x80, s14  }
0x29d: {  	[hbm4b:s15+s12] =	stream.strided.scatter [tilespmem:s9], [sflag:$0x2], $0x400, s1, s12, $0x38;
	[tilespmem:$0x1E000] =	vst v63  }
0x29e: {  	s6 =	simm.s32 $0xC00;
	s7 =	sadd.s32 $0xC0, s14  }
0x29f: {  	[hbm4b:s7+s12] =	stream.strided.scatter [tilespmem:s6], [sflag:$0x2], $0x400, s1, s12, $0x38;
	[tilespmem:$0x1E000] =	vst v63  }
0x2a0: {  	s9 =	simm.s32 $0x1000;
	s15 =	sadd.s32 $0x100, s14  }
0x2a1: {  	[hbm4b:s15+s12] =	stream.strided.scatter [tilespmem:s9], [sflag:$0x2], $0x400, s1, s12, $0x38;
	[tilespmem:$0x1E000] =	vst v63  }
0x2a2: {  	s6 =	simm.s32 $0x1400;
	s7 =	sadd.s32 $0x140, s14  }
0x2a3: {  	[hbm4b:s7+s12] =	stream.strided.scatter [tilespmem:s6], [sflag:$0x2], $0x400, s1, s12, $0x38;
	[tilespmem:$0x1E000] =	vst v63  }
0x2a4: {  	s5 =	simm.s32 $0x8000;
	s9 =	simm.s32 $0x1800;
	s15 =	sadd.s32 $0x180, s14  }
0x2a5: {  	[hbm4b:s15+s12] =	stream.strided.scatter [tilespmem:s9], [sflag:$0x2], $0x400, s1, s12, $0x38;
	[tilespmem:$0x1E000] =	vst v63  }
0x2a6: {  	s7 =	simm.s32 $0x1C00;
	s6 =	sadd.s32 $0x1000, s14;
	s9 =	sadd.s32 $0x1C0, s14  }
.LBB2_30:
0x2a7: {  	[hbm4b:s9+s12] =	stream.strided.scatter [tilespmem:s7], [sflag:$0x2], $0x400, s1, s12, $0x38;
	[tilespmem:$0x1E000] =	vst v63  }
0x2a8: {  	s7 =	sshra.s32 s5, $0x2;
	p0 =	sne.s32 s5, $0x20000;
	s5 =	sadd.s32 $0x8000, s5  }
0x2a9: {  	[hbm4b:s6+s12] =	stream.strided.scatter [tilespmem:s7], [sflag:$0x2], $0x400, s1, s12, $0x38;
	[tilespmem:$0x1E000] =	vst v63  }
0x2aa: {  	s14 =	sadd.s32 $0x40, s6;
	s9 =	sadd.s32 $0x400, s7  }
0x2ab: {  	[hbm4b:s14+s12] =	stream.strided.scatter [tilespmem:s9], [sflag:$0x2], $0x400, s1, s12, $0x38;
	[tilespmem:$0x1E000] =	vst v63  }
0x2ac: {  	s9 =	sadd.s32 $0x800, s7;
	s14 =	sadd.s32 $0x80, s6  }
0x2ad: {  	[hbm4b:s14+s12] =	stream.strided.scatter [tilespmem:s9], [sflag:$0x2], $0x400, s1, s12, $0x38;
	[tilespmem:$0x1E000] =	vst v63  }
0x2ae: {  	s9 =	sadd.s32 $0xC00, s7;
	s14 =	sadd.s32 $0xC0, s6  }
0x2af: {  	[hbm4b:s14+s12] =	stream.strided.scatter [tilespmem:s9], [sflag:$0x2], $0x400, s1, s12, $0x38;
	[tilespmem:$0x1E000] =	vst v63  }
0x2b0: {  	s9 =	sadd.s32 $0x1000, s7;
	s14 =	sadd.s32 $0x100, s6  }
0x2b1: {  	[hbm4b:s14+s12] =	stream.strided.scatter [tilespmem:s9], [sflag:$0x2], $0x400, s1, s12, $0x38;
	[tilespmem:$0x1E000] =	vst v63  }
.Ltmp14:
0x2b2: {  	s9 =	sadd.s32 $0x1400, s7;
	s14 =	sadd.s32 $0x140, s6;
	(pc) =	sbr.rel @p0 .LBB2_30-.Ltmp14, $4  }
0x2b3: {  	[hbm4b:s14+s12] =	stream.strided.scatter [tilespmem:s9], [sflag:$0x2], $0x400, s1, s12, $0x38;
	[tilespmem:$0x1E000] =	vst v63  }
0x2b4: {  	s9 =	sadd.s32 $0x1800, s7;
	s14 =	sadd.s32 $0x180, s6  }
0x2b5: {  	[hbm4b:s14+s12] =	stream.strided.scatter [tilespmem:s9], [sflag:$0x2], $0x400, s1, s12, $0x38;
	[tilespmem:$0x1E000] =	vst v63  }
0x2b6: {  	s7 =	sadd.s32 $0x1C00, s7;
	s9 =	sadd.s32 $0x1C0, s6;
	s6 =	sadd.s32 $0x1000, s6  }
0x2b7: {  	[hbm4b:s9+s12] =	stream.strided.scatter [tilespmem:s7], [sflag:$0x2], $0x400, s1, s12, $0x38;
	[tilespmem:$0x1E000] =	vst v63  }
0x2b8: {  	s5 =	simm.s32 $0x0;
	s14 =	rddreg [dreg:$0x1a]  }
0x2b9: {  	[hbm4b:s14+s12] =	stream.strided.scatter [tilespmem:s5], [sflag:$0x2], $0x400, s1, s12, $0x38;
	[tilespmem:$0x1E000] =	vst v63  }
0x2ba: {  	s7 =	simm.s32 $0x400;
	s6 =	sadd.s32 $0x40, s14  }
0x2bb: {  	[hbm4b:s6+s12] =	stream.strided.scatter [tilespmem:s7], [sflag:$0x2], $0x400, s1, s12, $0x38;
	[tilespmem:$0x1E000] =	vst v63  }
0x2bc: {  	s9 =	simm.s32 $0x800;
	s15 =	sadd.s32 $0x80, s14  }
0x2bd: {  	[hbm4b:s15+s12] =	stream.strided.scatter [tilespmem:s9], [sflag:$0x2], $0x400, s1, s12, $0x38;
	[tilespmem:$0x1E000] =	vst v63  }
0x2be: {  	s6 =	simm.s32 $0xC00;
	s7 =	sadd.s32 $0xC0, s14  }
0x2bf: {  	[hbm4b:s7+s12] =	stream.strided.scatter [tilespmem:s6], [sflag:$0x2], $0x400, s1, s12, $0x38;
	[tilespmem:$0x1E000] =	vst v63  }
0x2c0: {  	s9 =	simm.s32 $0x1000;
	s15 =	sadd.s32 $0x100, s14  }
0x2c1: {  	[hbm4b:s15+s12] =	stream.strided.scatter [tilespmem:s9], [sflag:$0x2], $0x400, s1, s12, $0x38;
	[tilespmem:$0x1E000] =	vst v63  }
0x2c2: {  	s6 =	simm.s32 $0x1400;
	s7 =	sadd.s32 $0x140, s14  }
0x2c3: {  	[hbm4b:s7+s12] =	stream.strided.scatter [tilespmem:s6], [sflag:$0x2], $0x400, s1, s12, $0x38;
	[tilespmem:$0x1E000] =	vst v63  }
0x2c4: {  	s5 =	simm.s32 $0x8000;
	s9 =	simm.s32 $0x1800;
	s15 =	sadd.s32 $0x180, s14  }
0x2c5: {  	[hbm4b:s15+s12] =	stream.strided.scatter [tilespmem:s9], [sflag:$0x2], $0x400, s1, s12, $0x38;
	[tilespmem:$0x1E000] =	vst v63  }
0x2c6: {  	s7 =	simm.s32 $0x1C00;
	s6 =	sadd.s32 $0x1000, s14;
	s9 =	sadd.s32 $0x1C0, s14  }
.LBB2_32:
0x2c7: {  	[hbm4b:s9+s12] =	stream.strided.scatter [tilespmem:s7], [sflag:$0x2], $0x400, s1, s12, $0x38;
	[tilespmem:$0x1E000] =	vst v63  }
0x2c8: {  	s7 =	sshra.s32 s5, $0x2;
	p0 =	sne.s32 s5, $0x20000;
	s5 =	sadd.s32 $0x8000, s5  }
0x2c9: {  	[hbm4b:s6+s12] =	stream.strided.scatter [tilespmem:s7], [sflag:$0x2], $0x400, s1, s12, $0x38;
	[tilespmem:$0x1E000] =	vst v63  }
0x2ca: {  	s14 =	sadd.s32 $0x40, s6;
	s9 =	sadd.s32 $0x400, s7  }
0x2cb: {  	[hbm4b:s14+s12] =	stream.strided.scatter [tilespmem:s9], [sflag:$0x2], $0x400, s1, s12, $0x38;
	[tilespmem:$0x1E000] =	vst v63  }
0x2cc: {  	s9 =	sadd.s32 $0x800, s7;
	s14 =	sadd.s32 $0x80, s6  }
0x2cd: {  	[hbm4b:s14+s12] =	stream.strided.scatter [tilespmem:s9], [sflag:$0x2], $0x400, s1, s12, $0x38;
	[tilespmem:$0x1E000] =	vst v63  }
0x2ce: {  	s9 =	sadd.s32 $0xC00, s7;
	s14 =	sadd.s32 $0xC0, s6  }
0x2cf: {  	[hbm4b:s14+s12] =	stream.strided.scatter [tilespmem:s9], [sflag:$0x2], $0x400, s1, s12, $0x38;
	[tilespmem:$0x1E000] =	vst v63  }
0x2d0: {  	s9 =	sadd.s32 $0x1000, s7;
	s14 =	sadd.s32 $0x100, s6  }
0x2d1: {  	[hbm4b:s14+s12] =	stream.strided.scatter [tilespmem:s9], [sflag:$0x2], $0x400, s1, s12, $0x38;
	[tilespmem:$0x1E000] =	vst v63  }
.Ltmp15:
0x2d2: {  	s9 =	sadd.s32 $0x1400, s7;
	s14 =	sadd.s32 $0x140, s6;
	(pc) =	sbr.rel @p0 .LBB2_32-.Ltmp15, $4  }
0x2d3: {  	[hbm4b:s14+s12] =	stream.strided.scatter [tilespmem:s9], [sflag:$0x2], $0x400, s1, s12, $0x38;
	[tilespmem:$0x1E000] =	vst v63  }
0x2d4: {  	s9 =	sadd.s32 $0x1800, s7;
	s14 =	sadd.s32 $0x180, s6  }
0x2d5: {  	[hbm4b:s14+s12] =	stream.strided.scatter [tilespmem:s9], [sflag:$0x2], $0x400, s1, s12, $0x38;
	[tilespmem:$0x1E000] =	vst v63  }
0x2d6: {  	s7 =	sadd.s32 $0x1C00, s7;
	s9 =	sadd.s32 $0x1C0, s6;
	s6 =	sadd.s32 $0x1000, s6  }
0x2d7: {  	[hbm4b:s9+s12] =	stream.strided.scatter [tilespmem:s7], [sflag:$0x2], $0x400, s1, s12, $0x38;
	[tilespmem:$0x1E000] =	vst v63  }
0x2d8: {  	_ =	swait.ge [sflag:s4], $0xA000  }
0x2d9: {  	[sflag:s4] =	ssyncset.done $0x0  }
0x2da: {  	[sflag:s4] =	ssyncadd.s32 $0xFFFF6000  }
0x2db: {  	_ =	swait.ge [sflag:s4], $0xA000  }
0x2dc: {  	[sflag:s4] =	ssyncset.done $0x0  }
0x2dd: {  	[sflag:s4] =	ssyncadd.s32 $0xFFFF6000  }
0x2de: {  	_ =	swait.ge [sflag:s4], $0xA000  }
0x2df: {  	[sflag:s4] =	ssyncset.done $0x0  }
0x2e0: {  	[sflag:s4] =	ssyncadd.s32 $0xFFFF6000  }
0x2e1: {  	_ =	swait.ge [sflag:s4], $0xA000  }
0x2e2: {  	s5 =	simm.s32 $0x0;
	[sflag:s4] =	ssyncset.done $0x0  }
0x2e3: {  	s9 =	simm.s32 $0x14000;
	s6 =	rddreg [dreg:$0xd];
	[sflag:s4] =	ssyncadd.s32 $0xFFFF6000  }
0x2e4: {  	[tilespmem:s9], [sflag:$0x1] =	stream.linear.gather [hbm4b:s6+s5], $0xA000, $0x38;
	[tilespmem:$0x1E000] =	vst v63  }
0x2e5: {  	_ =	swait.ge [sflag:s13], $0xA000  }
0x2e6: {  	[sflag:s13] =	ssyncset.done $0x0  }
0x2e7: {  	s14 =	simm.s32 $0xA000;
	s15 =	rddreg [dreg:$0x1b];
	[sflag:s13] =	ssyncadd.s32 $0xFFFF6000  }
0x2e8: {  	[hbm4b:s15+s12] =	stream.strided.scatter [tilespmem:s14], [sflag:$0x2], $0x400, s1, s12, $0x38;
	[tilespmem:$0x1E000] =	vst v63  }
0x2e9: {  	s6 =	simm.s32 $0xA400;
	s7 =	sadd.s32 $0x40, s15  }
0x2ea: {  	[hbm4b:s7+s12] =	stream.strided.scatter [tilespmem:s6], [sflag:$0x2], $0x400, s1, s12, $0x38;
	[tilespmem:$0x1E000] =	vst v63  }
0x2eb: {  	s9 =	simm.s32 $0xA800;
	s14 =	sadd.s32 $0x80, s15  }
0x2ec: {  	[hbm4b:s14+s12] =	stream.strided.scatter [tilespmem:s9], [sflag:$0x2], $0x400, s1, s12, $0x38;
	[tilespmem:$0x1E000] =	vst v63  }
0x2ed: {  	s6 =	simm.s32 $0xAC00;
	s7 =	sadd.s32 $0xC0, s15  }
0x2ee: {  	[hbm4b:s7+s12] =	stream.strided.scatter [tilespmem:s6], [sflag:$0x2], $0x400, s1, s12, $0x38;
	[tilespmem:$0x1E000] =	vst v63  }
0x2ef: {  	s9 =	simm.s32 $0xB000;
	s14 =	sadd.s32 $0x100, s15  }
0x2f0: {  	[hbm4b:s14+s12] =	stream.strided.scatter [tilespmem:s9], [sflag:$0x2], $0x400, s1, s12, $0x38;
	[tilespmem:$0x1E000] =	vst v63  }
0x2f1: {  	s5 =	simm.s32 $0x2000;
	s6 =	simm.s32 $0xB400;
	s7 =	sadd.s32 $0x140, s15  }
0x2f2: {  	[hbm4b:s7+s12] =	stream.strided.scatter [tilespmem:s6], [sflag:$0x2], $0x400, s1, s12, $0x38;
	[tilespmem:$0x1E000] =	vst v63  }
0x2f3: {  	s9 =	simm.s32 $0xB800;
	s14 =	sadd.s32 $0x180, s15;
	s7 =	simm.s32 $0x10000  }
0x2f4: {  	[hbm4b:s14+s12] =	stream.strided.scatter [tilespmem:s9], [sflag:$0x2], $0x400, s1, s12, $0x38;
	[tilespmem:$0x1E000] =	vst v63  }
0x2f5: {  	s6 =	sadd.s32 $0x1000, s15;
	s9 =	simm.s32 $0xBC00;
	s14 =	sadd.s32 $0x1C0, s15  }
.LBB2_34:
0x2f6: {  	[hbm4b:s14+s12] =	stream.strided.scatter [tilespmem:s9], [sflag:$0x2], $0x400, s1, s12, $0x38;
	[tilespmem:$0x1E000] =	vst v63  }
0x2f7: {  	s9 =	smov.u32 s5;
	s5 =	smov.u32 s7  }
0x2f8: {  	s15 =	sadd.s32 $0x8000, s7;
	s5 =	sshra.s32 s5, $0x2;
	s14 =	sadd.s32 $0xA000, s9  }
0x2f9: {  	[hbm4b:s6+s12] =	stream.strided.scatter [tilespmem:s14], [sflag:$0x2], $0x400, s1, s12, $0x38;
	[tilespmem:$0x1E000] =	vst v63  }
0x2fa: {  	p0 =	sne.s32 s7, $0x20000;
	s7 =	sadd.s32 $0xA400, s9;
	s14 =	sadd.s32 $0x40, s6  }
0x2fb: {  	[hbm4b:s14+s12] =	stream.strided.scatter [tilespmem:s7], [sflag:$0x2], $0x400, s1, s12, $0x38;
	[tilespmem:$0x1E000] =	vst v63  }
0x2fc: {  	s7 =	sadd.s32 $0xA800, s9;
	s14 =	sadd.s32 $0x80, s6  }
0x2fd: {  	[hbm4b:s14+s12] =	stream.strided.scatter [tilespmem:s7], [sflag:$0x2], $0x400, s1, s12, $0x38;
	[tilespmem:$0x1E000] =	vst v63  }
0x2fe: {  	s7 =	sadd.s32 $0xAC00, s9;
	s14 =	sadd.s32 $0xC0, s6  }
0x2ff: {  	[hbm4b:s14+s12] =	stream.strided.scatter [tilespmem:s7], [sflag:$0x2], $0x400, s1, s12, $0x38;
	[tilespmem:$0x1E000] =	vst v63  }
0x300: {  	s7 =	sadd.s32 $0xB000, s9;
	s14 =	sadd.s32 $0x100, s6  }
0x301: {  	[hbm4b:s14+s12] =	stream.strided.scatter [tilespmem:s7], [sflag:$0x2], $0x400, s1, s12, $0x38;
	[tilespmem:$0x1E000] =	vst v63  }
.Ltmp16:
0x302: {  	s7 =	sadd.s32 $0xB400, s9;
	s14 =	sadd.s32 $0x140, s6;
	(pc) =	sbr.rel @p0 .LBB2_34-.Ltmp16, $4  }
0x303: {  	[hbm4b:s14+s12] =	stream.strided.scatter [tilespmem:s7], [sflag:$0x2], $0x400, s1, s12, $0x38;
	[tilespmem:$0x1E000] =	vst v63  }
0x304: {  	s7 =	sadd.s32 $0xB800, s9;
	s14 =	sadd.s32 $0x180, s6;
	s9 =	sadd.s32 $0xBC00, s9  }
0x305: {  	[hbm4b:s14+s12] =	stream.strided.scatter [tilespmem:s7], [sflag:$0x2], $0x400, s1, s12, $0x38;
	[tilespmem:$0x1E000] =	vst v63  }
0x306: {  	s14 =	sadd.s32 $0x1C0, s6;
	s6 =	sadd.s32 $0x1000, s6;
	s7 =	smov.u32 s15  }
0x307: {  	[hbm4b:s14+s12] =	stream.strided.scatter [tilespmem:s9], [sflag:$0x2], $0x400, s1, s12, $0x38;
	[tilespmem:$0x1E000] =	vst v63  }
0x308: {  	s7 =	sadd.s32 $0xA000, s5  }
0x309: {  	[hbm4b:s6+s12] =	stream.strided.scatter [tilespmem:s7], [sflag:$0x2], $0x400, s1, s12, $0x38;
	[tilespmem:$0x1E000] =	vst v63  }
0x30a: {  	s14 =	sadd.s32 $0xA400, s5;
	s15 =	sadd.s32 $0x40, s6  }
0x30b: {  	[hbm4b:s15+s12] =	stream.strided.scatter [tilespmem:s14], [sflag:$0x2], $0x400, s1, s12, $0x38;
	[tilespmem:$0x1E000] =	vst v63  }
0x30c: {  	s14 =	sadd.s32 $0xA800, s5;
	s15 =	sadd.s32 $0x80, s6  }
0x30d: {  	[hbm4b:s15+s12] =	stream.strided.scatter [tilespmem:s14], [sflag:$0x2], $0x400, s1, s12, $0x38;
	[tilespmem:$0x1E000] =	vst v63  }
0x30e: {  	s14 =	sadd.s32 $0xAC00, s5;
	s15 =	sadd.s32 $0xC0, s6  }
0x30f: {  	[hbm4b:s15+s12] =	stream.strided.scatter [tilespmem:s14], [sflag:$0x2], $0x400, s1, s12, $0x38;
	[tilespmem:$0x1E000] =	vst v63  }
0x310: {  	s14 =	sadd.s32 $0xB000, s5;
	s15 =	sadd.s32 $0x100, s6  }
0x311: {  	[hbm4b:s15+s12] =	stream.strided.scatter [tilespmem:s14], [sflag:$0x2], $0x400, s1, s12, $0x38;
	[tilespmem:$0x1E000] =	vst v63  }
0x312: {  	s14 =	sadd.s32 $0xB400, s5;
	s15 =	sadd.s32 $0x140, s6  }
0x313: {  	[hbm4b:s15+s12] =	stream.strided.scatter [tilespmem:s14], [sflag:$0x2], $0x400, s1, s12, $0x38;
	[tilespmem:$0x1E000] =	vst v63  }
0x314: {  	s14 =	sadd.s32 $0xB800, s5;
	s15 =	sadd.s32 $0x180, s6  }
0x315: {  	[hbm4b:s15+s12] =	stream.strided.scatter [tilespmem:s14], [sflag:$0x2], $0x400, s1, s12, $0x38;
	[tilespmem:$0x1E000] =	vst v63  }
0x316: {  	s14 =	sadd.s32 $0xBC00, s5;
	s15 =	sadd.s32 $0x1C0, s6  }
0x317: {  	[hbm4b:s15+s12] =	stream.strided.scatter [tilespmem:s14], [sflag:$0x2], $0x400, s1, s12, $0x38;
	[tilespmem:$0x1E000] =	vst v63  }
0x318: {  	s6 =	simm.s32 $0xA000  }
0x319: {  	[hbm4b:s26+s12] =	stream.strided.scatter [tilespmem:s6], [sflag:$0x2], $0x400, s1, s12, $0x38;
	[tilespmem:$0x1E000] =	vst v63  }
0x31a: {  	s9 =	sadd.s32 $0x40, s26;
	s7 =	simm.s32 $0xA400  }
0x31b: {  	[hbm4b:s9+s12] =	stream.strided.scatter [tilespmem:s7], [sflag:$0x2], $0x400, s1, s12, $0x38;
	[tilespmem:$0x1E000] =	vst v63  }
0x31c: {  	s14 =	simm.s32 $0xA800;
	s15 =	sadd.s32 $0x80, s26  }
0x31d: {  	[hbm4b:s15+s12] =	stream.strided.scatter [tilespmem:s14], [sflag:$0x2], $0x400, s1, s12, $0x38;
	[tilespmem:$0x1E000] =	vst v63  }
0x31e: {  	s7 =	simm.s32 $0xAC00;
	s9 =	sadd.s32 $0xC0, s26  }
0x31f: {  	[hbm4b:s9+s12] =	stream.strided.scatter [tilespmem:s7], [sflag:$0x2], $0x400, s1, s12, $0x38;
	[tilespmem:$0x1E000] =	vst v63  }
0x320: {  	s14 =	simm.s32 $0xB000;
	s15 =	sadd.s32 $0x100, s26  }
0x321: {  	[hbm4b:s15+s12] =	stream.strided.scatter [tilespmem:s14], [sflag:$0x2], $0x400, s1, s12, $0x38;
	[tilespmem:$0x1E000] =	vst v63  }
0x322: {  	s5 =	simm.s32 $0x2000;
	s7 =	simm.s32 $0xB400;
	s9 =	sadd.s32 $0x140, s26  }
0x323: {  	[hbm4b:s9+s12] =	stream.strided.scatter [tilespmem:s7], [sflag:$0x2], $0x400, s1, s12, $0x38;
	[tilespmem:$0x1E000] =	vst v63  }
0x324: {  	s6 =	sadd.s32 $0x1000, s26;
	s14 =	simm.s32 $0xB800;
	s15 =	sadd.s32 $0x180, s26  }
0x325: {  	[hbm4b:s15+s12] =	stream.strided.scatter [tilespmem:s14], [sflag:$0x2], $0x400, s1, s12, $0x38;
	[tilespmem:$0x1E000] =	vst v63  }
0x326: {  	s7 =	simm.s32 $0x10000;
	s9 =	simm.s32 $0xBC00;
	s14 =	sadd.s32 $0x1C0, s26  }
.LBB2_36:
0x327: {  	[hbm4b:s14+s12] =	stream.strided.scatter [tilespmem:s9], [sflag:$0x2], $0x400, s1, s12, $0x38;
	[tilespmem:$0x1E000] =	vst v63  }
0x328: {  	s9 =	smov.u32 s5;
	s5 =	smov.u32 s7  }
0x329: {  	s15 =	sadd.s32 $0x8000, s7;
	s5 =	sshra.s32 s5, $0x2;
	s14 =	sadd.s32 $0xA000, s9  }
0x32a: {  	[hbm4b:s6+s12] =	stream.strided.scatter [tilespmem:s14], [sflag:$0x2], $0x400, s1, s12, $0x38;
	[tilespmem:$0x1E000] =	vst v63  }
0x32b: {  	p0 =	sne.s32 s7, $0x20000;
	s7 =	sadd.s32 $0xA400, s9;
	s14 =	sadd.s32 $0x40, s6  }
0x32c: {  	[hbm4b:s14+s12] =	stream.strided.scatter [tilespmem:s7], [sflag:$0x2], $0x400, s1, s12, $0x38;
	[tilespmem:$0x1E000] =	vst v63  }
0x32d: {  	s7 =	sadd.s32 $0xA800, s9;
	s14 =	sadd.s32 $0x80, s6  }
0x32e: {  	[hbm4b:s14+s12] =	stream.strided.scatter [tilespmem:s7], [sflag:$0x2], $0x400, s1, s12, $0x38;
	[tilespmem:$0x1E000] =	vst v63  }
0x32f: {  	s7 =	sadd.s32 $0xAC00, s9;
	s14 =	sadd.s32 $0xC0, s6  }
0x330: {  	[hbm4b:s14+s12] =	stream.strided.scatter [tilespmem:s7], [sflag:$0x2], $0x400, s1, s12, $0x38;
	[tilespmem:$0x1E000] =	vst v63  }
0x331: {  	s7 =	sadd.s32 $0xB000, s9;
	s14 =	sadd.s32 $0x100, s6  }
0x332: {  	[hbm4b:s14+s12] =	stream.strided.scatter [tilespmem:s7], [sflag:$0x2], $0x400, s1, s12, $0x38;
	[tilespmem:$0x1E000] =	vst v63  }
.Ltmp17:
0x333: {  	s7 =	sadd.s32 $0xB400, s9;
	s14 =	sadd.s32 $0x140, s6;
	(pc) =	sbr.rel @p0 .LBB2_36-.Ltmp17, $4  }
0x334: {  	[hbm4b:s14+s12] =	stream.strided.scatter [tilespmem:s7], [sflag:$0x2], $0x400, s1, s12, $0x38;
	[tilespmem:$0x1E000] =	vst v63  }
0x335: {  	s7 =	sadd.s32 $0xB800, s9;
	s14 =	sadd.s32 $0x180, s6;
	s9 =	sadd.s32 $0xBC00, s9  }
0x336: {  	[hbm4b:s14+s12] =	stream.strided.scatter [tilespmem:s7], [sflag:$0x2], $0x400, s1, s12, $0x38;
	[tilespmem:$0x1E000] =	vst v63  }
0x337: {  	s14 =	sadd.s32 $0x1C0, s6;
	s6 =	sadd.s32 $0x1000, s6;
	s7 =	smov.u32 s15  }
0x338: {  	[hbm4b:s14+s12] =	stream.strided.scatter [tilespmem:s9], [sflag:$0x2], $0x400, s1, s12, $0x38;
	[tilespmem:$0x1E000] =	vst v63  }
0x339: {  	s7 =	sadd.s32 $0xA000, s5  }
0x33a: {  	[hbm4b:s6+s12] =	stream.strided.scatter [tilespmem:s7], [sflag:$0x2], $0x400, s1, s12, $0x38;
	[tilespmem:$0x1E000] =	vst v63  }
0x33b: {  	s14 =	sadd.s32 $0xA400, s5;
	s15 =	sadd.s32 $0x40, s6  }
0x33c: {  	[hbm4b:s15+s12] =	stream.strided.scatter [tilespmem:s14], [sflag:$0x2], $0x400, s1, s12, $0x38;
	[tilespmem:$0x1E000] =	vst v63  }
0x33d: {  	s14 =	sadd.s32 $0xA800, s5;
	s15 =	sadd.s32 $0x80, s6  }
0x33e: {  	[hbm4b:s15+s12] =	stream.strided.scatter [tilespmem:s14], [sflag:$0x2], $0x400, s1, s12, $0x38;
	[tilespmem:$0x1E000] =	vst v63  }
0x33f: {  	s14 =	sadd.s32 $0xAC00, s5;
	s15 =	sadd.s32 $0xC0, s6  }
0x340: {  	[hbm4b:s15+s12] =	stream.strided.scatter [tilespmem:s14], [sflag:$0x2], $0x400, s1, s12, $0x38;
	[tilespmem:$0x1E000] =	vst v63  }
0x341: {  	s14 =	sadd.s32 $0xB000, s5;
	s15 =	sadd.s32 $0x100, s6  }
0x342: {  	[hbm4b:s15+s12] =	stream.strided.scatter [tilespmem:s14], [sflag:$0x2], $0x400, s1, s12, $0x38;
	[tilespmem:$0x1E000] =	vst v63  }
0x343: {  	s14 =	sadd.s32 $0xB400, s5;
	s15 =	sadd.s32 $0x140, s6  }
0x344: {  	[hbm4b:s15+s12] =	stream.strided.scatter [tilespmem:s14], [sflag:$0x2], $0x400, s1, s12, $0x38;
	[tilespmem:$0x1E000] =	vst v63  }
0x345: {  	s14 =	sadd.s32 $0xB800, s5;
	s15 =	sadd.s32 $0x180, s6  }
0x346: {  	[hbm4b:s15+s12] =	stream.strided.scatter [tilespmem:s14], [sflag:$0x2], $0x400, s1, s12, $0x38;
	[tilespmem:$0x1E000] =	vst v63  }
0x347: {  	s14 =	sadd.s32 $0xBC00, s5;
	s15 =	sadd.s32 $0x1C0, s6  }
0x348: {  	[hbm4b:s15+s12] =	stream.strided.scatter [tilespmem:s14], [sflag:$0x2], $0x400, s1, s12, $0x38;
	[tilespmem:$0x1E000] =	vst v63  }
0x349: {  	s6 =	simm.s32 $0xA000  }
0x34a: {  	[hbm4b:s28+s12] =	stream.strided.scatter [tilespmem:s6], [sflag:$0x2], $0x400, s1, s12, $0x38;
	[tilespmem:$0x1E000] =	vst v63  }
0x34b: {  	s9 =	sadd.s32 $0x40, s28;
	s7 =	simm.s32 $0xA400  }
0x34c: {  	[hbm4b:s9+s12] =	stream.strided.scatter [tilespmem:s7], [sflag:$0x2], $0x400, s1, s12, $0x38;
	[tilespmem:$0x1E000] =	vst v63  }
0x34d: {  	s14 =	simm.s32 $0xA800;
	s15 =	sadd.s32 $0x80, s28  }
0x34e: {  	[hbm4b:s15+s12] =	stream.strided.scatter [tilespmem:s14], [sflag:$0x2], $0x400, s1, s12, $0x38;
	[tilespmem:$0x1E000] =	vst v63  }
0x34f: {  	s7 =	simm.s32 $0xAC00;
	s9 =	sadd.s32 $0xC0, s28  }
0x350: {  	[hbm4b:s9+s12] =	stream.strided.scatter [tilespmem:s7], [sflag:$0x2], $0x400, s1, s12, $0x38;
	[tilespmem:$0x1E000] =	vst v63  }
0x351: {  	s14 =	simm.s32 $0xB000;
	s15 =	sadd.s32 $0x100, s28  }
0x352: {  	[hbm4b:s15+s12] =	stream.strided.scatter [tilespmem:s14], [sflag:$0x2], $0x400, s1, s12, $0x38;
	[tilespmem:$0x1E000] =	vst v63  }
0x353: {  	s5 =	simm.s32 $0x2000;
	s7 =	simm.s32 $0xB400;
	s9 =	sadd.s32 $0x140, s28  }
0x354: {  	[hbm4b:s9+s12] =	stream.strided.scatter [tilespmem:s7], [sflag:$0x2], $0x400, s1, s12, $0x38;
	[tilespmem:$0x1E000] =	vst v63  }
0x355: {  	s6 =	sadd.s32 $0x1000, s28;
	s14 =	simm.s32 $0xB800;
	s15 =	sadd.s32 $0x180, s28  }
0x356: {  	[hbm4b:s15+s12] =	stream.strided.scatter [tilespmem:s14], [sflag:$0x2], $0x400, s1, s12, $0x38;
	[tilespmem:$0x1E000] =	vst v63  }
0x357: {  	s7 =	simm.s32 $0x10000;
	s9 =	simm.s32 $0xBC00;
	s14 =	sadd.s32 $0x1C0, s28  }
.LBB2_38:
0x358: {  	[hbm4b:s14+s12] =	stream.strided.scatter [tilespmem:s9], [sflag:$0x2], $0x400, s1, s12, $0x38;
	[tilespmem:$0x1E000] =	vst v63  }
0x359: {  	s9 =	smov.u32 s5;
	s5 =	smov.u32 s7  }
0x35a: {  	s15 =	sadd.s32 $0x8000, s7;
	s5 =	sshra.s32 s5, $0x2;
	s14 =	sadd.s32 $0xA000, s9  }
0x35b: {  	[hbm4b:s6+s12] =	stream.strided.scatter [tilespmem:s14], [sflag:$0x2], $0x400, s1, s12, $0x38;
	[tilespmem:$0x1E000] =	vst v63  }
0x35c: {  	p0 =	sne.s32 s7, $0x20000;
	s7 =	sadd.s32 $0xA400, s9;
	s14 =	sadd.s32 $0x40, s6  }
0x35d: {  	[hbm4b:s14+s12] =	stream.strided.scatter [tilespmem:s7], [sflag:$0x2], $0x400, s1, s12, $0x38;
	[tilespmem:$0x1E000] =	vst v63  }
0x35e: {  	s7 =	sadd.s32 $0xA800, s9;
	s14 =	sadd.s32 $0x80, s6  }
0x35f: {  	[hbm4b:s14+s12] =	stream.strided.scatter [tilespmem:s7], [sflag:$0x2], $0x400, s1, s12, $0x38;
	[tilespmem:$0x1E000] =	vst v63  }
0x360: {  	s7 =	sadd.s32 $0xAC00, s9;
	s14 =	sadd.s32 $0xC0, s6  }
0x361: {  	[hbm4b:s14+s12] =	stream.strided.scatter [tilespmem:s7], [sflag:$0x2], $0x400, s1, s12, $0x38;
	[tilespmem:$0x1E000] =	vst v63  }
0x362: {  	s7 =	sadd.s32 $0xB000, s9;
	s14 =	sadd.s32 $0x100, s6  }
0x363: {  	[hbm4b:s14+s12] =	stream.strided.scatter [tilespmem:s7], [sflag:$0x2], $0x400, s1, s12, $0x38;
	[tilespmem:$0x1E000] =	vst v63  }
.Ltmp18:
0x364: {  	s7 =	sadd.s32 $0xB400, s9;
	s14 =	sadd.s32 $0x140, s6;
	(pc) =	sbr.rel @p0 .LBB2_38-.Ltmp18, $4  }
0x365: {  	[hbm4b:s14+s12] =	stream.strided.scatter [tilespmem:s7], [sflag:$0x2], $0x400, s1, s12, $0x38;
	[tilespmem:$0x1E000] =	vst v63  }
0x366: {  	s7 =	sadd.s32 $0xB800, s9;
	s14 =	sadd.s32 $0x180, s6;
	s9 =	sadd.s32 $0xBC00, s9  }
0x367: {  	[hbm4b:s14+s12] =	stream.strided.scatter [tilespmem:s7], [sflag:$0x2], $0x400, s1, s12, $0x38;
	[tilespmem:$0x1E000] =	vst v63  }
0x368: {  	s14 =	sadd.s32 $0x1C0, s6;
	s6 =	sadd.s32 $0x1000, s6;
	s7 =	smov.u32 s15  }
0x369: {  	[hbm4b:s14+s12] =	stream.strided.scatter [tilespmem:s9], [sflag:$0x2], $0x400, s1, s12, $0x38;
	[tilespmem:$0x1E000] =	vst v63  }
0x36a: {  	s7 =	sadd.s32 $0xA000, s5  }
0x36b: {  	[hbm4b:s6+s12] =	stream.strided.scatter [tilespmem:s7], [sflag:$0x2], $0x400, s1, s12, $0x38;
	[tilespmem:$0x1E000] =	vst v63  }
0x36c: {  	s14 =	sadd.s32 $0xA400, s5;
	s15 =	sadd.s32 $0x40, s6  }
0x36d: {  	[hbm4b:s15+s12] =	stream.strided.scatter [tilespmem:s14], [sflag:$0x2], $0x400, s1, s12, $0x38;
	[tilespmem:$0x1E000] =	vst v63  }
0x36e: {  	s14 =	sadd.s32 $0xA800, s5;
	s15 =	sadd.s32 $0x80, s6  }
0x36f: {  	[hbm4b:s15+s12] =	stream.strided.scatter [tilespmem:s14], [sflag:$0x2], $0x400, s1, s12, $0x38;
	[tilespmem:$0x1E000] =	vst v63  }
0x370: {  	s14 =	sadd.s32 $0xAC00, s5;
	s15 =	sadd.s32 $0xC0, s6  }
0x371: {  	[hbm4b:s15+s12] =	stream.strided.scatter [tilespmem:s14], [sflag:$0x2], $0x400, s1, s12, $0x38;
	[tilespmem:$0x1E000] =	vst v63  }
0x372: {  	s14 =	sadd.s32 $0xB000, s5;
	s15 =	sadd.s32 $0x100, s6  }
0x373: {  	[hbm4b:s15+s12] =	stream.strided.scatter [tilespmem:s14], [sflag:$0x2], $0x400, s1, s12, $0x38;
	[tilespmem:$0x1E000] =	vst v63  }
0x374: {  	s14 =	sadd.s32 $0xB400, s5;
	s15 =	sadd.s32 $0x140, s6  }
0x375: {  	[hbm4b:s15+s12] =	stream.strided.scatter [tilespmem:s14], [sflag:$0x2], $0x400, s1, s12, $0x38;
	[tilespmem:$0x1E000] =	vst v63  }
0x376: {  	s14 =	sadd.s32 $0xB800, s5;
	s15 =	sadd.s32 $0x180, s6  }
0x377: {  	[hbm4b:s15+s12] =	stream.strided.scatter [tilespmem:s14], [sflag:$0x2], $0x400, s1, s12, $0x38;
	[tilespmem:$0x1E000] =	vst v63  }
0x378: {  	s14 =	sadd.s32 $0xBC00, s5;
	s15 =	sadd.s32 $0x1C0, s6  }
0x379: {  	[hbm4b:s15+s12] =	stream.strided.scatter [tilespmem:s14], [sflag:$0x2], $0x400, s1, s12, $0x38;
	[tilespmem:$0x1E000] =	vst v63  }
0x37a: {  	s6 =	simm.s32 $0xA000  }
0x37b: {  	[hbm4b:s29+s12] =	stream.strided.scatter [tilespmem:s6], [sflag:$0x2], $0x400, s1, s12, $0x38;
	[tilespmem:$0x1E000] =	vst v63  }
0x37c: {  	s9 =	sadd.s32 $0x40, s29;
	s7 =	simm.s32 $0xA400  }
0x37d: {  	[hbm4b:s9+s12] =	stream.strided.scatter [tilespmem:s7], [sflag:$0x2], $0x400, s1, s12, $0x38;
	[tilespmem:$0x1E000] =	vst v63  }
0x37e: {  	s14 =	simm.s32 $0xA800;
	s15 =	sadd.s32 $0x80, s29  }
0x37f: {  	[hbm4b:s15+s12] =	stream.strided.scatter [tilespmem:s14], [sflag:$0x2], $0x400, s1, s12, $0x38;
	[tilespmem:$0x1E000] =	vst v63  }
0x380: {  	s7 =	simm.s32 $0xAC00;
	s9 =	sadd.s32 $0xC0, s29  }
0x381: {  	[hbm4b:s9+s12] =	stream.strided.scatter [tilespmem:s7], [sflag:$0x2], $0x400, s1, s12, $0x38;
	[tilespmem:$0x1E000] =	vst v63  }
0x382: {  	s14 =	simm.s32 $0xB000;
	s15 =	sadd.s32 $0x100, s29  }
0x383: {  	[hbm4b:s15+s12] =	stream.strided.scatter [tilespmem:s14], [sflag:$0x2], $0x400, s1, s12, $0x38;
	[tilespmem:$0x1E000] =	vst v63  }
0x384: {  	s5 =	simm.s32 $0x2000;
	s7 =	simm.s32 $0xB400;
	s9 =	sadd.s32 $0x140, s29  }
0x385: {  	[hbm4b:s9+s12] =	stream.strided.scatter [tilespmem:s7], [sflag:$0x2], $0x400, s1, s12, $0x38;
	[tilespmem:$0x1E000] =	vst v63  }
0x386: {  	s6 =	sadd.s32 $0x1000, s29;
	s14 =	simm.s32 $0xB800;
	s15 =	sadd.s32 $0x180, s29  }
0x387: {  	[hbm4b:s15+s12] =	stream.strided.scatter [tilespmem:s14], [sflag:$0x2], $0x400, s1, s12, $0x38;
	[tilespmem:$0x1E000] =	vst v63  }
0x388: {  	s7 =	simm.s32 $0x10000;
	s9 =	simm.s32 $0xBC00;
	s14 =	sadd.s32 $0x1C0, s29  }
.LBB2_40:
0x389: {  	[hbm4b:s14+s12] =	stream.strided.scatter [tilespmem:s9], [sflag:$0x2], $0x400, s1, s12, $0x38;
	[tilespmem:$0x1E000] =	vst v63  }
0x38a: {  	s9 =	smov.u32 s5;
	s5 =	smov.u32 s7  }
0x38b: {  	s15 =	sadd.s32 $0x8000, s7;
	s5 =	sshra.s32 s5, $0x2;
	s14 =	sadd.s32 $0xA000, s9  }
0x38c: {  	[hbm4b:s6+s12] =	stream.strided.scatter [tilespmem:s14], [sflag:$0x2], $0x400, s1, s12, $0x38;
	[tilespmem:$0x1E000] =	vst v63  }
0x38d: {  	p0 =	sne.s32 s7, $0x20000;
	s7 =	sadd.s32 $0xA400, s9;
	s14 =	sadd.s32 $0x40, s6  }
0x38e: {  	[hbm4b:s14+s12] =	stream.strided.scatter [tilespmem:s7], [sflag:$0x2], $0x400, s1, s12, $0x38;
	[tilespmem:$0x1E000] =	vst v63  }
0x38f: {  	s7 =	sadd.s32 $0xA800, s9;
	s14 =	sadd.s32 $0x80, s6  }
0x390: {  	[hbm4b:s14+s12] =	stream.strided.scatter [tilespmem:s7], [sflag:$0x2], $0x400, s1, s12, $0x38;
	[tilespmem:$0x1E000] =	vst v63  }
0x391: {  	s7 =	sadd.s32 $0xAC00, s9;
	s14 =	sadd.s32 $0xC0, s6  }
0x392: {  	[hbm4b:s14+s12] =	stream.strided.scatter [tilespmem:s7], [sflag:$0x2], $0x400, s1, s12, $0x38;
	[tilespmem:$0x1E000] =	vst v63  }
0x393: {  	s7 =	sadd.s32 $0xB000, s9;
	s14 =	sadd.s32 $0x100, s6  }
0x394: {  	[hbm4b:s14+s12] =	stream.strided.scatter [tilespmem:s7], [sflag:$0x2], $0x400, s1, s12, $0x38;
	[tilespmem:$0x1E000] =	vst v63  }
.Ltmp19:
0x395: {  	s7 =	sadd.s32 $0xB400, s9;
	s14 =	sadd.s32 $0x140, s6;
	(pc) =	sbr.rel @p0 .LBB2_40-.Ltmp19, $4  }
0x396: {  	[hbm4b:s14+s12] =	stream.strided.scatter [tilespmem:s7], [sflag:$0x2], $0x400, s1, s12, $0x38;
	[tilespmem:$0x1E000] =	vst v63  }
0x397: {  	s7 =	sadd.s32 $0xB800, s9;
	s14 =	sadd.s32 $0x180, s6;
	s9 =	sadd.s32 $0xBC00, s9  }
0x398: {  	[hbm4b:s14+s12] =	stream.strided.scatter [tilespmem:s7], [sflag:$0x2], $0x400, s1, s12, $0x38;
	[tilespmem:$0x1E000] =	vst v63  }
0x399: {  	s14 =	sadd.s32 $0x1C0, s6;
	s6 =	sadd.s32 $0x1000, s6;
	s7 =	smov.u32 s15  }
0x39a: {  	[hbm4b:s14+s12] =	stream.strided.scatter [tilespmem:s9], [sflag:$0x2], $0x400, s1, s12, $0x38;
	[tilespmem:$0x1E000] =	vst v63  }
0x39b: {  	s7 =	sadd.s32 $0xA000, s5  }
0x39c: {  	[hbm4b:s6+s12] =	stream.strided.scatter [tilespmem:s7], [sflag:$0x2], $0x400, s1, s12, $0x38;
	[tilespmem:$0x1E000] =	vst v63  }
0x39d: {  	s14 =	sadd.s32 $0xA400, s5;
	s15 =	sadd.s32 $0x40, s6  }
0x39e: {  	[hbm4b:s15+s12] =	stream.strided.scatter [tilespmem:s14], [sflag:$0x2], $0x400, s1, s12, $0x38;
	[tilespmem:$0x1E000] =	vst v63  }
0x39f: {  	s14 =	sadd.s32 $0xA800, s5;
	s15 =	sadd.s32 $0x80, s6  }
0x3a0: {  	[hbm4b:s15+s12] =	stream.strided.scatter [tilespmem:s14], [sflag:$0x2], $0x400, s1, s12, $0x38;
	[tilespmem:$0x1E000] =	vst v63  }
0x3a1: {  	s14 =	sadd.s32 $0xAC00, s5;
	s15 =	sadd.s32 $0xC0, s6  }
0x3a2: {  	[hbm4b:s15+s12] =	stream.strided.scatter [tilespmem:s14], [sflag:$0x2], $0x400, s1, s12, $0x38;
	[tilespmem:$0x1E000] =	vst v63  }
0x3a3: {  	s14 =	sadd.s32 $0xB000, s5;
	s15 =	sadd.s32 $0x100, s6  }
0x3a4: {  	[hbm4b:s15+s12] =	stream.strided.scatter [tilespmem:s14], [sflag:$0x2], $0x400, s1, s12, $0x38;
	[tilespmem:$0x1E000] =	vst v63  }
0x3a5: {  	s14 =	sadd.s32 $0xB400, s5;
	s15 =	sadd.s32 $0x140, s6  }
0x3a6: {  	[hbm4b:s15+s12] =	stream.strided.scatter [tilespmem:s14], [sflag:$0x2], $0x400, s1, s12, $0x38;
	[tilespmem:$0x1E000] =	vst v63  }
0x3a7: {  	s14 =	sadd.s32 $0xB800, s5;
	s15 =	sadd.s32 $0x180, s6  }
0x3a8: {  	[hbm4b:s15+s12] =	stream.strided.scatter [tilespmem:s14], [sflag:$0x2], $0x400, s1, s12, $0x38;
	[tilespmem:$0x1E000] =	vst v63  }
0x3a9: {  	s9 =	sadd.s32 $0x1C0, s6;
	s7 =	sadd.s32 $0xBC00, s5  }
0x3aa: {  	[hbm4b:s9+s12] =	stream.strided.scatter [tilespmem:s7], [sflag:$0x2], $0x400, s1, s12, $0x38;
	[tilespmem:$0x1E000] =	vst v63  }
0x3ab: {  	_ =	swait.ge [sflag:s4], $0xA000  }
0x3ac: {  	[sflag:s4] =	ssyncset.done $0x0  }
0x3ad: {  	[sflag:s4] =	ssyncadd.s32 $0xFFFF6000  }
0x3ae: {  	_ =	swait.ge [sflag:s4], $0xA000  }
0x3af: {  	[sflag:s4] =	ssyncset.done $0x0  }
0x3b0: {  	[sflag:s4] =	ssyncadd.s32 $0xFFFF6000  }
0x3b1: {  	_ =	swait.ge [sflag:s4], $0xA000  }
0x3b2: {  	[sflag:s4] =	ssyncset.done $0x0  }
0x3b3: {  	[sflag:s4] =	ssyncadd.s32 $0xFFFF6000  }
0x3b4: {  	_ =	swait.ge [sflag:s4], $0xA000  }
0x3b5: {  	[sflag:s4] =	ssyncset.done $0x0  }
0x3b6: {  	s14 =	simm.s32 $0x0;
	s15 =	rddreg [dreg:$0xe];
	[sflag:s4] =	ssyncadd.s32 $0xFFFF6000  }
0x3b7: {  	[tilespmem:s14], [sflag:$0x1] =	stream.linear.gather [hbm4b:s15+s14], $0x4000, $0x38;
	[tilespmem:$0x1E000] =	vst v63  }
0x3b8: {  	_ =	swait.ge [sflag:s13], $0xA000  }
0x3b9: {  	[sflag:s13] =	ssyncset.done $0x0  }
0x3ba: {  	s6 =	simm.s32 $0x14000;
	[sflag:s13] =	ssyncadd.s32 $0xFFFF6000  }
0x3bb: {  	[hbm4b:s30+s12] =	stream.strided.scatter [tilespmem:s6], [sflag:$0x2], $0x400, s1, s12, $0x38;
	[tilespmem:$0x1E000] =	vst v63  }
0x3bc: {  	s7 =	simm.s32 $0x14400;
	s9 =	sadd.s32 $0x40, s30  }
0x3bd: {  	[hbm4b:s9+s12] =	stream.strided.scatter [tilespmem:s7], [sflag:$0x2], $0x400, s1, s12, $0x38;
	[tilespmem:$0x1E000] =	vst v63  }
0x3be: {  	s14 =	simm.s32 $0x14800;
	s15 =	sadd.s32 $0x80, s30  }
0x3bf: {  	[hbm4b:s15+s12] =	stream.strided.scatter [tilespmem:s14], [sflag:$0x2], $0x400, s1, s12, $0x38;
	[tilespmem:$0x1E000] =	vst v63  }
0x3c0: {  	s7 =	simm.s32 $0x14C00;
	s9 =	sadd.s32 $0xC0, s30  }
0x3c1: {  	[hbm4b:s9+s12] =	stream.strided.scatter [tilespmem:s7], [sflag:$0x2], $0x400, s1, s12, $0x38;
	[tilespmem:$0x1E000] =	vst v63  }
0x3c2: {  	s14 =	simm.s32 $0x15000;
	s15 =	sadd.s32 $0x100, s30  }
0x3c3: {  	[hbm4b:s15+s12] =	stream.strided.scatter [tilespmem:s14], [sflag:$0x2], $0x400, s1, s12, $0x38;
	[tilespmem:$0x1E000] =	vst v63  }
0x3c4: {  	s5 =	simm.s32 $0x2000;
	s7 =	simm.s32 $0x15400;
	s9 =	sadd.s32 $0x140, s30  }
0x3c5: {  	[hbm4b:s9+s12] =	stream.strided.scatter [tilespmem:s7], [sflag:$0x2], $0x400, s1, s12, $0x38;
	[tilespmem:$0x1E000] =	vst v63  }
0x3c6: {  	s6 =	sadd.s32 $0x1000, s30;
	s14 =	simm.s32 $0x15800;
	s15 =	sadd.s32 $0x180, s30  }
0x3c7: {  	[hbm4b:s15+s12] =	stream.strided.scatter [tilespmem:s14], [sflag:$0x2], $0x400, s1, s12, $0x38;
	[tilespmem:$0x1E000] =	vst v63  }
0x3c8: {  	s7 =	simm.s32 $0x10000;
	s9 =	simm.s32 $0x15C00;
	s14 =	sadd.s32 $0x1C0, s30  }
.LBB2_42:
0x3c9: {  	[hbm4b:s14+s12] =	stream.strided.scatter [tilespmem:s9], [sflag:$0x2], $0x400, s1, s12, $0x38;
	[tilespmem:$0x1E000] =	vst v63  }
0x3ca: {  	s9 =	smov.u32 s5;
	s5 =	smov.u32 s7  }
0x3cb: {  	s15 =	sadd.s32 $0x8000, s7;
	s5 =	sshra.s32 s5, $0x2;
	s14 =	sadd.s32 $0x14000, s9  }
0x3cc: {  	[hbm4b:s6+s12] =	stream.strided.scatter [tilespmem:s14], [sflag:$0x2], $0x400, s1, s12, $0x38;
	[tilespmem:$0x1E000] =	vst v63  }
0x3cd: {  	p0 =	sne.s32 s7, $0x20000;
	s7 =	sadd.s32 $0x14400, s9;
	s14 =	sadd.s32 $0x40, s6  }
0x3ce: {  	[hbm4b:s14+s12] =	stream.strided.scatter [tilespmem:s7], [sflag:$0x2], $0x400, s1, s12, $0x38;
	[tilespmem:$0x1E000] =	vst v63  }
0x3cf: {  	s7 =	sadd.s32 $0x14800, s9;
	s14 =	sadd.s32 $0x80, s6  }
0x3d0: {  	[hbm4b:s14+s12] =	stream.strided.scatter [tilespmem:s7], [sflag:$0x2], $0x400, s1, s12, $0x38;
	[tilespmem:$0x1E000] =	vst v63  }
0x3d1: {  	s7 =	sadd.s32 $0x14C00, s9;
	s14 =	sadd.s32 $0xC0, s6  }
0x3d2: {  	[hbm4b:s14+s12] =	stream.strided.scatter [tilespmem:s7], [sflag:$0x2], $0x400, s1, s12, $0x38;
	[tilespmem:$0x1E000] =	vst v63  }
0x3d3: {  	s7 =	sadd.s32 $0x15000, s9;
	s14 =	sadd.s32 $0x100, s6  }
0x3d4: {  	[hbm4b:s14+s12] =	stream.strided.scatter [tilespmem:s7], [sflag:$0x2], $0x400, s1, s12, $0x38;
	[tilespmem:$0x1E000] =	vst v63  }
.Ltmp20:
0x3d5: {  	s7 =	sadd.s32 $0x15400, s9;
	s14 =	sadd.s32 $0x140, s6;
	(pc) =	sbr.rel @p0 .LBB2_42-.Ltmp20, $4  }
0x3d6: {  	[hbm4b:s14+s12] =	stream.strided.scatter [tilespmem:s7], [sflag:$0x2], $0x400, s1, s12, $0x38;
	[tilespmem:$0x1E000] =	vst v63  }
0x3d7: {  	s7 =	sadd.s32 $0x15800, s9;
	s14 =	sadd.s32 $0x180, s6;
	s9 =	sadd.s32 $0x15C00, s9  }
0x3d8: {  	[hbm4b:s14+s12] =	stream.strided.scatter [tilespmem:s7], [sflag:$0x2], $0x400, s1, s12, $0x38;
	[tilespmem:$0x1E000] =	vst v63  }
0x3d9: {  	s14 =	sadd.s32 $0x1C0, s6;
	s6 =	sadd.s32 $0x1000, s6;
	s7 =	smov.u32 s15  }
0x3da: {  	[hbm4b:s14+s12] =	stream.strided.scatter [tilespmem:s9], [sflag:$0x2], $0x400, s1, s12, $0x38;
	[tilespmem:$0x1E000] =	vst v63  }
0x3db: {  	s7 =	sadd.s32 $0x14000, s5  }
0x3dc: {  	[hbm4b:s6+s12] =	stream.strided.scatter [tilespmem:s7], [sflag:$0x2], $0x400, s1, s12, $0x38;
	[tilespmem:$0x1E000] =	vst v63  }
0x3dd: {  	s14 =	sadd.s32 $0x14400, s5;
	s15 =	sadd.s32 $0x40, s6  }
0x3de: {  	[hbm4b:s15+s12] =	stream.strided.scatter [tilespmem:s14], [sflag:$0x2], $0x400, s1, s12, $0x38;
	[tilespmem:$0x1E000] =	vst v63  }
0x3df: {  	s14 =	sadd.s32 $0x14800, s5;
	s15 =	sadd.s32 $0x80, s6  }
0x3e0: {  	[hbm4b:s15+s12] =	stream.strided.scatter [tilespmem:s14], [sflag:$0x2], $0x400, s1, s12, $0x38;
	[tilespmem:$0x1E000] =	vst v63  }
0x3e1: {  	s14 =	sadd.s32 $0x14C00, s5;
	s15 =	sadd.s32 $0xC0, s6  }
0x3e2: {  	[hbm4b:s15+s12] =	stream.strided.scatter [tilespmem:s14], [sflag:$0x2], $0x400, s1, s12, $0x38;
	[tilespmem:$0x1E000] =	vst v63  }
0x3e3: {  	s14 =	sadd.s32 $0x15000, s5;
	s15 =	sadd.s32 $0x100, s6  }
0x3e4: {  	[hbm4b:s15+s12] =	stream.strided.scatter [tilespmem:s14], [sflag:$0x2], $0x400, s1, s12, $0x38;
	[tilespmem:$0x1E000] =	vst v63  }
0x3e5: {  	s14 =	sadd.s32 $0x15400, s5;
	s15 =	sadd.s32 $0x140, s6  }
0x3e6: {  	[hbm4b:s15+s12] =	stream.strided.scatter [tilespmem:s14], [sflag:$0x2], $0x400, s1, s12, $0x38;
	[tilespmem:$0x1E000] =	vst v63  }
0x3e7: {  	s14 =	sadd.s32 $0x15800, s5;
	s15 =	sadd.s32 $0x180, s6  }
0x3e8: {  	[hbm4b:s15+s12] =	stream.strided.scatter [tilespmem:s14], [sflag:$0x2], $0x400, s1, s12, $0x38;
	[tilespmem:$0x1E000] =	vst v63  }
0x3e9: {  	s14 =	sadd.s32 $0x15C00, s5;
	s15 =	sadd.s32 $0x1C0, s6  }
0x3ea: {  	[hbm4b:s15+s12] =	stream.strided.scatter [tilespmem:s14], [sflag:$0x2], $0x400, s1, s12, $0x38;
	[tilespmem:$0x1E000] =	vst v63  }
0x3eb: {  	s6 =	simm.s32 $0x14000  }
0x3ec: {  	[hbm4b:s31+s12] =	stream.strided.scatter [tilespmem:s6], [sflag:$0x2], $0x400, s1, s12, $0x38;
	[tilespmem:$0x1E000] =	vst v63  }
0x3ed: {  	s9 =	sadd.s32 $0x40, s31;
	s7 =	simm.s32 $0x14400  }
0x3ee: {  	[hbm4b:s9+s12] =	stream.strided.scatter [tilespmem:s7], [sflag:$0x2], $0x400, s1, s12, $0x38;
	[tilespmem:$0x1E000] =	vst v63  }
0x3ef: {  	s14 =	simm.s32 $0x14800;
	s15 =	sadd.s32 $0x80, s31  }
0x3f0: {  	[hbm4b:s15+s12] =	stream.strided.scatter [tilespmem:s14], [sflag:$0x2], $0x400, s1, s12, $0x38;
	[tilespmem:$0x1E000] =	vst v63  }
0x3f1: {  	s7 =	simm.s32 $0x14C00;
	s9 =	sadd.s32 $0xC0, s31  }
0x3f2: {  	[hbm4b:s9+s12] =	stream.strided.scatter [tilespmem:s7], [sflag:$0x2], $0x400, s1, s12, $0x38;
	[tilespmem:$0x1E000] =	vst v63  }
0x3f3: {  	s14 =	simm.s32 $0x15000;
	s15 =	sadd.s32 $0x100, s31  }
0x3f4: {  	[hbm4b:s15+s12] =	stream.strided.scatter [tilespmem:s14], [sflag:$0x2], $0x400, s1, s12, $0x38;
	[tilespmem:$0x1E000] =	vst v63  }
0x3f5: {  	s5 =	simm.s32 $0x2000;
	s7 =	simm.s32 $0x15400;
	s9 =	sadd.s32 $0x140, s31  }
0x3f6: {  	[hbm4b:s9+s12] =	stream.strided.scatter [tilespmem:s7], [sflag:$0x2], $0x400, s1, s12, $0x38;
	[tilespmem:$0x1E000] =	vst v63  }
0x3f7: {  	s6 =	sadd.s32 $0x1000, s31;
	s14 =	simm.s32 $0x15800;
	s15 =	sadd.s32 $0x180, s31  }
0x3f8: {  	[hbm4b:s15+s12] =	stream.strided.scatter [tilespmem:s14], [sflag:$0x2], $0x400, s1, s12, $0x38;
	[tilespmem:$0x1E000] =	vst v63  }
0x3f9: {  	s7 =	simm.s32 $0x10000;
	s9 =	simm.s32 $0x15C00;
	s14 =	sadd.s32 $0x1C0, s31  }
.LBB2_44:
0x3fa: {  	[hbm4b:s14+s12] =	stream.strided.scatter [tilespmem:s9], [sflag:$0x2], $0x400, s1, s12, $0x38;
	[tilespmem:$0x1E000] =	vst v63  }
0x3fb: {  	s9 =	smov.u32 s5;
	s5 =	smov.u32 s7  }
0x3fc: {  	s15 =	sadd.s32 $0x8000, s7;
	s5 =	sshra.s32 s5, $0x2;
	s14 =	sadd.s32 $0x14000, s9  }
0x3fd: {  	[hbm4b:s6+s12] =	stream.strided.scatter [tilespmem:s14], [sflag:$0x2], $0x400, s1, s12, $0x38;
	[tilespmem:$0x1E000] =	vst v63  }
0x3fe: {  	p0 =	sne.s32 s7, $0x20000;
	s7 =	sadd.s32 $0x14400, s9;
	s14 =	sadd.s32 $0x40, s6  }
0x3ff: {  	[hbm4b:s14+s12] =	stream.strided.scatter [tilespmem:s7], [sflag:$0x2], $0x400, s1, s12, $0x38;
	[tilespmem:$0x1E000] =	vst v63  }
0x400: {  	s7 =	sadd.s32 $0x14800, s9;
	s14 =	sadd.s32 $0x80, s6  }
0x401: {  	[hbm4b:s14+s12] =	stream.strided.scatter [tilespmem:s7], [sflag:$0x2], $0x400, s1, s12, $0x38;
	[tilespmem:$0x1E000] =	vst v63  }
0x402: {  	s7 =	sadd.s32 $0x14C00, s9;
	s14 =	sadd.s32 $0xC0, s6  }
0x403: {  	[hbm4b:s14+s12] =	stream.strided.scatter [tilespmem:s7], [sflag:$0x2], $0x400, s1, s12, $0x38;
	[tilespmem:$0x1E000] =	vst v63  }
0x404: {  	s7 =	sadd.s32 $0x15000, s9;
	s14 =	sadd.s32 $0x100, s6  }
0x405: {  	[hbm4b:s14+s12] =	stream.strided.scatter [tilespmem:s7], [sflag:$0x2], $0x400, s1, s12, $0x38;
	[tilespmem:$0x1E000] =	vst v63  }
.Ltmp21:
0x406: {  	s7 =	sadd.s32 $0x15400, s9;
	s14 =	sadd.s32 $0x140, s6;
	(pc) =	sbr.rel @p0 .LBB2_44-.Ltmp21, $4  }
0x407: {  	[hbm4b:s14+s12] =	stream.strided.scatter [tilespmem:s7], [sflag:$0x2], $0x400, s1, s12, $0x38;
	[tilespmem:$0x1E000] =	vst v63  }
0x408: {  	s7 =	sadd.s32 $0x15800, s9;
	s14 =	sadd.s32 $0x180, s6;
	s9 =	sadd.s32 $0x15C00, s9  }
0x409: {  	[hbm4b:s14+s12] =	stream.strided.scatter [tilespmem:s7], [sflag:$0x2], $0x400, s1, s12, $0x38;
	[tilespmem:$0x1E000] =	vst v63  }
0x40a: {  	s14 =	sadd.s32 $0x1C0, s6;
	s6 =	sadd.s32 $0x1000, s6;
	s7 =	smov.u32 s15  }
0x40b: {  	[hbm4b:s14+s12] =	stream.strided.scatter [tilespmem:s9], [sflag:$0x2], $0x400, s1, s12, $0x38;
	[tilespmem:$0x1E000] =	vst v63  }
0x40c: {  	s7 =	sadd.s32 $0x14000, s5  }
0x40d: {  	[hbm4b:s6+s12] =	stream.strided.scatter [tilespmem:s7], [sflag:$0x2], $0x400, s1, s12, $0x38;
	[tilespmem:$0x1E000] =	vst v63  }
0x40e: {  	s14 =	sadd.s32 $0x14400, s5;
	s15 =	sadd.s32 $0x40, s6  }
0x40f: {  	[hbm4b:s15+s12] =	stream.strided.scatter [tilespmem:s14], [sflag:$0x2], $0x400, s1, s12, $0x38;
	[tilespmem:$0x1E000] =	vst v63  }
0x410: {  	s14 =	sadd.s32 $0x14800, s5;
	s15 =	sadd.s32 $0x80, s6  }
0x411: {  	[hbm4b:s15+s12] =	stream.strided.scatter [tilespmem:s14], [sflag:$0x2], $0x400, s1, s12, $0x38;
	[tilespmem:$0x1E000] =	vst v63  }
0x412: {  	s14 =	sadd.s32 $0x14C00, s5;
	s15 =	sadd.s32 $0xC0, s6  }
0x413: {  	[hbm4b:s15+s12] =	stream.strided.scatter [tilespmem:s14], [sflag:$0x2], $0x400, s1, s12, $0x38;
	[tilespmem:$0x1E000] =	vst v63  }
0x414: {  	s14 =	sadd.s32 $0x15000, s5;
	s15 =	sadd.s32 $0x100, s6  }
0x415: {  	[hbm4b:s15+s12] =	stream.strided.scatter [tilespmem:s14], [sflag:$0x2], $0x400, s1, s12, $0x38;
	[tilespmem:$0x1E000] =	vst v63  }
0x416: {  	s14 =	sadd.s32 $0x15400, s5;
	s15 =	sadd.s32 $0x140, s6  }
0x417: {  	[hbm4b:s15+s12] =	stream.strided.scatter [tilespmem:s14], [sflag:$0x2], $0x400, s1, s12, $0x38;
	[tilespmem:$0x1E000] =	vst v63  }
0x418: {  	s14 =	sadd.s32 $0x15800, s5;
	s15 =	sadd.s32 $0x180, s6  }
0x419: {  	[hbm4b:s15+s12] =	stream.strided.scatter [tilespmem:s14], [sflag:$0x2], $0x400, s1, s12, $0x38;
	[tilespmem:$0x1E000] =	vst v63  }
0x41a: {  	s14 =	sadd.s32 $0x15C00, s5;
	s15 =	sadd.s32 $0x1C0, s6  }
0x41b: {  	[hbm4b:s15+s12] =	stream.strided.scatter [tilespmem:s14], [sflag:$0x2], $0x400, s1, s12, $0x38;
	[tilespmem:$0x1E000] =	vst v63  }
0x41c: {  	s6 =	simm.s32 $0x14000  }
0x41d: {  	[hbm4b:s0+s12] =	stream.strided.scatter [tilespmem:s6], [sflag:$0x2], $0x400, s1, s12, $0x38;
	[tilespmem:$0x1E000] =	vst v63  }
0x41e: {  	s9 =	sadd.s32 $0x40, s0;
	s7 =	simm.s32 $0x14400  }
0x41f: {  	[hbm4b:s9+s12] =	stream.strided.scatter [tilespmem:s7], [sflag:$0x2], $0x400, s1, s12, $0x38;
	[tilespmem:$0x1E000] =	vst v63  }
0x420: {  	s14 =	simm.s32 $0x14800;
	s15 =	sadd.s32 $0x80, s0  }
0x421: {  	[hbm4b:s15+s12] =	stream.strided.scatter [tilespmem:s14], [sflag:$0x2], $0x400, s1, s12, $0x38;
	[tilespmem:$0x1E000] =	vst v63  }
0x422: {  	s7 =	simm.s32 $0x14C00;
	s9 =	sadd.s32 $0xC0, s0  }
0x423: {  	[hbm4b:s9+s12] =	stream.strided.scatter [tilespmem:s7], [sflag:$0x2], $0x400, s1, s12, $0x38;
	[tilespmem:$0x1E000] =	vst v63  }
0x424: {  	s14 =	simm.s32 $0x15000;
	s15 =	sadd.s32 $0x100, s0  }
0x425: {  	[hbm4b:s15+s12] =	stream.strided.scatter [tilespmem:s14], [sflag:$0x2], $0x400, s1, s12, $0x38;
	[tilespmem:$0x1E000] =	vst v63  }
0x426: {  	s5 =	simm.s32 $0x2000;
	s7 =	simm.s32 $0x15400;
	s9 =	sadd.s32 $0x140, s0  }
0x427: {  	[hbm4b:s9+s12] =	stream.strided.scatter [tilespmem:s7], [sflag:$0x2], $0x400, s1, s12, $0x38;
	[tilespmem:$0x1E000] =	vst v63  }
0x428: {  	s6 =	sadd.s32 $0x1000, s0;
	s14 =	simm.s32 $0x15800;
	s15 =	sadd.s32 $0x180, s0  }
0x429: {  	[hbm4b:s15+s12] =	stream.strided.scatter [tilespmem:s14], [sflag:$0x2], $0x400, s1, s12, $0x38;
	[tilespmem:$0x1E000] =	vst v63  }
0x42a: {  	s7 =	simm.s32 $0x10000;
	s9 =	simm.s32 $0x15C00;
	s14 =	sadd.s32 $0x1C0, s0  }
.LBB2_46:
0x42b: {  	[hbm4b:s14+s12] =	stream.strided.scatter [tilespmem:s9], [sflag:$0x2], $0x400, s1, s12, $0x38;
	[tilespmem:$0x1E000] =	vst v63  }
0x42c: {  	s9 =	smov.u32 s5;
	s5 =	smov.u32 s7  }
0x42d: {  	s15 =	sadd.s32 $0x8000, s7;
	s5 =	sshra.s32 s5, $0x2;
	s14 =	sadd.s32 $0x14000, s9  }
0x42e: {  	[hbm4b:s6+s12] =	stream.strided.scatter [tilespmem:s14], [sflag:$0x2], $0x400, s1, s12, $0x38;
	[tilespmem:$0x1E000] =	vst v63  }
0x42f: {  	p0 =	sne.s32 s7, $0x20000;
	s7 =	sadd.s32 $0x14400, s9;
	s14 =	sadd.s32 $0x40, s6  }
0x430: {  	[hbm4b:s14+s12] =	stream.strided.scatter [tilespmem:s7], [sflag:$0x2], $0x400, s1, s12, $0x38;
	[tilespmem:$0x1E000] =	vst v63  }
0x431: {  	s7 =	sadd.s32 $0x14800, s9;
	s14 =	sadd.s32 $0x80, s6  }
0x432: {  	[hbm4b:s14+s12] =	stream.strided.scatter [tilespmem:s7], [sflag:$0x2], $0x400, s1, s12, $0x38;
	[tilespmem:$0x1E000] =	vst v63  }
0x433: {  	s7 =	sadd.s32 $0x14C00, s9;
	s14 =	sadd.s32 $0xC0, s6  }
0x434: {  	[hbm4b:s14+s12] =	stream.strided.scatter [tilespmem:s7], [sflag:$0x2], $0x400, s1, s12, $0x38;
	[tilespmem:$0x1E000] =	vst v63  }
0x435: {  	s7 =	sadd.s32 $0x15000, s9;
	s14 =	sadd.s32 $0x100, s6  }
0x436: {  	[hbm4b:s14+s12] =	stream.strided.scatter [tilespmem:s7], [sflag:$0x2], $0x400, s1, s12, $0x38;
	[tilespmem:$0x1E000] =	vst v63  }
.Ltmp22:
0x437: {  	s7 =	sadd.s32 $0x15400, s9;
	s14 =	sadd.s32 $0x140, s6;
	(pc) =	sbr.rel @p0 .LBB2_46-.Ltmp22, $4  }
0x438: {  	[hbm4b:s14+s12] =	stream.strided.scatter [tilespmem:s7], [sflag:$0x2], $0x400, s1, s12, $0x38;
	[tilespmem:$0x1E000] =	vst v63  }
0x439: {  	s7 =	sadd.s32 $0x15800, s9;
	s14 =	sadd.s32 $0x180, s6;
	s9 =	sadd.s32 $0x15C00, s9  }
0x43a: {  	[hbm4b:s14+s12] =	stream.strided.scatter [tilespmem:s7], [sflag:$0x2], $0x400, s1, s12, $0x38;
	[tilespmem:$0x1E000] =	vst v63  }
0x43b: {  	s14 =	sadd.s32 $0x1C0, s6;
	s6 =	sadd.s32 $0x1000, s6;
	s7 =	smov.u32 s15  }
0x43c: {  	[hbm4b:s14+s12] =	stream.strided.scatter [tilespmem:s9], [sflag:$0x2], $0x400, s1, s12, $0x38;
	[tilespmem:$0x1E000] =	vst v63  }
0x43d: {  	s7 =	sadd.s32 $0x14000, s5  }
0x43e: {  	[hbm4b:s6+s12] =	stream.strided.scatter [tilespmem:s7], [sflag:$0x2], $0x400, s1, s12, $0x38;
	[tilespmem:$0x1E000] =	vst v63  }
0x43f: {  	s14 =	sadd.s32 $0x14400, s5;
	s15 =	sadd.s32 $0x40, s6  }
0x440: {  	[hbm4b:s15+s12] =	stream.strided.scatter [tilespmem:s14], [sflag:$0x2], $0x400, s1, s12, $0x38;
	[tilespmem:$0x1E000] =	vst v63  }
0x441: {  	s14 =	sadd.s32 $0x14800, s5;
	s15 =	sadd.s32 $0x80, s6  }
0x442: {  	[hbm4b:s15+s12] =	stream.strided.scatter [tilespmem:s14], [sflag:$0x2], $0x400, s1, s12, $0x38;
	[tilespmem:$0x1E000] =	vst v63  }
0x443: {  	s14 =	sadd.s32 $0x14C00, s5;
	s15 =	sadd.s32 $0xC0, s6  }
0x444: {  	[hbm4b:s15+s12] =	stream.strided.scatter [tilespmem:s14], [sflag:$0x2], $0x400, s1, s12, $0x38;
	[tilespmem:$0x1E000] =	vst v63  }
0x445: {  	s14 =	sadd.s32 $0x15000, s5;
	s15 =	sadd.s32 $0x100, s6  }
0x446: {  	[hbm4b:s15+s12] =	stream.strided.scatter [tilespmem:s14], [sflag:$0x2], $0x400, s1, s12, $0x38;
	[tilespmem:$0x1E000] =	vst v63  }
0x447: {  	s14 =	sadd.s32 $0x15400, s5;
	s15 =	sadd.s32 $0x140, s6  }
0x448: {  	[hbm4b:s15+s12] =	stream.strided.scatter [tilespmem:s14], [sflag:$0x2], $0x400, s1, s12, $0x38;
	[tilespmem:$0x1E000] =	vst v63  }
0x449: {  	s14 =	sadd.s32 $0x15800, s5;
	s15 =	sadd.s32 $0x180, s6  }
0x44a: {  	[hbm4b:s15+s12] =	stream.strided.scatter [tilespmem:s14], [sflag:$0x2], $0x400, s1, s12, $0x38;
	[tilespmem:$0x1E000] =	vst v63  }
0x44b: {  	s14 =	sadd.s32 $0x15C00, s5;
	s15 =	sadd.s32 $0x1C0, s6  }
0x44c: {  	[hbm4b:s15+s12] =	stream.strided.scatter [tilespmem:s14], [sflag:$0x2], $0x400, s1, s12, $0x38;
	[tilespmem:$0x1E000] =	vst v63  }
0x44d: {  	s6 =	simm.s32 $0x14000  }
0x44e: {  	[hbm4b:s2+s12] =	stream.strided.scatter [tilespmem:s6], [sflag:$0x2], $0x400, s1, s12, $0x38;
	[tilespmem:$0x1E000] =	vst v63  }
0x44f: {  	s9 =	sadd.s32 $0x40, s2;
	s7 =	simm.s32 $0x14400  }
0x450: {  	[hbm4b:s9+s12] =	stream.strided.scatter [tilespmem:s7], [sflag:$0x2], $0x400, s1, s12, $0x38;
	[tilespmem:$0x1E000] =	vst v63  }
0x451: {  	s14 =	simm.s32 $0x14800;
	s15 =	sadd.s32 $0x80, s2  }
0x452: {  	[hbm4b:s15+s12] =	stream.strided.scatter [tilespmem:s14], [sflag:$0x2], $0x400, s1, s12, $0x38;
	[tilespmem:$0x1E000] =	vst v63  }
0x453: {  	s7 =	simm.s32 $0x14C00;
	s9 =	sadd.s32 $0xC0, s2  }
0x454: {  	[hbm4b:s9+s12] =	stream.strided.scatter [tilespmem:s7], [sflag:$0x2], $0x400, s1, s12, $0x38;
	[tilespmem:$0x1E000] =	vst v63  }
0x455: {  	s14 =	simm.s32 $0x15000;
	s15 =	sadd.s32 $0x100, s2  }
0x456: {  	[hbm4b:s15+s12] =	stream.strided.scatter [tilespmem:s14], [sflag:$0x2], $0x400, s1, s12, $0x38;
	[tilespmem:$0x1E000] =	vst v63  }
0x457: {  	s5 =	simm.s32 $0x2000;
	s7 =	simm.s32 $0x15400;
	s9 =	sadd.s32 $0x140, s2  }
0x458: {  	[hbm4b:s9+s12] =	stream.strided.scatter [tilespmem:s7], [sflag:$0x2], $0x400, s1, s12, $0x38;
	[tilespmem:$0x1E000] =	vst v63  }
0x459: {  	s6 =	sadd.s32 $0x1000, s2;
	s14 =	simm.s32 $0x15800;
	s15 =	sadd.s32 $0x180, s2  }
0x45a: {  	[hbm4b:s15+s12] =	stream.strided.scatter [tilespmem:s14], [sflag:$0x2], $0x400, s1, s12, $0x38;
	[tilespmem:$0x1E000] =	vst v63  }
0x45b: {  	s7 =	simm.s32 $0x10000;
	s9 =	simm.s32 $0x15C00;
	s14 =	sadd.s32 $0x1C0, s2  }
.LBB2_48:
0x45c: {  	[hbm4b:s14+s12] =	stream.strided.scatter [tilespmem:s9], [sflag:$0x2], $0x400, s1, s12, $0x38;
	[tilespmem:$0x1E000] =	vst v63  }
0x45d: {  	s9 =	smov.u32 s5;
	s5 =	smov.u32 s7  }
0x45e: {  	s15 =	sadd.s32 $0x8000, s7;
	s5 =	sshra.s32 s5, $0x2;
	s14 =	sadd.s32 $0x14000, s9  }
0x45f: {  	[hbm4b:s6+s12] =	stream.strided.scatter [tilespmem:s14], [sflag:$0x2], $0x400, s1, s12, $0x38;
	[tilespmem:$0x1E000] =	vst v63  }
0x460: {  	p0 =	sne.s32 s7, $0x20000;
	s7 =	sadd.s32 $0x14400, s9;
	s14 =	sadd.s32 $0x40, s6  }
0x461: {  	[hbm4b:s14+s12] =	stream.strided.scatter [tilespmem:s7], [sflag:$0x2], $0x400, s1, s12, $0x38;
	[tilespmem:$0x1E000] =	vst v63  }
0x462: {  	s7 =	sadd.s32 $0x14800, s9;
	s14 =	sadd.s32 $0x80, s6  }
0x463: {  	[hbm4b:s14+s12] =	stream.strided.scatter [tilespmem:s7], [sflag:$0x2], $0x400, s1, s12, $0x38;
	[tilespmem:$0x1E000] =	vst v63  }
0x464: {  	s7 =	sadd.s32 $0x14C00, s9;
	s14 =	sadd.s32 $0xC0, s6  }
0x465: {  	[hbm4b:s14+s12] =	stream.strided.scatter [tilespmem:s7], [sflag:$0x2], $0x400, s1, s12, $0x38;
	[tilespmem:$0x1E000] =	vst v63  }
0x466: {  	s7 =	sadd.s32 $0x15000, s9;
	s14 =	sadd.s32 $0x100, s6  }
0x467: {  	[hbm4b:s14+s12] =	stream.strided.scatter [tilespmem:s7], [sflag:$0x2], $0x400, s1, s12, $0x38;
	[tilespmem:$0x1E000] =	vst v63  }
.Ltmp23:
0x468: {  	s7 =	sadd.s32 $0x15400, s9;
	s14 =	sadd.s32 $0x140, s6;
	(pc) =	sbr.rel @p0 .LBB2_48-.Ltmp23, $4  }
0x469: {  	[hbm4b:s14+s12] =	stream.strided.scatter [tilespmem:s7], [sflag:$0x2], $0x400, s1, s12, $0x38;
	[tilespmem:$0x1E000] =	vst v63  }
0x46a: {  	s7 =	sadd.s32 $0x15800, s9;
	s14 =	sadd.s32 $0x180, s6;
	s9 =	sadd.s32 $0x15C00, s9  }
0x46b: {  	[hbm4b:s14+s12] =	stream.strided.scatter [tilespmem:s7], [sflag:$0x2], $0x400, s1, s12, $0x38;
	[tilespmem:$0x1E000] =	vst v63  }
0x46c: {  	s14 =	sadd.s32 $0x1C0, s6;
	s6 =	sadd.s32 $0x1000, s6;
	s7 =	smov.u32 s15  }
0x46d: {  	[hbm4b:s14+s12] =	stream.strided.scatter [tilespmem:s9], [sflag:$0x2], $0x400, s1, s12, $0x38;
	[tilespmem:$0x1E000] =	vst v63  }
0x46e: {  	s7 =	sadd.s32 $0x14000, s5  }
0x46f: {  	[hbm4b:s6+s12] =	stream.strided.scatter [tilespmem:s7], [sflag:$0x2], $0x400, s1, s12, $0x38;
	[tilespmem:$0x1E000] =	vst v63  }
0x470: {  	s14 =	sadd.s32 $0x14400, s5;
	s15 =	sadd.s32 $0x40, s6  }
0x471: {  	[hbm4b:s15+s12] =	stream.strided.scatter [tilespmem:s14], [sflag:$0x2], $0x400, s1, s12, $0x38;
	[tilespmem:$0x1E000] =	vst v63  }
0x472: {  	s14 =	sadd.s32 $0x14800, s5;
	s15 =	sadd.s32 $0x80, s6  }
0x473: {  	[hbm4b:s15+s12] =	stream.strided.scatter [tilespmem:s14], [sflag:$0x2], $0x400, s1, s12, $0x38;
	[tilespmem:$0x1E000] =	vst v63  }
0x474: {  	s14 =	sadd.s32 $0x14C00, s5;
	s15 =	sadd.s32 $0xC0, s6  }
0x475: {  	[hbm4b:s15+s12] =	stream.strided.scatter [tilespmem:s14], [sflag:$0x2], $0x400, s1, s12, $0x38;
	[tilespmem:$0x1E000] =	vst v63  }
0x476: {  	s14 =	sadd.s32 $0x15000, s5;
	s15 =	sadd.s32 $0x100, s6  }
0x477: {  	[hbm4b:s15+s12] =	stream.strided.scatter [tilespmem:s14], [sflag:$0x2], $0x400, s1, s12, $0x38;
	[tilespmem:$0x1E000] =	vst v63  }
0x478: {  	s14 =	sadd.s32 $0x15400, s5;
	s15 =	sadd.s32 $0x140, s6  }
0x479: {  	[hbm4b:s15+s12] =	stream.strided.scatter [tilespmem:s14], [sflag:$0x2], $0x400, s1, s12, $0x38;
	[tilespmem:$0x1E000] =	vst v63  }
0x47a: {  	s14 =	sadd.s32 $0x15800, s5;
	s15 =	sadd.s32 $0x180, s6  }
0x47b: {  	[hbm4b:s15+s12] =	stream.strided.scatter [tilespmem:s14], [sflag:$0x2], $0x400, s1, s12, $0x38;
	[tilespmem:$0x1E000] =	vst v63  }
0x47c: {  	s14 =	sadd.s32 $0x15C00, s5;
	s15 =	sadd.s32 $0x1C0, s6  }
0x47d: {  	[hbm4b:s15+s12] =	stream.strided.scatter [tilespmem:s14], [sflag:$0x2], $0x400, s1, s12, $0x38;
	[tilespmem:$0x1E000] =	vst v63  }
0x47e: {  	_ =	swait.ge [sflag:s13], $0x4000  }
0x47f: {  	[sflag:s13] =	ssyncset.done $0x0  }
0x480: {  	s14 =	simm.s32 $0x0;
	[sflag:s13] =	ssyncadd.s32 $0xFFFFC000  }
0x481: {  	[hbm4b:s3+s12] =	stream.strided.scatter [tilespmem:s14], [sflag:$0x2], $0x400, s1, s12, $0x38;
	[tilespmem:$0x1E000] =	vst v63  }
0x482: {  	s7 =	sadd.s32 $0x40, s3;
	s6 =	simm.s32 $0x400  }
0x483: {  	[hbm4b:s7+s12] =	stream.strided.scatter [tilespmem:s6], [sflag:$0x2], $0x400, s1, s12, $0x38;
	[tilespmem:$0x1E000] =	vst v63  }
0x484: {  	s9 =	sadd.s32 $0x80, s3;
	s7 =	simm.s32 $0x800  }
0x485: {  	[hbm4b:s9+s12] =	stream.strided.scatter [tilespmem:s7], [sflag:$0x2], $0x400, s1, s12, $0x38;
	[tilespmem:$0x1E000] =	vst v63  }
0x486: {  	s15 =	sadd.s32 $0xC0, s3;
	s9 =	simm.s32 $0xC00  }
0x487: {  	[hbm4b:s15+s12] =	stream.strided.scatter [tilespmem:s9], [sflag:$0x2], $0x400, s1, s12, $0x38;
	[tilespmem:$0x1E000] =	vst v63  }
0x488: {  	s15 =	sadd.s32 $0x100, s3  }
0x489: {  	[hbm4b:s15+s12] =	stream.strided.scatter [tilespmem:s1], [sflag:$0x2], $0x400, s1, s12, $0x38;
	[tilespmem:$0x1E000] =	vst v63  }
0x48a: {  	s5 =	sadd.s32 $0x140, s3;
	s15 =	simm.s32 $0x1400  }
0x48b: {  	[hbm4b:s5+s12] =	stream.strided.scatter [tilespmem:s15], [sflag:$0x2], $0x400, s1, s12, $0x38;
	[tilespmem:$0x1E000] =	vst v63  }
0x48c: {  	s5 =	sadd.s32 $0x180, s3  }
0x48d: {  	[hbm4b:s5+s12] =	stream.strided.scatter [tilespmem:s16], [sflag:$0x2], $0x400, s1, s12, $0x38;
	[tilespmem:$0x1E000] =	vst v63  }
0x48e: {  	s5 =	sadd.s32 $0x1C0, s3  }
0x48f: {  	[hbm4b:s5+s12] =	stream.strided.scatter [tilespmem:s17], [sflag:$0x2], $0x400, s1, s12, $0x38;
	[tilespmem:$0x1E000] =	vst v63  }
0x490: {  	s5 =	sadd.s32 $0x1000, s3  }
0x491: {  	[hbm4b:s5+s12] =	stream.strided.scatter [tilespmem:s18], [sflag:$0x2], $0x400, s1, s12, $0x38;
	[tilespmem:$0x1E000] =	vst v63  }
0x492: {  	s5 =	sadd.s32 $0x1040, s3  }
0x493: {  	[hbm4b:s5+s12] =	stream.strided.scatter [tilespmem:s19], [sflag:$0x2], $0x400, s1, s12, $0x38;
	[tilespmem:$0x1E000] =	vst v63  }
0x494: {  	s5 =	sadd.s32 $0x1080, s3  }
0x495: {  	[hbm4b:s5+s12] =	stream.strided.scatter [tilespmem:s20], [sflag:$0x2], $0x400, s1, s12, $0x38;
	[tilespmem:$0x1E000] =	vst v63  }
0x496: {  	s5 =	sadd.s32 $0x10C0, s3  }
0x497: {  	[hbm4b:s5+s12] =	stream.strided.scatter [tilespmem:s21], [sflag:$0x2], $0x400, s1, s12, $0x38;
	[tilespmem:$0x1E000] =	vst v63  }
0x498: {  	s5 =	sadd.s32 $0x1100, s3  }
0x499: {  	[hbm4b:s5+s12] =	stream.strided.scatter [tilespmem:s22], [sflag:$0x2], $0x400, s1, s12, $0x38;
	[tilespmem:$0x1E000] =	vst v63  }
0x49a: {  	s5 =	sadd.s32 $0x1140, s3  }
0x49b: {  	[hbm4b:s5+s12] =	stream.strided.scatter [tilespmem:s23], [sflag:$0x2], $0x400, s1, s12, $0x38;
	[tilespmem:$0x1E000] =	vst v63  }
0x49c: {  	s5 =	sadd.s32 $0x1180, s3  }
0x49d: {  	[hbm4b:s5+s12] =	stream.strided.scatter [tilespmem:s24], [sflag:$0x2], $0x400, s1, s12, $0x38;
	[tilespmem:$0x1E000] =	vst v63  }
0x49e: {  	s5 =	sadd.s32 $0x11C0, s3  }
0x49f: {  	[hbm4b:s5+s12] =	stream.strided.scatter [tilespmem:s25], [sflag:$0x2], $0x400, s1, s12, $0x38;
	[tilespmem:$0x1E000] =	vst v63  }
0x4a0: {  	_ = 	snop  }
0x4a1: {  	[hbm4b:s8+s12] =	stream.strided.scatter [tilespmem:s14], [sflag:$0x2], $0x400, s1, s12, $0x38;
	[tilespmem:$0x1E000] =	vst v63  }
0x4a2: {  	s5 =	sadd.s32 $0x40, s8  }
0x4a3: {  	[hbm4b:s5+s12] =	stream.strided.scatter [tilespmem:s6], [sflag:$0x2], $0x400, s1, s12, $0x38;
	[tilespmem:$0x1E000] =	vst v63  }
0x4a4: {  	s5 =	sadd.s32 $0x80, s8  }
0x4a5: {  	[hbm4b:s5+s12] =	stream.strided.scatter [tilespmem:s7], [sflag:$0x2], $0x400, s1, s12, $0x38;
	[tilespmem:$0x1E000] =	vst v63  }
0x4a6: {  	s5 =	sadd.s32 $0xC0, s8  }
0x4a7: {  	[hbm4b:s5+s12] =	stream.strided.scatter [tilespmem:s9], [sflag:$0x2], $0x400, s1, s12, $0x38;
	[tilespmem:$0x1E000] =	vst v63  }
0x4a8: {  	s5 =	sadd.s32 $0x100, s8  }
0x4a9: {  	[hbm4b:s5+s12] =	stream.strided.scatter [tilespmem:s1], [sflag:$0x2], $0x400, s1, s12, $0x38;
	[tilespmem:$0x1E000] =	vst v63  }
0x4aa: {  	s5 =	sadd.s32 $0x140, s8  }
0x4ab: {  	[hbm4b:s5+s12] =	stream.strided.scatter [tilespmem:s15], [sflag:$0x2], $0x400, s1, s12, $0x38;
	[tilespmem:$0x1E000] =	vst v63  }
0x4ac: {  	s5 =	sadd.s32 $0x180, s8  }
0x4ad: {  	[hbm4b:s5+s12] =	stream.strided.scatter [tilespmem:s16], [sflag:$0x2], $0x400, s1, s12, $0x38;
	[tilespmem:$0x1E000] =	vst v63  }
0x4ae: {  	s5 =	sadd.s32 $0x1C0, s8  }
0x4af: {  	[hbm4b:s5+s12] =	stream.strided.scatter [tilespmem:s17], [sflag:$0x2], $0x400, s1, s12, $0x38;
	[tilespmem:$0x1E000] =	vst v63  }
0x4b0: {  	s5 =	sadd.s32 $0x1000, s8  }
0x4b1: {  	[hbm4b:s5+s12] =	stream.strided.scatter [tilespmem:s18], [sflag:$0x2], $0x400, s1, s12, $0x38;
	[tilespmem:$0x1E000] =	vst v63  }
0x4b2: {  	s5 =	sadd.s32 $0x1040, s8  }
0x4b3: {  	[hbm4b:s5+s12] =	stream.strided.scatter [tilespmem:s19], [sflag:$0x2], $0x400, s1, s12, $0x38;
	[tilespmem:$0x1E000] =	vst v63  }
0x4b4: {  	s5 =	sadd.s32 $0x1080, s8  }
0x4b5: {  	[hbm4b:s5+s12] =	stream.strided.scatter [tilespmem:s20], [sflag:$0x2], $0x400, s1, s12, $0x38;
	[tilespmem:$0x1E000] =	vst v63  }
0x4b6: {  	s5 =	sadd.s32 $0x10C0, s8  }
0x4b7: {  	[hbm4b:s5+s12] =	stream.strided.scatter [tilespmem:s21], [sflag:$0x2], $0x400, s1, s12, $0x38;
	[tilespmem:$0x1E000] =	vst v63  }
0x4b8: {  	s5 =	sadd.s32 $0x1100, s8  }
0x4b9: {  	[hbm4b:s5+s12] =	stream.strided.scatter [tilespmem:s22], [sflag:$0x2], $0x400, s1, s12, $0x38;
	[tilespmem:$0x1E000] =	vst v63  }
0x4ba: {  	s5 =	sadd.s32 $0x1140, s8  }
0x4bb: {  	[hbm4b:s5+s12] =	stream.strided.scatter [tilespmem:s23], [sflag:$0x2], $0x400, s1, s12, $0x38;
	[tilespmem:$0x1E000] =	vst v63  }
0x4bc: {  	s5 =	sadd.s32 $0x1180, s8  }
0x4bd: {  	[hbm4b:s5+s12] =	stream.strided.scatter [tilespmem:s24], [sflag:$0x2], $0x400, s1, s12, $0x38;
	[tilespmem:$0x1E000] =	vst v63  }
0x4be: {  	s5 =	sadd.s32 $0x11C0, s8  }
0x4bf: {  	[hbm4b:s5+s12] =	stream.strided.scatter [tilespmem:s25], [sflag:$0x2], $0x400, s1, s12, $0x38;
	[tilespmem:$0x1E000] =	vst v63  }
0x4c0: {  	_ = 	snop  }
0x4c1: {  	[hbm4b:s10+s12] =	stream.strided.scatter [tilespmem:s14], [sflag:$0x2], $0x400, s1, s12, $0x38;
	[tilespmem:$0x1E000] =	vst v63  }
0x4c2: {  	s5 =	sadd.s32 $0x40, s10  }
0x4c3: {  	[hbm4b:s5+s12] =	stream.strided.scatter [tilespmem:s6], [sflag:$0x2], $0x400, s1, s12, $0x38;
	[tilespmem:$0x1E000] =	vst v63  }
0x4c4: {  	s5 =	sadd.s32 $0x80, s10  }
0x4c5: {  	[hbm4b:s5+s12] =	stream.strided.scatter [tilespmem:s7], [sflag:$0x2], $0x400, s1, s12, $0x38;
	[tilespmem:$0x1E000] =	vst v63  }
0x4c6: {  	s5 =	sadd.s32 $0xC0, s10  }
0x4c7: {  	[hbm4b:s5+s12] =	stream.strided.scatter [tilespmem:s9], [sflag:$0x2], $0x400, s1, s12, $0x38;
	[tilespmem:$0x1E000] =	vst v63  }
0x4c8: {  	s5 =	sadd.s32 $0x100, s10  }
0x4c9: {  	[hbm4b:s5+s12] =	stream.strided.scatter [tilespmem:s1], [sflag:$0x2], $0x400, s1, s12, $0x38;
	[tilespmem:$0x1E000] =	vst v63  }
0x4ca: {  	s5 =	sadd.s32 $0x140, s10  }
0x4cb: {  	[hbm4b:s5+s12] =	stream.strided.scatter [tilespmem:s15], [sflag:$0x2], $0x400, s1, s12, $0x38;
	[tilespmem:$0x1E000] =	vst v63  }
0x4cc: {  	s5 =	sadd.s32 $0x180, s10  }
0x4cd: {  	[hbm4b:s5+s12] =	stream.strided.scatter [tilespmem:s16], [sflag:$0x2], $0x400, s1, s12, $0x38;
	[tilespmem:$0x1E000] =	vst v63  }
0x4ce: {  	s5 =	sadd.s32 $0x1C0, s10  }
0x4cf: {  	[hbm4b:s5+s12] =	stream.strided.scatter [tilespmem:s17], [sflag:$0x2], $0x400, s1, s12, $0x38;
	[tilespmem:$0x1E000] =	vst v63  }
0x4d0: {  	s5 =	sadd.s32 $0x1000, s10  }
0x4d1: {  	[hbm4b:s5+s12] =	stream.strided.scatter [tilespmem:s18], [sflag:$0x2], $0x400, s1, s12, $0x38;
	[tilespmem:$0x1E000] =	vst v63  }
0x4d2: {  	s5 =	sadd.s32 $0x1040, s10  }
0x4d3: {  	[hbm4b:s5+s12] =	stream.strided.scatter [tilespmem:s19], [sflag:$0x2], $0x400, s1, s12, $0x38;
	[tilespmem:$0x1E000] =	vst v63  }
0x4d4: {  	s5 =	sadd.s32 $0x1080, s10  }
0x4d5: {  	[hbm4b:s5+s12] =	stream.strided.scatter [tilespmem:s20], [sflag:$0x2], $0x400, s1, s12, $0x38;
	[tilespmem:$0x1E000] =	vst v63  }
0x4d6: {  	s5 =	sadd.s32 $0x10C0, s10  }
0x4d7: {  	[hbm4b:s5+s12] =	stream.strided.scatter [tilespmem:s21], [sflag:$0x2], $0x400, s1, s12, $0x38;
	[tilespmem:$0x1E000] =	vst v63  }
0x4d8: {  	s5 =	sadd.s32 $0x1100, s10  }
0x4d9: {  	[hbm4b:s5+s12] =	stream.strided.scatter [tilespmem:s22], [sflag:$0x2], $0x400, s1, s12, $0x38;
	[tilespmem:$0x1E000] =	vst v63  }
0x4da: {  	s5 =	sadd.s32 $0x1140, s10  }
0x4db: {  	[hbm4b:s5+s12] =	stream.strided.scatter [tilespmem:s23], [sflag:$0x2], $0x400, s1, s12, $0x38;
	[tilespmem:$0x1E000] =	vst v63  }
0x4dc: {  	s5 =	sadd.s32 $0x1180, s10  }
0x4dd: {  	[hbm4b:s5+s12] =	stream.strided.scatter [tilespmem:s24], [sflag:$0x2], $0x400, s1, s12, $0x38;
	[tilespmem:$0x1E000] =	vst v63  }
0x4de: {  	s5 =	sadd.s32 $0x11C0, s10  }
0x4df: {  	[hbm4b:s5+s12] =	stream.strided.scatter [tilespmem:s25], [sflag:$0x2], $0x400, s1, s12, $0x38;
	[tilespmem:$0x1E000] =	vst v63  }
0x4e0: {  	_ = 	snop  }
0x4e1: {  	[hbm4b:s11+s12] =	stream.strided.scatter [tilespmem:s14], [sflag:$0x2], $0x400, s1, s12, $0x38;
	[tilespmem:$0x1E000] =	vst v63  }
0x4e2: {  	s5 =	sadd.s32 $0x40, s11  }
0x4e3: {  	[hbm4b:s5+s12] =	stream.strided.scatter [tilespmem:s6], [sflag:$0x2], $0x400, s1, s12, $0x38;
	[tilespmem:$0x1E000] =	vst v63  }
0x4e4: {  	s6 =	sadd.s32 $0x80, s11  }
0x4e5: {  	[hbm4b:s6+s12] =	stream.strided.scatter [tilespmem:s7], [sflag:$0x2], $0x400, s1, s12, $0x38;
	[tilespmem:$0x1E000] =	vst v63  }
0x4e6: {  	s6 =	sadd.s32 $0xC0, s11  }
0x4e7: {  	[hbm4b:s6+s12] =	stream.strided.scatter [tilespmem:s9], [sflag:$0x2], $0x400, s1, s12, $0x38;
	[tilespmem:$0x1E000] =	vst v63  }
0x4e8: {  	s7 =	sadd.s32 $0x100, s11  }
0x4e9: {  	[hbm4b:s7+s12] =	stream.strided.scatter [tilespmem:s1], [sflag:$0x2], $0x400, s1, s12, $0x38;
	[tilespmem:$0x1E000] =	vst v63  }
0x4ea: {  	s9 =	sadd.s32 $0x140, s11  }
0x4eb: {  	[hbm4b:s9+s12] =	stream.strided.scatter [tilespmem:s15], [sflag:$0x2], $0x400, s1, s12, $0x38;
	[tilespmem:$0x1E000] =	vst v63  }
0x4ec: {  	s6 =	sadd.s32 $0x180, s11  }
0x4ed: {  	[hbm4b:s6+s12] =	stream.strided.scatter [tilespmem:s16], [sflag:$0x2], $0x400, s1, s12, $0x38;
	[tilespmem:$0x1E000] =	vst v63  }
0x4ee: {  	s7 =	sadd.s32 $0x1C0, s11  }
0x4ef: {  	[hbm4b:s7+s12] =	stream.strided.scatter [tilespmem:s17], [sflag:$0x2], $0x400, s1, s12, $0x38;
	[tilespmem:$0x1E000] =	vst v63  }
0x4f0: {  	s9 =	sadd.s32 $0x1000, s11  }
0x4f1: {  	[hbm4b:s9+s12] =	stream.strided.scatter [tilespmem:s18], [sflag:$0x2], $0x400, s1, s12, $0x38;
	[tilespmem:$0x1E000] =	vst v63  }
0x4f2: {  	s15 =	sadd.s32 $0x1040, s11  }
0x4f3: {  	[hbm4b:s15+s12] =	stream.strided.scatter [tilespmem:s19], [sflag:$0x2], $0x400, s1, s12, $0x38;
	[tilespmem:$0x1E000] =	vst v63  }
0x4f4: {  	s6 =	sadd.s32 $0x1080, s11  }
0x4f5: {  	[hbm4b:s6+s12] =	stream.strided.scatter [tilespmem:s20], [sflag:$0x2], $0x400, s1, s12, $0x38;
	[tilespmem:$0x1E000] =	vst v63  }
0x4f6: {  	s7 =	sadd.s32 $0x10C0, s11  }
0x4f7: {  	[hbm4b:s7+s12] =	stream.strided.scatter [tilespmem:s21], [sflag:$0x2], $0x400, s1, s12, $0x38;
	[tilespmem:$0x1E000] =	vst v63  }
0x4f8: {  	s9 =	sadd.s32 $0x1100, s11  }
0x4f9: {  	[hbm4b:s9+s12] =	stream.strided.scatter [tilespmem:s22], [sflag:$0x2], $0x400, s1, s12, $0x38;
	[tilespmem:$0x1E000] =	vst v63  }
0x4fa: {  	s15 =	sadd.s32 $0x1140, s11  }
0x4fb: {  	[hbm4b:s15+s12] =	stream.strided.scatter [tilespmem:s23], [sflag:$0x2], $0x400, s1, s12, $0x38;
	[tilespmem:$0x1E000] =	vst v63  }
0x4fc: {  	s6 =	sadd.s32 $0x1180, s11  }
0x4fd: {  	[hbm4b:s6+s12] =	stream.strided.scatter [tilespmem:s24], [sflag:$0x2], $0x400, s1, s12, $0x38;
	[tilespmem:$0x1E000] =	vst v63  }
0x4fe: {  	s7 =	sadd.s32 $0x11C0, s11  }
0x4ff: {  	[hbm4b:s7+s12] =	stream.strided.scatter [tilespmem:s25], [sflag:$0x2], $0x400, s1, s12, $0x38;
	[tilespmem:$0x1E000] =	vst v63  }
0x500: {  	_ =	swait.ge [sflag:s4], $0xA000  }
0x501: {  	[sflag:s4] =	ssyncset.done $0x0  }
0x502: {  	[sflag:s4] =	ssyncadd.s32 $0xFFFF6000  }
0x503: {  	_ =	swait.ge [sflag:s4], $0xA000  }
0x504: {  	[sflag:s4] =	ssyncset.done $0x0  }
0x505: {  	[sflag:s4] =	ssyncadd.s32 $0xFFFF6000  }
0x506: {  	_ =	swait.ge [sflag:s4], $0xA000  }
0x507: {  	[sflag:s4] =	ssyncset.done $0x0  }
0x508: {  	[sflag:s4] =	ssyncadd.s32 $0xFFFF6000  }
0x509: {  	_ =	swait.ge [sflag:s4], $0xA000  }
0x50a: {  	[sflag:s4] =	ssyncset.done $0x0  }
0x50b: {  	[sflag:s4] =	ssyncadd.s32 $0xFFFF6000  }
0x50c: {  	_ =	swait.ge [sflag:s4], $0xA000  }
0x50d: {  	[sflag:s4] =	ssyncset.done $0x0  }
0x50e: {  	[sflag:s4] =	ssyncadd.s32 $0xFFFF6000  }
0x50f: {  	_ =	swait.ge [sflag:s4], $0xA000  }
0x510: {  	[sflag:s4] =	ssyncset.done $0x0  }
0x511: {  	[sflag:s4] =	ssyncadd.s32 $0xFFFF6000  }
0x512: {  	_ =	swait.ge [sflag:s4], $0xA000  }
0x513: {  	[sflag:s4] =	ssyncset.done $0x0  }
0x514: {  	[sflag:s4] =	ssyncadd.s32 $0xFFFF6000  }
0x515: {  	_ =	swait.ge [sflag:s4], $0xA000  }
0x516: {  	[sflag:s4] =	ssyncset.done $0x0  }
0x517: {  	[sflag:s4] =	ssyncadd.s32 $0xFFFF6000  }
0x518: {  	_ =	swait.ge [sflag:s4], $0x4000  }
0x519: {  	[sflag:s4] =	ssyncset.done $0x0  }
0x51a: {  	[sflag:s4] =	ssyncadd.s32 $0xFFFFC000  }
0x51b: {  	_ =	swait.ge [sflag:s4], $0x4000  }
0x51c: {  	[sflag:s4] =	ssyncset.done $0x0  }
0x51d: {  	[sflag:s4] =	ssyncadd.s32 $0xFFFFC000  }
0x51e: {  	_ =	swait.ge [sflag:s4], $0x4000  }
0x51f: {  	[sflag:s4] =	ssyncset.done $0x0  }
0x520: {  	[sflag:s4] =	ssyncadd.s32 $0xFFFFC000  }
0x521: {  	_ =	swait.ge [sflag:s4], $0x4000  }
0x522: {  	s9 =	rddreg [dreg:$0x1c]  }
0x523: {  	s15 =	rddreg [dreg:$0x11];
	s6 =	sadd.s32 $0x1, s9  }
0x524: {  	p0 =	sne.s32 s6, s15  }
.Ltmp24:
0x525: {  	_ = 	snop;
	(pc) =	sbr.rel @p0 .LBB2_1-.Ltmp24, $3  }
0x526: {  	_ =	sdelay $0x1  }
0x527: {  	[sflag:s4] =	ssyncset.done $0x0  }
0x528: {  	[sflag:s4] =	ssyncadd.s32 $0xFFFFC000  }
0x529: {  	_ =	sfence.sel $0x180000  }
0x52a: {  	[bflag:$0x0] =	sbarrier.arrive $0xFFFF  }
0x52b: {  	_ =	strace $0x90000047  }
0x52c: {  	s0 =	stileid.u32;
	[bflag:$0x2] =	sbarrier.arrive $0xFFFF  }
0x52d: {  	p0 =	sne.s32 s0, $0x0;
	s0 =	rddreg [dreg:$0x2]  }
0x52e: {  	s0 =	sadd.s32 @!p0 $0x100000, s0  }
0x52f: {  	[sflag:s0] =	ssyncadd.tile.s32 @!p0 $0x1;
	_ =	shalt  }
.Lfunc_end2:
_tile_overlayer_lowered:
.L_overlay_start_2:
0x530: {  	(tag) =	ssettag $0x2  }
0x531: {  	s0 =	rddreg [dreg:$0x0];
	s2 =	stileid.u32  }
0x532: {  	s1 =	rddreg [dreg:$0x1];
	p0 =	sne.s32 s2, $0x0  }
0x533: {  	s3 =	rddreg [dreg:$0x2];
	[bflag:$0x3] =	sbarrier.arrive $0xFFFF;
	s2 =	simm.s32 @!p0 $0x1C03  }
0x534: {  	[timem:s3], [sflag:s2] =	dma.local @!p0 [hbm:s0], s1  }
0x535: {  	s0 =	simm.s32 @!p0 $0x3  }
0x536: {  	_ =	swait.ge @!p0 [sflag:s0], s1  }
0x537: {  	s1 =	ssub.s32 @!p0 $0x0, s1;
	[sflag:s0] =	ssyncset.done @!p0 $0x0  }
0x538: {  	[sflag:s0] =	ssyncadd.s32 @!p0 s1  }
0x539: {  	[bflag:$0x3] =	sbarrier.arrive $0xFFFF  }
0x53a: {  	_ =	shalt  }

</sc_bundles>
